<compile_context>
chip_gen: v7x
topology: tpu7x:2x2x1
jax: 0.10.2.dev20260603
libtpu: 0.0.44.dev20260713+nightly
codegen_flags: <defaults>
</compile_context>

<pallas_src>
import functools

import jax
import jax.numpy as jnp
from jax import lax
from jax.experimental import pallas as pl
from jax.experimental.pallas import tpu as pltpu
from jax.experimental.pallas import tpu_sc as plsc

B = 16384
D = 32
NC = 2
NS = 16
NW = NC * NS
BPW = B // NW
NG = BPW // 16

_sc_mesh = plsc.VectorSubcoreMesh(core_axis_name="c", subcore_axis_name="s")


@functools.partial(
    pl.kernel,
    mesh=_sc_mesh,
    compiler_params=pltpu.CompilerParams(use_tc_tiling_on_sc=True),
    out_type=jax.ShapeDtypeStruct((B, 128), jnp.float32),
    scratch_types=[
        pltpu.VMEM((BPW,), jnp.int32),
        pltpu.VMEM((BPW,), jnp.int32),
        pltpu.VMEM((BPW, 128), jnp.float32),
        pltpu.SemaphoreType.DMA,
    ],
)
def _sc_gather(uids, mids, gue, gme, mue, mme, out_h,
               uidx_v, midx_v, pack_v, sem):
    wid = lax.axis_index("s") * NC + lax.axis_index("c")
    base = wid * BPW
    pltpu.sync_copy(uids.at[pl.ds(base, BPW)], uidx_v)
    pltpu.sync_copy(mids.at[pl.ds(base, BPW)], midx_v)

    def body(g, _):
        uvec = uidx_v[pl.ds(g * 16, 16)]
        mvec = midx_v[pl.ds(g * 16, 16)]
        for i in range(16):
            j = g * 16 + i
            ru = uvec[i]
            rm = mvec[i]
            pltpu.async_copy(gue.at[ru], pack_v.at[j, pl.ds(0, D)], sem)
            pltpu.async_copy(gme.at[rm], pack_v.at[j, pl.ds(D, D)], sem)
            pltpu.async_copy(mue.at[ru], pack_v.at[j, pl.ds(2 * D, D)], sem)
            pltpu.async_copy(mme.at[rm], pack_v.at[j, pl.ds(3 * D, D)], sem)
        return 0

    lax.fori_loop(0, NG, body, 0, unroll=False)
    pltpu.make_async_copy(out_h.at[pl.ds(base, BPW)], pack_v, sem).wait()
    pltpu.sync_copy(pack_v, out_h.at[pl.ds(base, BPW)])


BLK = 2048


def _tc_body(x, w1a, w1b, b1, w2, b2, wg, wh, bo, out_ref):
    f32 = jnp.float32
    gu = x[:, 0:D]
    gm = x[:, D:2 * D]
    mu = x[:, 2 * D:3 * D]
    mm = x[:, 3 * D:4 * D]
    h1 = jnp.dot(mu, w1a[...], preferred_element_type=f32)
    h1 = h1 + jnp.dot(mm, w1b[...], preferred_element_type=f32)
    h1 = jnp.maximum(h1 + b1[...], 0.0)
    h2 = jnp.maximum(jnp.dot(h1, w2[...], preferred_element_type=f32) + b2[...], 0.0)
    logit = jnp.dot(gu * gm, wg[...], preferred_element_type=f32)
    logit = logit + jnp.dot(h2, wh[...], preferred_element_type=f32)
    logit = logit + bo[...]
    out_ref[...] = 1.0 / (1.0 + jnp.exp(-logit))


def _tc_mlp(x, w1a, w1b, b1, W2, b2, wg, wh, bout):
    grid = B // BLK
    blk2 = lambda shape: pl.BlockSpec(shape, lambda i: (0, 0))
    blk1 = lambda shape: pl.BlockSpec(shape, lambda i: (0,))
    return pl.pallas_call(
        _tc_body,
        grid=(grid,),
        in_specs=[
            pl.BlockSpec((BLK, 128), lambda i: (i, 0)),
            blk2(w1a.shape), blk2(w1b.shape), blk1(b1.shape),
            blk2(W2.shape), blk1(b2.shape),
            blk2(wg.shape), blk2(wh.shape), blk1(bout.shape),
        ],
        out_specs=pl.BlockSpec((BLK, 1), lambda i: (i, 0)),
        out_shape=jax.ShapeDtypeStruct((B, 1), jnp.float32),
    )(x, w1a, w1b, b1, W2, b2, wg, wh, bout)


def kernel(user_ids, movie_ids, gmf_user_emb, gmf_movie_emb,
           mlp_user_emb, mlp_movie_emb, W1, b1, W2, b2, Wout, bout):
    x = _sc_gather(user_ids, movie_ids, gmf_user_emb, gmf_movie_emb,
                   mlp_user_emb, mlp_movie_emb)
    out = _tc_mlp(x, W1[:D], W1[D:], b1, W2, b2, Wout[:D], Wout[D:], bout)
    return out[:, 0]

# --- scband reference (transcript-rebuilt; emitter-appended) ---
"""Pipeline reference for scband-neural-collaborative-filtering-34986803593288 (READ-ONLY COPY).

The authoritative reference and input builder live on the scoring server;
editing this copy changes nothing except your own understanding.
"""

import jax, jax.numpy as jnp
import numpy as np

B = 16384
NU = 1000000
NM = 100000
D = 32
M0, M1, M2 = 64, 32, 16
MLP_EMB = M0 // 2

def setup_inputs(seed: int = 0) -> dict:
    key = jax.random.key(seed)
    ks = jax.random.split(key, 12)
    user_ids = jax.random.randint(ks[0], (B,), 0, NU, dtype=jnp.int32)
    movie_ids = jax.random.randint(ks[1], (B,), 0, NM, dtype=jnp.int32)
    gmf_user_emb = jax.random.normal(ks[2], (NU, D), dtype=jnp.float32) * 0.01
    gmf_movie_emb = jax.random.normal(ks[3], (NM, D), dtype=jnp.float32) * 0.01
    mlp_user_emb = jax.random.normal(ks[4], (NU, MLP_EMB), dtype=jnp.float32) * 0.01
    mlp_movie_emb = jax.random.normal(ks[5], (NM, MLP_EMB), dtype=jnp.float32) * 0.01
    W1 = jax.random.normal(ks[6], (M0, M1), dtype=jnp.float32) * (1.0 / np.sqrt(M0))
    b1 = jnp.zeros((M1,), dtype=jnp.float32)
    W2 = jax.random.normal(ks[7], (M1, M2), dtype=jnp.float32) * (1.0 / np.sqrt(M1))
    b2 = jnp.zeros((M2,), dtype=jnp.float32)
    Wout = jax.random.normal(ks[8], (D + M2, 1), dtype=jnp.float32) * (1.0 / np.sqrt(D + M2))
    bout = jnp.zeros((1,), dtype=jnp.float32)
    return {
        'user_ids': user_ids, 'movie_ids': movie_ids,
        'gmf_user_emb': gmf_user_emb, 'gmf_movie_emb': gmf_movie_emb,
        'mlp_user_emb': mlp_user_emb, 'mlp_movie_emb': mlp_movie_emb,
        'W1': W1, 'b1': b1, 'W2': W2, 'b2': b2, 'Wout': Wout, 'bout': bout,
    }

def reference(user_ids, movie_ids, gmf_user_emb, gmf_movie_emb, mlp_user_emb, mlp_movie_emb, W1, b1, W2, b2, Wout, bout):
    # GMF branch: elementwise product of user/movie embeddings
    gmf_user = jnp.take(gmf_user_emb, user_ids, axis=0)
    gmf_movie = jnp.take(gmf_movie_emb, movie_ids, axis=0)
    gmf_output = gmf_user * gmf_movie
    # MLP branch: concat embeddings, run through MLP (dropout = identity in eval)
    mlp_user = jnp.take(mlp_user_emb, user_ids, axis=0)
    mlp_movie = jnp.take(mlp_movie_emb, movie_ids, axis=0)
    mlp_input = jnp.concatenate([mlp_user, mlp_movie], axis=-1)
    h = jax.nn.relu(mlp_input @ W1 + b1)
    h = jax.nn.relu(h @ W2 + b2)
    concat = jnp.concatenate([gmf_output, h], axis=-1)
    output = concat @ Wout + bout
    prediction = jax.nn.sigmoid(output)
    return prediction.squeeze(-1)

if __name__ == "__main__":
    import jax
    _d = setup_inputs()
    print(jax.jit(kernel)(*tuple(_d.values())))

</pallas_src>

<mosaic_0001>
#map = affine_map<(d0, d1) -> (0)>
#map1 = affine_map<(d0, d1) -> (0, 0)>
module attributes {stable_mosaic.version = 14 : i64} {
  func.func @_sc_gather(%arg0: i32, %arg1: i32, %arg2: memref<16384xi32, #tpu.memory_space<hbm>>, %arg3: memref<16384xi32, #tpu.memory_space<hbm>>, %arg4: memref<1000000x32xf32, #tpu.memory_space<hbm>>, %arg5: memref<100000x32xf32, #tpu.memory_space<hbm>>, %arg6: memref<1000000x32xf32, #tpu.memory_space<hbm>>, %arg7: memref<100000x32xf32, #tpu.memory_space<hbm>>, %arg8: memref<16384x128xf32, #tpu.memory_space<hbm>>, %arg9: memref<512xi32, #tpu.memory_space<vmem>>, %arg10: memref<512xi32, #tpu.memory_space<vmem>>, %arg11: memref<512x128xf32, #tpu.memory_space<vmem>>, %arg12: memref<!tpu.dma_semaphore, #tpu.memory_space<semaphore_mem>>) attributes {dimension_semantics = [#tpu.dimension_semantics<core_parallel>, #tpu.dimension_semantics<subcore_parallel>], iteration_bounds = array<i64: 2, 16>, scalar_prefetch = 0 : i64, scratch_operands = 4 : i64, tpu.core_type = #tpu.core_type<sc_vector_subcore>, window_params = [{transform_indices = #map}, {transform_indices = #map}, {transform_indices = #map1}, {transform_indices = #map1}, {transform_indices = #map1}, {transform_indices = #map1}, {transform_indices = #map1}]} {
    %mul3A = arith.constant 2 : i32
    %mul3A_0 = arith.muli %arg1, %mul3A : i32
    %add3A = arith.addi %mul3A_0, %arg0 : i32
    %mul3A_1 = arith.constant 512 : i32
    %mul3A_2 = arith.muli %add3A, %mul3A_1 : i32
    "tpu.region"() ({
      %run_scoped3A = tpu.sem_alloc : memref<!tpu.dma_semaphore, #tpu.memory_space<semaphore_mem>>
      %dma_start3A = tpu.memref_slice %arg2[%mul3A_2] : memref<16384xi32, #tpu.memory_space<hbm>> -> memref<512xi32, #tpu.memory_space<hbm>>
      %dma_start3A_12 = tpu.memref_slice %arg2[%mul3A_2] : memref<16384xi32, #tpu.memory_space<hbm>> -> memref<512xi32, #tpu.memory_space<hbm>>
      tpu.enqueue_dma source(%dma_start3A_12 : memref<512xi32, #tpu.memory_space<hbm>>) target(%arg9 : memref<512xi32, #tpu.memory_space<vmem>>) target_semaphore(%run_scoped3A : memref<!tpu.dma_semaphore, #tpu.memory_space<semaphore_mem>>)
      %dma_wait3A_13 = tpu.memref_slice %arg2[%mul3A_2] : memref<16384xi32, #tpu.memory_space<hbm>> -> memref<512xi32, #tpu.memory_space<hbm>>
      %dma_wait3A_14 = tpu.memref_slice %arg2[%mul3A_2] : memref<16384xi32, #tpu.memory_space<hbm>> -> memref<512xi32, #tpu.memory_space<hbm>>
      tpu.wait_dma2 semaphore(%run_scoped3A : memref<!tpu.dma_semaphore, #tpu.memory_space<semaphore_mem>>) src(%dma_wait3A_14 : memref<512xi32, #tpu.memory_space<hbm>>) dst(%arg9 : memref<512xi32, #tpu.memory_space<vmem>>)
      tpu.yield
    }) : () -> ()
    "tpu.region"() ({
      %run_scoped3A = tpu.sem_alloc : memref<!tpu.dma_semaphore, #tpu.memory_space<semaphore_mem>>
      %dma_start3A = tpu.memref_slice %arg3[%mul3A_2] : memref<16384xi32, #tpu.memory_space<hbm>> -> memref<512xi32, #tpu.memory_space<hbm>>
      %dma_start3A_12 = tpu.memref_slice %arg3[%mul3A_2] : memref<16384xi32, #tpu.memory_space<hbm>> -> memref<512xi32, #tpu.memory_space<hbm>>
      tpu.enqueue_dma source(%dma_start3A_12 : memref<512xi32, #tpu.memory_space<hbm>>) target(%arg10 : memref<512xi32, #tpu.memory_space<vmem>>) target_semaphore(%run_scoped3A : memref<!tpu.dma_semaphore, #tpu.memory_space<semaphore_mem>>)
      %dma_wait3A_13 = tpu.memref_slice %arg3[%mul3A_2] : memref<16384xi32, #tpu.memory_space<hbm>> -> memref<512xi32, #tpu.memory_space<hbm>>
      %dma_wait3A_14 = tpu.memref_slice %arg3[%mul3A_2] : memref<16384xi32, #tpu.memory_space<hbm>> -> memref<512xi32, #tpu.memory_space<hbm>>
      tpu.wait_dma2 semaphore(%run_scoped3A : memref<!tpu.dma_semaphore, #tpu.memory_space<semaphore_mem>>) src(%dma_wait3A_14 : memref<512xi32, #tpu.memory_space<hbm>>) dst(%arg10 : memref<512xi32, #tpu.memory_space<vmem>>)
      tpu.yield
    }) : () -> ()
    %scan3A = arith.constant 0 : i32
    %scan3A_3 = arith.constant 0 : i32
    %scan3A_4 = arith.constant 32 : i32
    %scan3A_5 = arith.addi %scan3A_3, %scan3A_4 : i32
    %scan3A_6 = arith.constant 1 : i32
    %scan3A_7 = scf.for %scan3A_12 = %scan3A_3 to %scan3A_5 step %scan3A_6 iter_args(%scan3A_13 = %scan3A) -> (i32)  : i32 {
      %mul3A_14 = arith.constant 16 : i32
      %mul3A_15 = arith.muli %scan3A_12, %mul3A_14 : i32
      %get3A = arith.index_cast %mul3A_15 : i32 to index
      %get3A_16 = tpu.vector_load %arg9[%get3A] {strides = array<i32>} : memref<512xi32, #tpu.memory_space<vmem>>, vector<16xi32>,
      %get3A_17 = vector.shape_cast %get3A_16 : vector<16xi32> to vector<16xi32>
      %mul3A_18 = arith.constant 16 : i32
      %mul3A_19 = arith.muli %scan3A_12, %mul3A_18 : i32
      %get3A_20 = arith.index_cast %mul3A_19 : i32 to index
      %get3A_21 = tpu.vector_load %arg10[%get3A_20] {strides = array<i32>} : memref<512xi32, #tpu.memory_space<vmem>>, vector<16xi32>,
      %get3A_22 = vector.shape_cast %get3A_21 : vector<16xi32> to vector<16xi32>
      %mul3A_23 = arith.constant 16 : i32
      %mul3A_24 = arith.muli %scan3A_12, %mul3A_23 : i32
      %add3A_25 = arith.constant 0 : i32
      %add3A_26 = arith.addi %mul3A_24, %add3A_25 : i32
      %slice3A = vector.extract_strided_slice %get3A_17 {offsets = [0], sizes = [1], strides = [1]} : vector<16xi32> to vector<1xi32>
      %squeeze3A = vector.extract %slice3A[0] : i32 from vector<1xi32>
      %slice3A_27 = vector.extract_strided_slice %get3A_22 {offsets = [0], sizes = [1], strides = [1]} : vector<16xi32> to vector<1xi32>
      %squeeze3A_28 = vector.extract %slice3A_27[0] : i32 from vector<1xi32>
      %dma_start3A = arith.constant 0 : i32
      %dma_start3A_29 = tpu.memref_slice %arg11[%add3A_26, %dma_start3A] : memref<512x128xf32, #tpu.memory_space<vmem>> -> memref<1x32xf32, #tpu.memory_space<vmem>>
      %dma_start3A_30 = tpu.memref_squeeze %dma_start3A_29 : memref<1x32xf32, #tpu.memory_space<vmem>> -> memref<32xf32, #tpu.memory_space<vmem>>
      %dma_start3A_31 = arith.constant 0 : i32
      %dma_start3A_32 = tpu.memref_slice %arg4[%squeeze3A, %dma_start3A_31] : memref<1000000x32xf32, #tpu.memory_space<hbm>> -> memref<1x32xf32, #tpu.memory_space<hbm>>
      %dma_start3A_33 = tpu.memref_squeeze %dma_start3A_32 : memref<1x32xf32, #tpu.memory_space<hbm>> -> memref<32xf32, #tpu.memory_space<hbm>>
      %dma_start3A_34 = arith.constant 0 : i32
      %dma_start3A_35 = tpu.memref_slice %arg11[%add3A_26, %dma_start3A_34] : memref<512x128xf32, #tpu.memory_space<vmem>> -> memref<1x32xf32, #tpu.memory_space<vmem>>
      %dma_start3A_36 = tpu.memref_squeeze %dma_start3A_35 : memref<1x32xf32, #tpu.memory_space<vmem>> -> memref<32xf32, #tpu.memory_space<vmem>>
      %dma_start3A_37 = arith.constant 0 : i32
      %dma_start3A_38 = tpu.memref_slice %arg4[%squeeze3A, %dma_start3A_37] : memref<1000000x32xf32, #tpu.memory_space<hbm>> -> memref<1x32xf32, #tpu.memory_space<hbm>>
      %dma_start3A_39 = tpu.memref_squeeze %dma_start3A_38 : memref<1x32xf32, #tpu.memory_space<hbm>> -> memref<32xf32, #tpu.memory_space<hbm>>
      tpu.enqueue_dma source(%dma_start3A_39 : memref<32xf32, #tpu.memory_space<hbm>>) target(%dma_start3A_36 : memref<32xf32, #tpu.memory_space<vmem>>) target_semaphore(%arg12 : memref<!tpu.dma_semaphore, #tpu.memory_space<semaphore_mem>>)
      %dma_start3A_40 = arith.constant 32 : i32
      %dma_start3A_41 = tpu.memref_slice %arg11[%add3A_26, %dma_start3A_40] : memref<512x128xf32, #tpu.memory_space<vmem>> -> memref<1x32xf32, #tpu.memory_space<vmem>>
      %dma_start3A_42 = tpu.memref_squeeze %dma_start3A_41 : memref<1x32xf32, #tpu.memory_space<vmem>> -> memref<32xf32, #tpu.memory_space<vmem>>
      %dma_start3A_43 = arith.constant 0 : i32
      %dma_start3A_44 = tpu.memref_slice %arg5[%squeeze3A_28, %dma_start3A_43] : memref<100000x32xf32, #tpu.memory_space<hbm>> -> memref<1x32xf32, #tpu.memory_space<hbm>>
      %dma_start3A_45 = tpu.memref_squeeze %dma_start3A_44 : memref<1x32xf32, #tpu.memory_space<hbm>> -> memref<32xf32, #tpu.memory_space<hbm>>
      %dma_start3A_46 = arith.constant 32 : i32
      %dma_start3A_47 = tpu.memref_slice %arg11[%add3A_26, %dma_start3A_46] : memref<512x128xf32, #tpu.memory_space<vmem>> -> memref<1x32xf32, #tpu.memory_space<vmem>>
      %dma_start3A_48 = tpu.memref_squeeze %dma_start3A_47 : memref<1x32xf32, #tpu.memory_space<vmem>> -> memref<32xf32, #tpu.memory_space<vmem>>
      %dma_start3A_49 = arith.constant 0 : i32
      %dma_start3A_50 = tpu.memref_slice %arg5[%squeeze3A_28, %dma_start3A_49] : memref<100000x32xf32, #tpu.memory_space<hbm>> -> memref<1x32xf32, #tpu.memory_space<hbm>>
      %dma_start3A_51 = tpu.memref_squeeze %dma_start3A_50 : memref<1x32xf32, #tpu.memory_space<hbm>> -> memref<32xf32, #tpu.memory_space<hbm>>
      tpu.enqueue_dma source(%dma_start3A_51 : memref<32xf32, #tpu.memory_space<hbm>>) target(%dma_start3A_48 : memref<32xf32, #tpu.memory_space<vmem>>) target_semaphore(%arg12 : memref<!tpu.dma_semaphore, #tpu.memory_space<semaphore_mem>>)
      %dma_start3A_52 = arith.constant 64 : i32
      %dma_start3A_53 = tpu.memref_slice %arg11[%add3A_26, %dma_start3A_52] : memref<512x128xf32, #tpu.memory_space<vmem>> -> memref<1x32xf32, #tpu.memory_space<vmem>>
      %dma_start3A_54 = tpu.memref_squeeze %dma_start3A_53 : memref<1x32xf32, #tpu.memory_space<vmem>> -> memref<32xf32, #tpu.memory_space<vmem>>
      %dma_start3A_55 = arith.constant 0 : i32
      %dma_start3A_56 = tpu.memref_slice %arg6[%squeeze3A, %dma_start3A_55] : memref<1000000x32xf32, #tpu.memory_space<hbm>> -> memref<1x32xf32, #tpu.memory_space<hbm>>
      %dma_start3A_57 = tpu.memref_squeeze %dma_start3A_56 : memref<1x32xf32, #tpu.memory_space<hbm>> -> memref<32xf32, #tpu.memory_space<hbm>>
      %dma_start3A_58 = arith.constant 64 : i32
      %dma_start3A_59 = tpu.memref_slice %arg11[%add3A_26, %dma_start3A_58] : memref<512x128xf32, #tpu.memory_space<vmem>> -> memref<1x32xf32, #tpu.memory_space<vmem>>
      %dma_start3A_60 = tpu.memref_squeeze %dma_start3A_59 : memref<1x32xf32, #tpu.memory_space<vmem>> -> memref<32xf32, #tpu.memory_space<vmem>>
      %dma_start3A_61 = arith.constant 0 : i32
      %dma_start3A_62 = tpu.memref_slice %arg6[%squeeze3A, %dma_start3A_61] : memref<1000000x32xf32, #tpu.memory_space<hbm>> -> memref<1x32xf32, #tpu.memory_space<hbm>>
      %dma_start3A_63 = tpu.memref_squeeze %dma_start3A_62 : memref<1x32xf32, #tpu.memory_space<hbm>> -> memref<32xf32, #tpu.memory_space<hbm>>
      tpu.enqueue_dma source(%dma_start3A_63 : memref<32xf32, #tpu.memory_space<hbm>>) target(%dma_start3A_60 : memref<32xf32, #tpu.memory_space<vmem>>) target_semaphore(%arg12 : memref<!tpu.dma_semaphore, #tpu.memory_space<semaphore_mem>>)
      %dma_start3A_64 = arith.constant 96 : i32
      %dma_start3A_65 = tpu.memref_slice %arg11[%add3A_26, %dma_start3A_64] : memref<512x128xf32, #tpu.memory_space<vmem>> -> memref<1x32xf32, #tpu.memory_space<vmem>>
      %dma_start3A_66 = tpu.memref_squeeze %dma_start3A_65 : memref<1x32xf32, #tpu.memory_space<vmem>> -> memref<32xf32, #tpu.memory_space<vmem>>
      %dma_start3A_67 = arith.constant 0 : i32
      %dma_start3A_68 = tpu.memref_slice %arg7[%squeeze3A_28, %dma_start3A_67] : memref<100000x32xf32, #tpu.memory_space<hbm>> -> memref<1x32xf32, #tpu.memory_space<hbm>>
      %dma_start3A_69 = tpu.memref_squeeze %dma_start3A_68 : memref<1x32xf32, #tpu.memory_space<hbm>> -> memref<32xf32, #tpu.memory_space<hbm>>
      %dma_start3A_70 = arith.constant 96 : i32
      %dma_start3A_71 = tpu.memref_slice %arg11[%add3A_26, %dma_start3A_70] : memref<512x128xf32, #tpu.memory_space<vmem>> -> memref<1x32xf32, #tpu.memory_space<vmem>>
      %dma_start3A_72 = tpu.memref_squeeze %dma_start3A_71 : memref<1x32xf32, #tpu.memory_space<vmem>> -> memref<32xf32, #tpu.memory_space<vmem>>
      %dma_start3A_73 = arith.constant 0 : i32
      %dma_start3A_74 = tpu.memref_slice %arg7[%squeeze3A_28, %dma_start3A_73] : memref<100000x32xf32, #tpu.memory_space<hbm>> -> memref<1x32xf32, #tpu.memory_space<hbm>>
      %dma_start3A_75 = tpu.memref_squeeze %dma_start3A_74 : memref<1x32xf32, #tpu.memory_space<hbm>> -> memref<32xf32, #tpu.memory_space<hbm>>
      tpu.enqueue_dma source(%dma_start3A_75 : memref<32xf32, #tpu.memory_space<hbm>>) target(%dma_start3A_72 : memref<32xf32, #tpu.memory_space<vmem>>) target_semaphore(%arg12 : memref<!tpu.dma_semaphore, #tpu.memory_space<semaphore_mem>>)
      %mul3A_76 = arith.constant 16 : i32
      %mul3A_77 = arith.muli %scan3A_12, %mul3A_76 : i32
      %add3A_78 = arith.constant 1 : i32
      %add3A_79 = arith.addi %mul3A_77, %add3A_78 : i32
      %slice3A_80 = vector.extract_strided_slice %get3A_17 {offsets = [1], sizes = [1], strides = [1]} : vector<16xi32> to vector<1xi32>
      %squeeze3A_81 = vector.extract %slice3A_80[0] : i32 from vector<1xi32>
      %slice3A_82 = vector.extract_strided_slice %get3A_22 {offsets = [1], sizes = [1], strides = [1]} : vector<16xi32> to vector<1xi32>
      %squeeze3A_83 = vector.extract %slice3A_82[0] : i32 from vector<1xi32>
      %dma_start3A_84 = arith.constant 0 : i32
      %dma_start3A_85 = tpu.memref_slice %arg11[%add3A_79, %dma_start3A_84] : memref<512x128xf32, #tpu.memory_space<vmem>> -> memref<1x32xf32, #tpu.memory_space<vmem>>
      %dma_start3A_86 = tpu.memref_squeeze %dma_start3A_85 : memref<1x32xf32, #tpu.memory_space<vmem>> -> memref<32xf32, #tpu.memory_space<vmem>>
      %dma_start3A_87 = arith.constant 0 : i32
      %dma_start3A_88 = tpu.memref_slice %arg4[%squeeze3A_81, %dma_start3A_87] : memref<1000000x32xf32, #tpu.memory_space<hbm>> -> memref<1x32xf32, #tpu.memory_space<hbm>>
      %dma_start3A_89 = tpu.memref_squeeze %dma_start3A_88 : memref<1x32xf32, #tpu.memory_space<hbm>> -> memref<32xf32, #tpu.memory_space<hbm>>
      %dma_start3A_90 = arith.constant 0 : i32
      %dma_start3A_91 = tpu.memref_slice %arg11[%add3A_79, %dma_start3A_90] : memref<512x128xf32, #tpu.memory_space<vmem>> -> memref<1x32xf32, #tpu.memory_space<vmem>>
      %dma_start3A_92 = tpu.memref_squeeze %dma_start3A_91 : memref<1x32xf32, #tpu.memory_space<vmem>> -> memref<32xf32, #tpu.memory_space<vmem>>
      %dma_start3A_93 = arith.constant 0 : i32
      %dma_start3A_94 = tpu.memref_slice %arg4[%squeeze3A_81, %dma_start3A_93] : memref<1000000x32xf32, #tpu.memory_space<hbm>> -> memref<1x32xf32, #tpu.memory_space<hbm>>
      %dma_start3A_95 = tpu.memref_squeeze %dma_start3A_94 : memref<1x32xf32, #tpu.memory_space<hbm>> -> memref<32xf32, #tpu.memory_space<hbm>>
      tpu.enqueue_dma source(%dma_start3A_95 : memref<32xf32, #tpu.memory_space<hbm>>) target(%dma_start3A_92 : memref<32xf32, #tpu.memory_space<vmem>>) target_semaphore(%arg12 : memref<!tpu.dma_semaphore, #tpu.memory_space<semaphore_mem>>)
      %dma_start3A_96 = arith.constant 32 : i32
      %dma_start3A_97 = tpu.memref_slice %arg11[%add3A_79, %dma_start3A_96] : memref<512x128xf32, #tpu.memory_space<vmem>> -> memref<1x32xf32, #tpu.memory_space<vmem>>
      %dma_start3A_98 = tpu.memref_squeeze %dma_start3A_97 : memref<1x32xf32, #tpu.memory_space<vmem>> -> memref<32xf32, #tpu.memory_space<vmem>>
      %dma_start3A_99 = arith.constant 0 : i32
      %dma_start3A_100 = tpu.memref_slice %arg5[%squeeze3A_83, %dma_start3A_99] : memref<100000x32xf32, #tpu.memory_space<hbm>> -> memref<1x32xf32, #tpu.memory_space<hbm>>
      %dma_start3A_101 = tpu.memref_squeeze %dma_start3A_100 : memref<1x32xf32, #tpu.memory_space<hbm>> -> memref<32xf32, #tpu.memory_space<hbm>>
      %dma_start3A_102 = arith.constant 32 : i32
      %dma_start3A_103 = tpu.memref_slice %arg11[%add3A_79, %dma_start3A_102] : memref<512x128xf32, #tpu.memory_space<vmem>> -> memref<1x32xf32, #tpu.memory_space<vmem>>
      %dma_start3A_104 = tpu.memref_squeeze %dma_start3A_103 : memref<1x32xf32, #tpu.memory_space<vmem>> -> memref<32xf32, #tpu.memory_space<vmem>>
      %dma_start3A_105 = arith.constant 0 : i32
      %dma_start3A_106 = tpu.memref_slice %arg5[%squeeze3A_83, %dma_start3A_105] : memref<100000x32xf32, #tpu.memory_space<hbm>> -> memref<1x32xf32, #tpu.memory_space<hbm>>
      %dma_start3A_107 = tpu.memref_squeeze %dma_start3A_106 : memref<1x32xf32, #tpu.memory_space<hbm>> -> memref<32xf32, #tpu.memory_space<hbm>>
      tpu.enqueue_dma source(%dma_start3A_107 : memref<32xf32, #tpu.memory_space<hbm>>) target(%dma_start3A_104 : memref<32xf32, #tpu.memory_space<vmem>>) target_semaphore(%arg12 : memref<!tpu.dma_semaphore, #tpu.memory_space<semaphore_mem>>)
      %dma_start3A_108 = arith.constant 64 : i32
      %dma_start3A_109 = tpu.memref_slice %arg11[%add3A_79, %dma_start3A_108] : memref<512x128xf32, #tpu.memory_space<vmem>> -> memref<1x32xf32, #tpu.memory_space<vmem>>
      %dma_start3A_110 = tpu.memref_squeeze %dma_start3A_109 : memref<1x32xf32, #tpu.memory_space<vmem>> -> memref<32xf32, #tpu.memory_space<vmem>>
      %dma_start3A_111 = arith.constant 0 : i32
      %dma_start3A_112 = tpu.memref_slice %arg6[%squeeze3A_81, %dma_start3A_111] : memref<1000000x32xf32, #tpu.memory_space<hbm>> -> memref<1x32xf32, #tpu.memory_space<hbm>>
      %dma_start3A_113 = tpu.memref_squeeze %dma_start3A_112 : memref<1x32xf32, #tpu.memory_space<hbm>> -> memref<32xf32, #tpu.memory_space<hbm>>
      %dma_start3A_114 = arith.constant 64 : i32
      %dma_start3A_115 = tpu.memref_slice %arg11[%add3A_79, %dma_start3A_114] : memref<512x128xf32, #tpu.memory_space<vmem>> -> memref<1x32xf32, #tpu.memory_space<vmem>>
      %dma_start3A_116 = tpu.memref_squeeze %dma_start3A_115 : memref<1x32xf32, #tpu.memory_space<vmem>> -> memref<32xf32, #tpu.memory_space<vmem>>
      %dma_start3A_117 = arith.constant 0 : i32
      %dma_start3A_118 = tpu.memref_slice %arg6[%squeeze3A_81, %dma_start3A_117] : memref<1000000x32xf32, #tpu.memory_space<hbm>> -> memref<1x32xf32, #tpu.memory_space<hbm>>
      %dma_start3A_119 = tpu.memref_squeeze %dma_start3A_118 : memref<1x32xf32, #tpu.memory_space<hbm>> -> memref<32xf32, #tpu.memory_space<hbm>>
      tpu.enqueue_dma source(%dma_start3A_119 : memref<32xf32, #tpu.memory_space<hbm>>) target(%dma_start3A_116 : memref<32xf32, #tpu.memory_space<vmem>>) target_semaphore(%arg12 : memref<!tpu.dma_semaphore, #tpu.memory_space<semaphore_mem>>)
      %dma_start3A_120 = arith.constant 96 : i32
      %dma_start3A_121 = tpu.memref_slice %arg11[%add3A_79, %dma_start3A_120] : memref<512x128xf32, #tpu.memory_space<vmem>> -> memref<1x32xf32, #tpu.memory_space<vmem>>
      %dma_start3A_122 = tpu.memref_squeeze %dma_start3A_121 : memref<1x32xf32, #tpu.memory_space<vmem>> -> memref<32xf32, #tpu.memory_space<vmem>>
      %dma_start3A_123 = arith.constant 0 : i32
      %dma_start3A_124 = tpu.memref_slice %arg7[%squeeze3A_83, %dma_start3A_123] : memref<100000x32xf32, #tpu.memory_space<hbm>> -> memref<1x32xf32, #tpu.memory_space<hbm>>
      %dma_start3A_125 = tpu.memref_squeeze %dma_start3A_124 : memref<1x32xf32, #tpu.memory_space<hbm>> -> memref<32xf32, #tpu.memory_space<hbm>>
      %dma_start3A_126 = arith.constant 96 : i32
      %dma_start3A_127 = tpu.memref_slice %arg11[%add3A_79, %dma_start3A_126] : memref<512x128xf32, #tpu.memory_space<vmem>> -> memref<1x32xf32, #tpu.memory_space<vmem>>
      %dma_start3A_128 = tpu.memref_squeeze %dma_start3A_127 : memref<1x32xf32, #tpu.memory_space<vmem>> -> memref<32xf32, #tpu.memory_space<vmem>>
      %dma_start3A_129 = arith.constant 0 : i32
      %dma_start3A_130 = tpu.memref_slice %arg7[%squeeze3A_83, %dma_start3A_129] : memref<100000x32xf32, #tpu.memory_space<hbm>> -> memref<1x32xf32, #tpu.memory_space<hbm>>
      %dma_start3A_131 = tpu.memref_squeeze %dma_start3A_130 : memref<1x32xf32, #tpu.memory_space<hbm>> -> memref<32xf32, #tpu.memory_space<hbm>>
      tpu.enqueue_dma source(%dma_start3A_131 : memref<32xf32, #tpu.memory_space<hbm>>) target(%dma_start3A_128 : memref<32xf32, #tpu.memory_space<vmem>>) target_semaphore(%arg12 : memref<!tpu.dma_semaphore, #tpu.memory_space<semaphore_mem>>)
      %mul3A_132 = arith.constant 16 : i32
      %mul3A_133 = arith.muli %scan3A_12, %mul3A_132 : i32
      %add3A_134 = arith.constant 2 : i32
      %add3A_135 = arith.addi %mul3A_133, %add3A_134 : i32
      %slice3A_136 = vector.extract_strided_slice %get3A_17 {offsets = [2], sizes = [1], strides = [1]} : vector<16xi32> to vector<1xi32>
      %squeeze3A_137 = vector.extract %slice3A_136[0] : i32 from vector<1xi32>
      %slice3A_138 = vector.extract_strided_slice %get3A_22 {offsets = [2], sizes = [1], strides = [1]} : vector<16xi32> to vector<1xi32>
      %squeeze3A_139 = vector.extract %slice3A_138[0] : i32 from vector<1xi32>
      %dma_start3A_140 = arith.constant 0 : i32
      %dma_start3A_141 = tpu.memref_slice %arg11[%add3A_135, %dma_start3A_140] : memref<512x128xf32, #tpu.memory_space<vmem>> -> memref<1x32xf32, #tpu.memory_space<vmem>>
      %dma_start3A_142 = tpu.memref_squeeze %dma_start3A_141 : memref<1x32xf32, #tpu.memory_space<vmem>> -> memref<32xf32, #tpu.memory_space<vmem>>
      %dma_start3A_143 = arith.constant 0 : i32
      %dma_start3A_144 = tpu.memref_slice %arg4[%squeeze3A_137, %dma_start3A_143] : memref<1000000x32xf32, #tpu.memory_space<hbm>> -> memref<1x32xf32, #tpu.memory_space<hbm>>
      %dma_start3A_145 = tpu.memref_squeeze %dma_start3A_144 : memref<1x32xf32, #tpu.memory_space<hbm>> -> memref<32xf32, #tpu.memory_space<hbm>>
      %dma_start3A_146 = arith.constant 0 : i32
      %dma_start3A_147 = tpu.memref_slice %arg11[%add3A_135, %dma_start3A_146] : memref<512x128xf32, #tpu.memory_space<vmem>> -> memref<1x32xf32, #tpu.memory_space<vmem>>
      %dma_start3A_148 = tpu.memref_squeeze %dma_start3A_147 : memref<1x32xf32, #tpu.memory_space<vmem>> -> memref<32xf32, #tpu.memory_space<vmem>>
      %dma_start3A_149 = arith.constant 0 : i32
      %dma_start3A_150 = tpu.memref_slice %arg4[%squeeze3A_137, %dma_start3A_149] : memref<1000000x32xf32, #tpu.memory_space<hbm>> -> memref<1x32xf32, #tpu.memory_space<hbm>>
      %dma_start3A_151 = tpu.memref_squeeze %dma_start3A_150 : memref<1x32xf32, #tpu.memory_space<hbm>> -> memref<32xf32, #tpu.memory_space<hbm>>
      tpu.enqueue_dma source(%dma_start3A_151 : memref<32xf32, #tpu.memory_space<hbm>>) target(%dma_start3A_148 : memref<32xf32, #tpu.memory_space<vmem>>) target_semaphore(%arg12 : memref<!tpu.dma_semaphore, #tpu.memory_space<semaphore_mem>>)
      %dma_start3A_152 = arith.constant 32 : i32
      %dma_start3A_153 = tpu.memref_slice %arg11[%add3A_135, %dma_start3A_152] : memref<512x128xf32, #tpu.memory_space<vmem>> -> memref<1x32xf32, #tpu.memory_space<vmem>>
      %dma_start3A_154 = tpu.memref_squeeze %dma_start3A_153 : memref<1x32xf32, #tpu.memory_space<vmem>> -> memref<32xf32, #tpu.memory_space<vmem>>
      %dma_start3A_155 = arith.constant 0 : i32
      %dma_start3A_156 = tpu.memref_slice %arg5[%squeeze3A_139, %dma_start3A_155] : memref<100000x32xf32, #tpu.memory_space<hbm>> -> memref<1x32xf32, #tpu.memory_space<hbm>>
      %dma_start3A_157 = tpu.memref_squeeze %dma_start3A_156 : memref<1x32xf32, #tpu.memory_space<hbm>> -> memref<32xf32, #tpu.memory_space<hbm>>
      %dma_start3A_158 = arith.constant 32 : i32
      %dma_start3A_159 = tpu.memref_slice %arg11[%add3A_135, %dma_start3A_158] : memref<512x128xf32, #tpu.memory_space<vmem>> -> memref<1x32xf32, #tpu.memory_space<vmem>>
      %dma_start3A_160 = tpu.memref_squeeze %dma_start3A_159 : memref<1x32xf32, #tpu.memory_space<vmem>> -> memref<32xf32, #tpu.memory_space<vmem>>
      %dma_start3A_161 = arith.constant 0 : i32
      %dma_start3A_162 = tpu.memref_slice %arg5[%squeeze3A_139, %dma_start3A_161] : memref<100000x32xf32, #tpu.memory_space<hbm>> -> memref<1x32xf32, #tpu.memory_space<hbm>>
      %dma_start3A_163 = tpu.memref_squeeze %dma_start3A_162 : memref<1x32xf32, #tpu.memory_space<hbm>> -> memref<32xf32, #tpu.memory_space<hbm>>
      tpu.enqueue_dma source(%dma_start3A_163 : memref<32xf32, #tpu.memory_space<hbm>>) target(%dma_start3A_160 : memref<32xf32, #tpu.memory_space<vmem>>) target_semaphore(%arg12 : memref<!tpu.dma_semaphore, #tpu.memory_space<semaphore_mem>>)
      %dma_start3A_164 = arith.constant 64 : i32
      %dma_start3A_165 = tpu.memref_slice %arg11[%add3A_135, %dma_start3A_164] : memref<512x128xf32, #tpu.memory_space<vmem>> -> memref<1x32xf32, #tpu.memory_space<vmem>>
      %dma_start3A_166 = tpu.memref_squeeze %dma_start3A_165 : memref<1x32xf32, #tpu.memory_space<vmem>> -> memref<32xf32, #tpu.memory_space<vmem>>
      %dma_start3A_167 = arith.constant 0 : i32
      %dma_start3A_168 = tpu.memref_slice %arg6[%squeeze3A_137, %dma_start3A_167] : memref<1000000x32xf32, #tpu.memory_space<hbm>> -> memref<1x32xf32, #tpu.memory_space<hbm>>
      %dma_start3A_169 = tpu.memref_squeeze %dma_start3A_168 : memref<1x32xf32, #tpu.memory_space<hbm>> -> memref<32xf32, #tpu.memory_space<hbm>>
      %dma_start3A_170 = arith.constant 64 : i32
      %dma_start3A_171 = tpu.memref_slice %arg11[%add3A_135, %dma_start3A_170] : memref<512x128xf32, #tpu.memory_space<vmem>> -> memref<1x32xf32, #tpu.memory_space<vmem>>
      %dma_start3A_172 = tpu.memref_squeeze %dma_start3A_171 : memref<1x32xf32, #tpu.memory_space<vmem>> -> memref<32xf32, #tpu.memory_space<vmem>>
      %dma_start3A_173 = arith.constant 0 : i32
      %dma_start3A_174 = tpu.memref_slice %arg6[%squeeze3A_137, %dma_start3A_173] : memref<1000000x32xf32, #tpu.memory_space<hbm>> -> memref<1x32xf32, #tpu.memory_space<hbm>>
      %dma_start3A_175 = tpu.memref_squeeze %dma_start3A_174 : memref<1x32xf32, #tpu.memory_space<hbm>> -> memref<32xf32, #tpu.memory_space<hbm>>
      tpu.enqueue_dma source(%dma_start3A_175 : memref<32xf32, #tpu.memory_space<hbm>>) target(%dma_start3A_172 : memref<32xf32, #tpu.memory_space<vmem>>) target_semaphore(%arg12 : memref<!tpu.dma_semaphore, #tpu.memory_space<semaphore_mem>>)
      %dma_start3A_176 = arith.constant 96 : i32
      %dma_start3A_177 = tpu.memref_slice %arg11[%add3A_135, %dma_start3A_176] : memref<512x128xf32, #tpu.memory_space<vmem>> -> memref<1x32xf32, #tpu.memory_space<vmem>>
      %dma_start3A_178 = tpu.memref_squeeze %dma_start3A_177 : memref<1x32xf32, #tpu.memory_space<vmem>> -> memref<32xf32, #tpu.memory_space<vmem>>
      %dma_start3A_179 = arith.constant 0 : i32
      %dma_start3A_180 = tpu.memref_slice %arg7[%squeeze3A_139, %dma_start3A_179] : memref<100000x32xf32, #tpu.memory_space<hbm>> -> memref<1x32xf32, #tpu.memory_space<hbm>>
      %dma_start3A_181 = tpu.memref_squeeze %dma_start3A_180 : memref<1x32xf32, #tpu.memory_space<hbm>> -> memref<32xf32, #tpu.memory_space<hbm>>
      %dma_start3A_182 = arith.constant 96 : i32
      %dma_start3A_183 = tpu.memref_slice %arg11[%add3A_135, %dma_start3A_182] : memref<512x128xf32, #tpu.memory_space<vmem>> -> memref<1x32xf32, #tpu.memory_space<vmem>>
      %dma_start3A_184 = tpu.memref_squeeze %dma_start3A_183 : memref<1x32xf32, #tpu.memory_space<vmem>> -> memref<32xf32, #tpu.memory_space<vmem>>
      %dma_start3A_185 = arith.constant 0 : i32
      %dma_start3A_186 = tpu.memref_slice %arg7[%squeeze3A_139, %dma_start3A_185] : memref<100000x32xf32, #tpu.memory_space<hbm>> -> memref<1x32xf32, #tpu.memory_space<hbm>>
      %dma_start3A_187 = tpu.memref_squeeze %dma_start3A_186 : memref<1x32xf32, #tpu.memory_space<hbm>> -> memref<32xf32, #tpu.memory_space<hbm>>
      tpu.enqueue_dma source(%dma_start3A_187 : memref<32xf32, #tpu.memory_space<hbm>>) target(%dma_start3A_184 : memref<32xf32, #tpu.memory_space<vmem>>) target_semaphore(%arg12 : memref<!tpu.dma_semaphore, #tpu.memory_space<semaphore_mem>>)
      %mul3A_188 = arith.constant 16 : i32
      %mul3A_189 = arith.muli %scan3A_12, %mul3A_188 : i32
      %add3A_190 = arith.constant 3 : i32
      %add3A_191 = arith.addi %mul3A_189, %add3A_190 : i32
      %slice3A_192 = vector.extract_strided_slice %get3A_17 {offsets = [3], sizes = [1], strides = [1]} : vector<16xi32> to vector<1xi32>
      %squeeze3A_193 = vector.extract %slice3A_192[0] : i32 from vector<1xi32>
      %slice3A_194 = vector.extract_strided_slice %get3A_22 {offsets = [3], sizes = [1], strides = [1]} : vector<16xi32> to vector<1xi32>
      %squeeze3A_195 = vector.extract %slice3A_194[0] : i32 from vector<1xi32>
      %dma_start3A_196 = arith.constant 0 : i32
      %dma_start3A_197 = tpu.memref_slice %arg11[%add3A_191, %dma_start3A_196] : memref<512x128xf32, #tpu.memory_space<vmem>> -> memref<1x32xf32, #tpu.memory_space<vmem>>
      %dma_start3A_198 = tpu.memref_squeeze %dma_start3A_197 : memref<1x32xf32, #tpu.memory_space<vmem>> -> memref<32xf32, #tpu.memory_space<vmem>>
      %dma_start3A_199 = arith.constant 0 : i32
      %dma_start3A_200 = tpu.memref_slice %arg4[%squeeze3A_193, %dma_start3A_199] : memref<1000000x32xf32, #tpu.memory_space<hbm>> -> memref<1x32xf32, #tpu.memory_space<hbm>>
      %dma_start3A_201 = tpu.memref_squeeze %dma_start3A_200 : memref<1x32xf32, #tpu.memory_space<hbm>> -> memref<32xf32, #tpu.memory_space<hbm>>
      %dma_start3A_202 = arith.constant 0 : i32
      %dma_start3A_203 = tpu.memref_slice %arg11[%add3A_191, %dma_start3A_202] : memref<512x128xf32, #tpu.memory_space<vmem>> -> memref<1x32xf32, #tpu.memory_space<vmem>>
      %dma_start3A_204 = tpu.memref_squeeze %dma_start3A_203 : memref<1x32xf32, #tpu.memory_space<vmem>> -> memref<32xf32, #tpu.memory_space<vmem>>
      %dma_start3A_205 = arith.constant 0 : i32
      %dma_start3A_206 = tpu.memref_slice %arg4[%squeeze3A_193, %dma_start3A_205] : memref<1000000x32xf32, #tpu.memory_space<hbm>> -> memref<1x32xf32, #tpu.memory_space<hbm>>
      %dma_start3A_207 = tpu.memref_squeeze %dma_start3A_206 : memref<1x32xf32, #tpu.memory_space<hbm>> -> memref<32xf32, #tpu.memory_space<hbm>>
      tpu.enqueue_dma source(%dma_start3A_207 : memref<32xf32, #tpu.memory_space<hbm>>) target(%dma_start3A_204 : memref<32xf32, #tpu.memory_space<vmem>>) target_semaphore(%arg12 : memref<!tpu.dma_semaphore, #tpu.memory_space<semaphore_mem>>)
      %dma_start3A_208 = arith.constant 32 : i32
      %dma_start3A_209 = tpu.memref_slice %arg11[%add3A_191, %dma_start3A_208] : memref<512x128xf32, #tpu.memory_space<vmem>> -> memref<1x32xf32, #tpu.memory_space<vmem>>
      %dma_start3A_210 = tpu.memref_squeeze %dma_start3A_209 : memref<1x32xf32, #tpu.memory_space<vmem>> -> memref<32xf32, #tpu.memory_space<vmem>>
      %dma_start3A_211 = arith.constant 0 : i32
      %dma_start3A_212 = tpu.memref_slice %arg5[%squeeze3A_195, %dma_start3A_211] : memref<100000x32xf32, #tpu.memory_space<hbm>> -> memref<1x32xf32, #tpu.memory_space<hbm>>
      %dma_start3A_213 = tpu.memref_squeeze %dma_start3A_212 : memref<1x32xf32, #tpu.memory_space<hbm>> -> memref<32xf32, #tpu.memory_space<hbm>>
      %dma_start3A_214 = arith.constant 32 : i32
      %dma_start3A_215 = tpu.memref_slice %arg11[%add3A_191, %dma_start3A_214] : memref<512x128xf32, #tpu.memory_space<vmem>> -> memref<1x32xf32, #tpu.memory_space<vmem>>
      %dma_start3A_216 = tpu.memref_squeeze %dma_start3A_215 : memref<1x32xf32, #tpu.memory_space<vmem>> -> memref<32xf32, #tpu.memory_space<vmem>>
      %dma_start3A_217 = arith.constant 0 : i32
      %dma_start3A_218 = tpu.memref_slice %arg5[%squeeze3A_195, %dma_start3A_217] : memref<100000x32xf32, #tpu.memory_space<hbm>> -> memref<1x32xf32, #tpu.memory_space<hbm>>
      %dma_start3A_219 = tpu.memref_squeeze %dma_start3A_218 : memref<1x32xf32, #tpu.memory_space<hbm>> -> memref<32xf32, #tpu.memory_space<hbm>>
      tpu.enqueue_dma source(%dma_start3A_219 : memref<32xf32, #tpu.memory_space<hbm>>) target(%dma_start3A_216 : memref<32xf32, #tpu.memory_space<vmem>>) target_semaphore(%arg12 : memref<!tpu.dma_semaphore, #tpu.memory_space<semaphore_mem>>)
      %dma_start3A_220 = arith.constant 64 : i32
      %dma_start3A_221 = tpu.memref_slice %arg11[%add3A_191, %dma_start3A_220] : memref<512x128xf32, #tpu.memory_space<vmem>> -> memref<1x32xf32, #tpu.memory_space<vmem>>
      %dma_start3A_222 = tpu.memref_squeeze %dma_start3A_221 : memref<1x32xf32, #tpu.memory_space<vmem>> -> memref<32xf32, #tpu.memory_space<vmem>>
      %dma_start3A_223 = arith.constant 0 : i32
      %dma_start3A_224 = tpu.memref_slice %arg6[%squeeze3A_193, %dma_start3A_223] : memref<1000000x32xf32, #tpu.memory_space<hbm>> -> memref<1x32xf32, #tpu.memory_space<hbm>>
      %dma_start3A_225 = tpu.memref_squeeze %dma_start3A_224 : memref<1x32xf32, #tpu.memory_space<hbm>> -> memref<32xf32, #tpu.memory_space<hbm>>
      %dma_start3A_226 = arith.constant 64 : i32
      %dma_start3A_227 = tpu.memref_slice %arg11[%add3A_191, %dma_start3A_226] : memref<512x128xf32, #tpu.memory_space<vmem>> -> memref<1x32xf32, #tpu.memory_space<vmem>>
      %dma_start3A_228 = tpu.memref_squeeze %dma_start3A_227 : memref<1x32xf32, #tpu.memory_space<vmem>> -> memref<32xf32, #tpu.memory_space<vmem>>
      %dma_start3A_229 = arith.constant 0 : i32
      %dma_start3A_230 = tpu.memref_slice %arg6[%squeeze3A_193, %dma_start3A_229] : memref<1000000x32xf32, #tpu.memory_space<hbm>> -> memref<1x32xf32, #tpu.memory_space<hbm>>
      %dma_start3A_231 = tpu.memref_squeeze %dma_start3A_230 : memref<1x32xf32, #tpu.memory_space<hbm>> -> memref<32xf32, #tpu.memory_space<hbm>>
      tpu.enqueue_dma source(%dma_start3A_231 : memref<32xf32, #tpu.memory_space<hbm>>) target(%dma_start3A_228 : memref<32xf32, #tpu.memory_space<vmem>>) target_semaphore(%arg12 : memref<!tpu.dma_semaphore, #tpu.memory_space<semaphore_mem>>)
      %dma_start3A_232 = arith.constant 96 : i32
      %dma_start3A_233 = tpu.memref_slice %arg11[%add3A_191, %dma_start3A_232] : memref<512x128xf32, #tpu.memory_space<vmem>> -> memref<1x32xf32, #tpu.memory_space<vmem>>
      %dma_start3A_234 = tpu.memref_squeeze %dma_start3A_233 : memref<1x32xf32, #tpu.memory_space<vmem>> -> memref<32xf32, #tpu.memory_space<vmem>>
      %dma_start3A_235 = arith.constant 0 : i32
      %dma_start3A_236 = tpu.memref_slice %arg7[%squeeze3A_195, %dma_start3A_235] : memref<100000x32xf32, #tpu.memory_space<hbm>> -> memref<1x32xf32, #tpu.memory_space<hbm>>
      %dma_start3A_237 = tpu.memref_squeeze %dma_start3A_236 : memref<1x32xf32, #tpu.memory_space<hbm>> -> memref<32xf32, #tpu.memory_space<hbm>>
      %dma_start3A_238 = arith.constant 96 : i32
      %dma_start3A_239 = tpu.memref_slice %arg11[%add3A_191, %dma_start3A_238] : memref<512x128xf32, #tpu.memory_space<vmem>> -> memref<1x32xf32, #tpu.memory_space<vmem>>
      %dma_start3A_240 = tpu.memref_squeeze %dma_start3A_239 : memref<1x32xf32, #tpu.memory_space<vmem>> -> memref<32xf32, #tpu.memory_space<vmem>>
      %dma_start3A_241 = arith.constant 0 : i32
      %dma_start3A_242 = tpu.memref_slice %arg7[%squeeze3A_195, %dma_start3A_241] : memref<100000x32xf32, #tpu.memory_space<hbm>> -> memref<1x32xf32, #tpu.memory_space<hbm>>
      %dma_start3A_243 = tpu.memref_squeeze %dma_start3A_242 : memref<1x32xf32, #tpu.memory_space<hbm>> -> memref<32xf32, #tpu.memory_space<hbm>>
      tpu.enqueue_dma source(%dma_start3A_243 : memref<32xf32, #tpu.memory_space<hbm>>) target(%dma_start3A_240 : memref<32xf32, #tpu.memory_space<vmem>>) target_semaphore(%arg12 : memref<!tpu.dma_semaphore, #tpu.memory_space<semaphore_mem>>)
      %mul3A_244 = arith.constant 16 : i32
      %mul3A_245 = arith.muli %scan3A_12, %mul3A_244 : i32
      %add3A_246 = arith.constant 4 : i32
      %add3A_247 = arith.addi %mul3A_245, %add3A_246 : i32
      %slice3A_248 = vector.extract_strided_slice %get3A_17 {offsets = [4], sizes = [1], strides = [1]} : vector<16xi32> to vector<1xi32>
      %squeeze3A_249 = vector.extract %slice3A_248[0] : i32 from vector<1xi32>
      %slice3A_250 = vector.extract_strided_slice %get3A_22 {offsets = [4], sizes = [1], strides = [1]} : vector<16xi32> to vector<1xi32>
      %squeeze3A_251 = vector.extract %slice3A_250[0] : i32 from vector<1xi32>
      %dma_start3A_252 = arith.constant 0 : i32
      %dma_start3A_253 = tpu.memref_slice %arg11[%add3A_247, %dma_start3A_252] : memref<512x128xf32, #tpu.memory_space<vmem>> -> memref<1x32xf32, #tpu.memory_space<vmem>>
      %dma_start3A_254 = tpu.memref_squeeze %dma_start3A_253 : memref<1x32xf32, #tpu.memory_space<vmem>> -> memref<32xf32, #tpu.memory_space<vmem>>
      %dma_start3A_255 = arith.constant 0 : i32
      %dma_start3A_256 = tpu.memref_slice %arg4[%squeeze3A_249, %dma_start3A_255] : memref<1000000x32xf32, #tpu.memory_space<hbm>> -> memref<1x32xf32, #tpu.memory_space<hbm>>
      %dma_start3A_257 = tpu.memref_squeeze %dma_start3A_256 : memref<1x32xf32, #tpu.memory_space<hbm>> -> memref<32xf32, #tpu.memory_space<hbm>>
      %dma_start3A_258 = arith.constant 0 : i32
      %dma_start3A_259 = tpu.memref_slice %arg11[%add3A_247, %dma_start3A_258] : memref<512x128xf32, #tpu.memory_space<vmem>> -> memref<1x32xf32, #tpu.memory_space<vmem>>
      %dma_start3A_260 = tpu.memref_squeeze %dma_start3A_259 : memref<1x32xf32, #tpu.memory_space<vmem>> -> memref<32xf32, #tpu.memory_space<vmem>>
      %dma_start3A_261 = arith.constant 0 : i32
      %dma_start3A_262 = tpu.memref_slice %arg4[%squeeze3A_249, %dma_start3A_261] : memref<1000000x32xf32, #tpu.memory_space<hbm>> -> memref<1x32xf32, #tpu.memory_space<hbm>>
      %dma_start3A_263 = tpu.memref_squeeze %dma_start3A_262 : memref<1x32xf32, #tpu.memory_space<hbm>> -> memref<32xf32, #tpu.memory_space<hbm>>
      tpu.enqueue_dma source(%dma_start3A_263 : memref<32xf32, #tpu.memory_space<hbm>>) target(%dma_start3A_260 : memref<32xf32, #tpu.memory_space<vmem>>) target_semaphore(%arg12 : memref<!tpu.dma_semaphore, #tpu.memory_space<semaphore_mem>>)
      %dma_start3A_264 = arith.constant 32 : i32
      %dma_start3A_265 = tpu.memref_slice %arg11[%add3A_247, %dma_start3A_264] : memref<512x128xf32, #tpu.memory_space<vmem>> -> memref<1x32xf32, #tpu.memory_space<vmem>>
      %dma_start3A_266 = tpu.memref_squeeze %dma_start3A_265 : memref<1x32xf32, #tpu.memory_space<vmem>> -> memref<32xf32, #tpu.memory_space<vmem>>
      %dma_start3A_267 = arith.constant 0 : i32
      %dma_start3A_268 = tpu.memref_slice %arg5[%squeeze3A_251, %dma_start3A_267] : memref<100000x32xf32, #tpu.memory_space<hbm>> -> memref<1x32xf32, #tpu.memory_space<hbm>>
      %dma_start3A_269 = tpu.memref_squeeze %dma_start3A_268 : memref<1x32xf32, #tpu.memory_space<hbm>> -> memref<32xf32, #tpu.memory_space<hbm>>
      %dma_start3A_270 = arith.constant 32 : i32
      %dma_start3A_271 = tpu.memref_slice %arg11[%add3A_247, %dma_start3A_270] : memref<512x128xf32, #tpu.memory_space<vmem>> -> memref<1x32xf32, #tpu.memory_space<vmem>>
      %dma_start3A_272 = tpu.memref_squeeze %dma_start3A_271 : memref<1x32xf32, #tpu.memory_space<vmem>> -> memref<32xf32, #tpu.memory_space<vmem>>
      %dma_start3A_273 = arith.constant 0 : i32
      %dma_start3A_274 = tpu.memref_slice %arg5[%squeeze3A_251, %dma_start3A_273] : memref<100000x32xf32, #tpu.memory_space<hbm>> -> memref<1x32xf32, #tpu.memory_space<hbm>>
      %dma_start3A_275 = tpu.memref_squeeze %dma_start3A_274 : memref<1x32xf32, #tpu.memory_space<hbm>> -> memref<32xf32, #tpu.memory_space<hbm>>
      tpu.enqueue_dma source(%dma_start3A_275 : memref<32xf32, #tpu.memory_space<hbm>>) target(%dma_start3A_272 : memref<32xf32, #tpu.memory_space<vmem>>) target_semaphore(%arg12 : memref<!tpu.dma_semaphore, #tpu.memory_space<semaphore_mem>>)
      %dma_start3A_276 = arith.constant 64 : i32
      %dma_start3A_277 = tpu.memref_slice %arg11[%add3A_247, %dma_start3A_276] : memref<512x128xf32, #tpu.memory_space<vmem>> -> memref<1x32xf32, #tpu.memory_space<vmem>>
      %dma_start3A_278 = tpu.memref_squeeze %dma_start3A_277 : memref<1x32xf32, #tpu.memory_space<vmem>> -> memref<32xf32, #tpu.memory_space<vmem>>
      %dma_start3A_279 = arith.constant 0 : i32
      %dma_start3A_280 = tpu.memref_slice %arg6[%squeeze3A_249, %dma_start3A_279] : memref<1000000x32xf32, #tpu.memory_space<hbm>> -> memref<1x32xf32, #tpu.memory_space<hbm>>
      %dma_start3A_281 = tpu.memref_squeeze %dma_start3A_280 : memref<1x32xf32, #tpu.memory_space<hbm>> -> memref<32xf32, #tpu.memory_space<hbm>>
      %dma_start3A_282 = arith.constant 64 : i32
      %dma_start3A_283 = tpu.memref_slice %arg11[%add3A_247, %dma_start3A_282] : memref<512x128xf32, #tpu.memory_space<vmem>> -> memref<1x32xf32, #tpu.memory_space<vmem>>
      %dma_start3A_284 = tpu.memref_squeeze %dma_start3A_283 : memref<1x32xf32, #tpu.memory_space<vmem>> -> memref<32xf32, #tpu.memory_space<vmem>>
      %dma_start3A_285 = arith.constant 0 : i32
      %dma_start3A_286 = tpu.memref_slice %arg6[%squeeze3A_249, %dma_start3A_285] : memref<1000000x32xf32, #tpu.memory_space<hbm>> -> memref<1x32xf32, #tpu.memory_space<hbm>>
      %dma_start3A_287 = tpu.memref_squeeze %dma_start3A_286 : memref<1x32xf32, #tpu.memory_space<hbm>> -> memref<32xf32, #tpu.memory_space<hbm>>
      tpu.enqueue_dma source(%dma_start3A_287 : memref<32xf32, #tpu.memory_space<hbm>>) target(%dma_start3A_284 : memref<32xf32, #tpu.memory_space<vmem>>) target_semaphore(%arg12 : memref<!tpu.dma_semaphore, #tpu.memory_space<semaphore_mem>>)
      %dma_start3A_288 = arith.constant 96 : i32
      %dma_start3A_289 = tpu.memref_slice %arg11[%add3A_247, %dma_start3A_288] : memref<512x128xf32, #tpu.memory_space<vmem>> -> memref<1x32xf32, #tpu.memory_space<vmem>>
      %dma_start3A_290 = tpu.memref_squeeze %dma_start3A_289 : memref<1x32xf32, #tpu.memory_space<vmem>> -> memref<32xf32, #tpu.memory_space<vmem>>
      %dma_start3A_291 = arith.constant 0 : i32
      %dma_start3A_292 = tpu.memref_slice %arg7[%squeeze3A_251, %dma_start3A_291] : memref<100000x32xf32, #tpu.memory_space<hbm>> -> memref<1x32xf32, #tpu.memory_space<hbm>>
      %dma_start3A_293 = tpu.memref_squeeze %dma_start3A_292 : memref<1x32xf32, #tpu.memory_space<hbm>> -> memref<32xf32, #tpu.memory_space<hbm>>
      %dma_start3A_294 = arith.constant 96 : i32
      %dma_start3A_295 = tpu.memref_slice %arg11[%add3A_247, %dma_start3A_294] : memref<512x128xf32, #tpu.memory_space<vmem>> -> memref<1x32xf32, #tpu.memory_space<vmem>>
      %dma_start3A_296 = tpu.memref_squeeze %dma_start3A_295 : memref<1x32xf32, #tpu.memory_space<vmem>> -> memref<32xf32, #tpu.memory_space<vmem>>
      %dma_start3A_297 = arith.constant 0 : i32
      %dma_start3A_298 = tpu.memref_slice %arg7[%squeeze3A_251, %dma_start3A_297] : memref<100000x32xf32, #tpu.memory_space<hbm>> -> memref<1x32xf32, #tpu.memory_space<hbm>>
      %dma_start3A_299 = tpu.memref_squeeze %dma_start3A_298 : memref<1x32xf32, #tpu.memory_space<hbm>> -> memref<32xf32, #tpu.memory_space<hbm>>
      tpu.enqueue_dma source(%dma_start3A_299 : memref<32xf32, #tpu.memory_space<hbm>>) target(%dma_start3A_296 : memref<32xf32, #tpu.memory_space<vmem>>) target_semaphore(%arg12 : memref<!tpu.dma_semaphore, #tpu.memory_space<semaphore_mem>>)
      %mul3A_300 = arith.constant 16 : i32
      %mul3A_301 = arith.muli %scan3A_12, %mul3A_300 : i32
      %add3A_302 = arith.constant 5 : i32
      %add3A_303 = arith.addi %mul3A_301, %add3A_302 : i32
      %slice3A_304 = vector.extract_strided_slice %get3A_17 {offsets = [5], sizes = [1], strides = [1]} : vector<16xi32> to vector<1xi32>
      %squeeze3A_305 = vector.extract %slice3A_304[0] : i32 from vector<1xi32>
      %slice3A_306 = vector.extract_strided_slice %get3A_22 {offsets = [5], sizes = [1], strides = [1]} : vector<16xi32> to vector<1xi32>
      %squeeze3A_307 = vector.extract %slice3A_306[0] : i32 from vector<1xi32>
      %dma_start3A_308 = arith.constant 0 : i32
      %dma_start3A_309 = tpu.memref_slice %arg11[%add3A_303, %dma_start3A_308] : memref<512x128xf32, #tpu.memory_space<vmem>> -> memref<1x32xf32, #tpu.memory_space<vmem>>
      %dma_start3A_310 = tpu.memref_squeeze %dma_start3A_309 : memref<1x32xf32, #tpu.memory_space<vmem>> -> memref<32xf32, #tpu.memory_space<vmem>>
      %dma_start3A_311 = arith.constant 0 : i32
      %dma_start3A_312 = tpu.memref_slice %arg4[%squeeze3A_305, %dma_start3A_311] : memref<1000000x32xf32, #tpu.memory_space<hbm>> -> memref<1x32xf32, #tpu.memory_space<hbm>>
      %dma_start3A_313 = tpu.memref_squeeze %dma_start3A_312 : memref<1x32xf32, #tpu.memory_space<hbm>> -> memref<32xf32, #tpu.memory_space<hbm>>
      %dma_start3A_314 = arith.constant 0 : i32
      %dma_start3A_315 = tpu.memref_slice %arg11[%add3A_303, %dma_start3A_314] : memref<512x128xf32, #tpu.memory_space<vmem>> -> memref<1x32xf32, #tpu.memory_space<vmem>>
      %dma_start3A_316 = tpu.memref_squeeze %dma_start3A_315 : memref<1x32xf32, #tpu.memory_space<vmem>> -> memref<32xf32, #tpu.memory_space<vmem>>
      %dma_start3A_317 = arith.constant 0 : i32
      %dma_start3A_318 = tpu.memref_slice %arg4[%squeeze3A_305, %dma_start3A_317] : memref<1000000x32xf32, #tpu.memory_space<hbm>> -> memref<1x32xf32, #tpu.memory_space<hbm>>
      %dma_start3A_319 = tpu.memref_squeeze %dma_start3A_318 : memref<1x32xf32, #tpu.memory_space<hbm>> -> memref<32xf32, #tpu.memory_space<hbm>>
      tpu.enqueue_dma source(%dma_start3A_319 : memref<32xf32, #tpu.memory_space<hbm>>) target(%dma_start3A_316 : memref<32xf32, #tpu.memory_space<vmem>>) target_semaphore(%arg12 : memref<!tpu.dma_semaphore, #tpu.memory_space<semaphore_mem>>)
      %dma_start3A_320 = arith.constant 32 : i32
      %dma_start3A_321 = tpu.memref_slice %arg11[%add3A_303, %dma_start3A_320] : memref<512x128xf32, #tpu.memory_space<vmem>> -> memref<1x32xf32, #tpu.memory_space<vmem>>
      %dma_start3A_322 = tpu.memref_squeeze %dma_start3A_321 : memref<1x32xf32, #tpu.memory_space<vmem>> -> memref<32xf32, #tpu.memory_space<vmem>>
      %dma_start3A_323 = arith.constant 0 : i32
      %dma_start3A_324 = tpu.memref_slice %arg5[%squeeze3A_307, %dma_start3A_323] : memref<100000x32xf32, #tpu.memory_space<hbm>> -> memref<1x32xf32, #tpu.memory_space<hbm>>
      %dma_start3A_325 = tpu.memref_squeeze %dma_start3A_324 : memref<1x32xf32, #tpu.memory_space<hbm>> -> memref<32xf32, #tpu.memory_space<hbm>>
      %dma_start3A_326 = arith.constant 32 : i32
      %dma_start3A_327 = tpu.memref_slice %arg11[%add3A_303, %dma_start3A_326] : memref<512x128xf32, #tpu.memory_space<vmem>> -> memref<1x32xf32, #tpu.memory_space<vmem>>
      %dma_start3A_328 = tpu.memref_squeeze %dma_start3A_327 : memref<1x32xf32, #tpu.memory_space<vmem>> -> memref<32xf32, #tpu.memory_space<vmem>>
      %dma_start3A_329 = arith.constant 0 : i32
      %dma_start3A_330 = tpu.memref_slice %arg5[%squeeze3A_307, %dma_start3A_329] : memref<100000x32xf32, #tpu.memory_space<hbm>> -> memref<1x32xf32, #tpu.memory_space<hbm>>
      %dma_start3A_331 = tpu.memref_squeeze %dma_start3A_330 : memref<1x32xf32, #tpu.memory_space<hbm>> -> memref<32xf32, #tpu.memory_space<hbm>>
      tpu.enqueue_dma source(%dma_start3A_331 : memref<32xf32, #tpu.memory_space<hbm>>) target(%dma_start3A_328 : memref<32xf32, #tpu.memory_space<vmem>>) target_semaphore(%arg12 : memref<!tpu.dma_semaphore, #tpu.memory_space<semaphore_mem>>)
      %dma_start3A_332 = arith.constant 64 : i32
      %dma_start3A_333 = tpu.memref_slice %arg11[%add3A_303, %dma_start3A_332] : memref<512x128xf32, #tpu.memory_space<vmem>> -> memref<1x32xf32, #tpu.memory_space<vmem>>
      %dma_start3A_334 = tpu.memref_squeeze %dma_start3A_333 : memref<1x32xf32, #tpu.memory_space<vmem>> -> memref<32xf32, #tpu.memory_space<vmem>>
      %dma_start3A_335 = arith.constant 0 : i32
      %dma_start3A_336 = tpu.memref_slice %arg6[%squeeze3A_305, %dma_start3A_335] : memref<1000000x32xf32, #tpu.memory_space<hbm>> -> memref<1x32xf32, #tpu.memory_space<hbm>>
      %dma_start3A_337 = tpu.memref_squeeze %dma_start3A_336 : memref<1x32xf32, #tpu.memory_space<hbm>> -> memref<32xf32, #tpu.memory_space<hbm>>
      %dma_start3A_338 = arith.constant 64 : i32
      %dma_start3A_339 = tpu.memref_slice %arg11[%add3A_303, %dma_start3A_338] : memref<512x128xf32, #tpu.memory_space<vmem>> -> memref<1x32xf32, #tpu.memory_space<vmem>>
      %dma_start3A_340 = tpu.memref_squeeze %dma_start3A_339 : memref<1x32xf32, #tpu.memory_space<vmem>> -> memref<32xf32, #tpu.memory_space<vmem>>
      %dma_start3A_341 = arith.constant 0 : i32
      %dma_start3A_342 = tpu.memref_slice %arg6[%squeeze3A_305, %dma_start3A_341] : memref<1000000x32xf32, #tpu.memory_space<hbm>> -> memref<1x32xf32, #tpu.memory_space<hbm>>
      %dma_start3A_343 = tpu.memref_squeeze %dma_start3A_342 : memref<1x32xf32, #tpu.memory_space<hbm>> -> memref<32xf32, #tpu.memory_space<hbm>>
      tpu.enqueue_dma source(%dma_start3A_343 : memref<32xf32, #tpu.memory_space<hbm>>) target(%dma_start3A_340 : memref<32xf32, #tpu.memory_space<vmem>>) target_semaphore(%arg12 : memref<!tpu.dma_semaphore, #tpu.memory_space<semaphore_mem>>)
      %dma_start3A_344 = arith.constant 96 : i32
      %dma_start3A_345 = tpu.memref_slice %arg11[%add3A_303, %dma_start3A_344] : memref<512x128xf32, #tpu.memory_space<vmem>> -> memref<1x32xf32, #tpu.memory_space<vmem>>
      %dma_start3A_346 = tpu.memref_squeeze %dma_start3A_345 : memref<1x32xf32, #tpu.memory_space<vmem>> -> memref<32xf32, #tpu.memory_space<vmem>>
      %dma_start3A_347 = arith.constant 0 : i32
      %dma_start3A_348 = tpu.memref_slice %arg7[%squeeze3A_307, %dma_start3A_347] : memref<100000x32xf32, #tpu.memory_space<hbm>> -> memref<1x32xf32, #tpu.memory_space<hbm>>
      %dma_start3A_349 = tpu.memref_squeeze %dma_start3A_348 : memref<1x32xf32, #tpu.memory_space<hbm>> -> memref<32xf32, #tpu.memory_space<hbm>>
      %dma_start3A_350 = arith.constant 96 : i32
      %dma_start3A_351 = tpu.memref_slice %arg11[%add3A_303, %dma_start3A_350] : memref<512x128xf32, #tpu.memory_space<vmem>> -> memref<1x32xf32, #tpu.memory_space<vmem>>
      %dma_start3A_352 = tpu.memref_squeeze %dma_start3A_351 : memref<1x32xf32, #tpu.memory_space<vmem>> -> memref<32xf32, #tpu.memory_space<vmem>>
      %dma_start3A_353 = arith.constant 0 : i32
      %dma_start3A_354 = tpu.memref_slice %arg7[%squeeze3A_307, %dma_start3A_353] : memref<100000x32xf32, #tpu.memory_space<hbm>> -> memref<1x32xf32, #tpu.memory_space<hbm>>
      %dma_start3A_355 = tpu.memref_squeeze %dma_start3A_354 : memref<1x32xf32, #tpu.memory_space<hbm>> -> memref<32xf32, #tpu.memory_space<hbm>>
      tpu.enqueue_dma source(%dma_start3A_355 : memref<32xf32, #tpu.memory_space<hbm>>) target(%dma_start3A_352 : memref<32xf32, #tpu.memory_space<vmem>>) target_semaphore(%arg12 : memref<!tpu.dma_semaphore, #tpu.memory_space<semaphore_mem>>)
      %mul3A_356 = arith.constant 16 : i32
      %mul3A_357 = arith.muli %scan3A_12, %mul3A_356 : i32
      %add3A_358 = arith.constant 6 : i32
      %add3A_359 = arith.addi %mul3A_357, %add3A_358 : i32
      %slice3A_360 = vector.extract_strided_slice %get3A_17 {offsets = [6], sizes = [1], strides = [1]} : vector<16xi32> to vector<1xi32>
      %squeeze3A_361 = vector.extract %slice3A_360[0] : i32 from vector<1xi32>
      %slice3A_362 = vector.extract_strided_slice %get3A_22 {offsets = [6], sizes = [1], strides = [1]} : vector<16xi32> to vector<1xi32>
      %squeeze3A_363 = vector.extract %slice3A_362[0] : i32 from vector<1xi32>
      %dma_start3A_364 = arith.constant 0 : i32
      %dma_start3A_365 = tpu.memref_slice %arg11[%add3A_359, %dma_start3A_364] : memref<512x128xf32, #tpu.memory_space<vmem>> -> memref<1x32xf32, #tpu.memory_space<vmem>>
      %dma_start3A_366 = tpu.memref_squeeze %dma_start3A_365 : memref<1x32xf32, #tpu.memory_space<vmem>> -> memref<32xf32, #tpu.memory_space<vmem>>
      %dma_start3A_367 = arith.constant 0 : i32
      %dma_start3A_368 = tpu.memref_slice %arg4[%squeeze3A_361, %dma_start3A_367] : memref<1000000x32xf32, #tpu.memory_space<hbm>> -> memref<1x32xf32, #tpu.memory_space<hbm>>
      %dma_start3A_369 = tpu.memref_squeeze %dma_start3A_368 : memref<1x32xf32, #tpu.memory_space<hbm>> -> memref<32xf32, #tpu.memory_space<hbm>>
      %dma_start3A_370 = arith.constant 0 : i32
      %dma_start3A_371 = tpu.memref_slice %arg11[%add3A_359, %dma_start3A_370] : memref<512x128xf32, #tpu.memory_space<vmem>> -> memref<1x32xf32, #tpu.memory_space<vmem>>
      %dma_start3A_372 = tpu.memref_squeeze %dma_start3A_371 : memref<1x32xf32, #tpu.memory_space<vmem>> -> memref<32xf32, #tpu.memory_space<vmem>>
      %dma_start3A_373 = arith.constant 0 : i32
      %dma_start3A_374 = tpu.memref_slice %arg4[%squeeze3A_361, %dma_start3A_373] : memref<1000000x32xf32, #tpu.memory_space<hbm>> -> memref<1x32xf32, #tpu.memory_space<hbm>>
      %dma_start3A_375 = tpu.memref_squeeze %dma_start3A_374 : memref<1x32xf32, #tpu.memory_space<hbm>> -> memref<32xf32, #tpu.memory_space<hbm>>
      tpu.enqueue_dma source(%dma_start3A_375 : memref<32xf32, #tpu.memory_space<hbm>>) target(%dma_start3A_372 : memref<32xf32, #tpu.memory_space<vmem>>) target_semaphore(%arg12 : memref<!tpu.dma_semaphore, #tpu.memory_space<semaphore_mem>>)
      %dma_start3A_376 = arith.constant 32 : i32
      %dma_start3A_377 = tpu.memref_slice %arg11[%add3A_359, %dma_start3A_376] : memref<512x128xf32, #tpu.memory_space<vmem>> -> memref<1x32xf32, #tpu.memory_space<vmem>>
      %dma_start3A_378 = tpu.memref_squeeze %dma_start3A_377 : memref<1x32xf32, #tpu.memory_space<vmem>> -> memref<32xf32, #tpu.memory_space<vmem>>
      %dma_start3A_379 = arith.constant 0 : i32
      %dma_start3A_380 = tpu.memref_slice %arg5[%squeeze3A_363, %dma_start3A_379] : memref<100000x32xf32, #tpu.memory_space<hbm>> -> memref<1x32xf32, #tpu.memory_space<hbm>>
      %dma_start3A_381 = tpu.memref_squeeze %dma_start3A_380 : memref<1x32xf32, #tpu.memory_space<hbm>> -> memref<32xf32, #tpu.memory_space<hbm>>
      %dma_start3A_382 = arith.constant 32 : i32
      %dma_start3A_383 = tpu.memref_slice %arg11[%add3A_359, %dma_start3A_382] : memref<512x128xf32, #tpu.memory_space<vmem>> -> memref<1x32xf32, #tpu.memory_space<vmem>>
      %dma_start3A_384 = tpu.memref_squeeze %dma_start3A_383 : memref<1x32xf32, #tpu.memory_space<vmem>> -> memref<32xf32, #tpu.memory_space<vmem>>
      %dma_start3A_385 = arith.constant 0 : i32
      %dma_start3A_386 = tpu.memref_slice %arg5[%squeeze3A_363, %dma_start3A_385] : memref<100000x32xf32, #tpu.memory_space<hbm>> -> memref<1x32xf32, #tpu.memory_space<hbm>>
      %dma_start3A_387 = tpu.memref_squeeze %dma_start3A_386 : memref<1x32xf32, #tpu.memory_space<hbm>> -> memref<32xf32, #tpu.memory_space<hbm>>
      tpu.enqueue_dma source(%dma_start3A_387 : memref<32xf32, #tpu.memory_space<hbm>>) target(%dma_start3A_384 : memref<32xf32, #tpu.memory_space<vmem>>) target_semaphore(%arg12 : memref<!tpu.dma_semaphore, #tpu.memory_space<semaphore_mem>>)
      %dma_start3A_388 = arith.constant 64 : i32
      %dma_start3A_389 = tpu.memref_slice %arg11[%add3A_359, %dma_start3A_388] : memref<512x128xf32, #tpu.memory_space<vmem>> -> memref<1x32xf32, #tpu.memory_space<vmem>>
      %dma_start3A_390 = tpu.memref_squeeze %dma_start3A_389 : memref<1x32xf32, #tpu.memory_space<vmem>> -> memref<32xf32, #tpu.memory_space<vmem>>
      %dma_start3A_391 = arith.constant 0 : i32
      %dma_start3A_392 = tpu.memref_slice %arg6[%squeeze3A_361, %dma_start3A_391] : memref<1000000x32xf32, #tpu.memory_space<hbm>> -> memref<1x32xf32, #tpu.memory_space<hbm>>
      %dma_start3A_393 = tpu.memref_squeeze %dma_start3A_392 : memref<1x32xf32, #tpu.memory_space<hbm>> -> memref<32xf32, #tpu.memory_space<hbm>>
      %dma_start3A_394 = arith.constant 64 : i32
      %dma_start3A_395 = tpu.memref_slice %arg11[%add3A_359, %dma_start3A_394] : memref<512x128xf32, #tpu.memory_space<vmem>> -> memref<1x32xf32, #tpu.memory_space<vmem>>
      %dma_start3A_396 = tpu.memref_squeeze %dma_start3A_395 : memref<1x32xf32, #tpu.memory_space<vmem>> -> memref<32xf32, #tpu.memory_space<vmem>>
      %dma_start3A_397 = arith.constant 0 : i32
      %dma_start3A_398 = tpu.memref_slice %arg6[%squeeze3A_361, %dma_start3A_397] : memref<1000000x32xf32, #tpu.memory_space<hbm>> -> memref<1x32xf32, #tpu.memory_space<hbm>>
      %dma_start3A_399 = tpu.memref_squeeze %dma_start3A_398 : memref<1x32xf32, #tpu.memory_space<hbm>> -> memref<32xf32, #tpu.memory_space<hbm>>
      tpu.enqueue_dma source(%dma_start3A_399 : memref<32xf32, #tpu.memory_space<hbm>>) target(%dma_start3A_396 : memref<32xf32, #tpu.memory_space<vmem>>) target_semaphore(%arg12 : memref<!tpu.dma_semaphore, #tpu.memory_space<semaphore_mem>>)
      %dma_start3A_400 = arith.constant 96 : i32
      %dma_start3A_401 = tpu.memref_slice %arg11[%add3A_359, %dma_start3A_400] : memref<512x128xf32, #tpu.memory_space<vmem>> -> memref<1x32xf32, #tpu.memory_space<vmem>>
      %dma_start3A_402 = tpu.memref_squeeze %dma_start3A_401 : memref<1x32xf32, #tpu.memory_space<vmem>> -> memref<32xf32, #tpu.memory_space<vmem>>
      %dma_start3A_403 = arith.constant 0 : i32
      %dma_start3A_404 = tpu.memref_slice %arg7[%squeeze3A_363, %dma_start3A_403] : memref<100000x32xf32, #tpu.memory_space<hbm>> -> memref<1x32xf32, #tpu.memory_space<hbm>>
      %dma_start3A_405 = tpu.memref_squeeze %dma_start3A_404 : memref<1x32xf32, #tpu.memory_space<hbm>> -> memref<32xf32, #tpu.memory_space<hbm>>
      %dma_start3A_406 = arith.constant 96 : i32
      %dma_start3A_407 = tpu.memref_slice %arg11[%add3A_359, %dma_start3A_406] : memref<512x128xf32, #tpu.memory_space<vmem>> -> memref<1x32xf32, #tpu.memory_space<vmem>>
      %dma_start3A_408 = tpu.memref_squeeze %dma_start3A_407 : memref<1x32xf32, #tpu.memory_space<vmem>> -> memref<32xf32, #tpu.memory_space<vmem>>
      %dma_start3A_409 = arith.constant 0 : i32
      %dma_start3A_410 = tpu.memref_slice %arg7[%squeeze3A_363, %dma_start3A_409] : memref<100000x32xf32, #tpu.memory_space<hbm>> -> memref<1x32xf32, #tpu.memory_space<hbm>>
      %dma_start3A_411 = tpu.memref_squeeze %dma_start3A_410 : memref<1x32xf32, #tpu.memory_space<hbm>> -> memref<32xf32, #tpu.memory_space<hbm>>
      tpu.enqueue_dma source(%dma_start3A_411 : memref<32xf32, #tpu.memory_space<hbm>>) target(%dma_start3A_408 : memref<32xf32, #tpu.memory_space<vmem>>) target_semaphore(%arg12 : memref<!tpu.dma_semaphore, #tpu.memory_space<semaphore_mem>>)
      %mul3A_412 = arith.constant 16 : i32
      %mul3A_413 = arith.muli %scan3A_12, %mul3A_412 : i32
      %add3A_414 = arith.constant 7 : i32
      %add3A_415 = arith.addi %mul3A_413, %add3A_414 : i32
      %slice3A_416 = vector.extract_strided_slice %get3A_17 {offsets = [7], sizes = [1], strides = [1]} : vector<16xi32> to vector<1xi32>
      %squeeze3A_417 = vector.extract %slice3A_416[0] : i32 from vector<1xi32>
      %slice3A_418 = vector.extract_strided_slice %get3A_22 {offsets = [7], sizes = [1], strides = [1]} : vector<16xi32> to vector<1xi32>
      %squeeze3A_419 = vector.extract %slice3A_418[0] : i32 from vector<1xi32>
      %dma_start3A_420 = arith.constant 0 : i32
      %dma_start3A_421 = tpu.memref_slice %arg11[%add3A_415, %dma_start3A_420] : memref<512x128xf32, #tpu.memory_space<vmem>> -> memref<1x32xf32, #tpu.memory_space<vmem>>
      %dma_start3A_422 = tpu.memref_squeeze %dma_start3A_421 : memref<1x32xf32, #tpu.memory_space<vmem>> -> memref<32xf32, #tpu.memory_space<vmem>>
      %dma_start3A_423 = arith.constant 0 : i32
      %dma_start3A_424 = tpu.memref_slice %arg4[%squeeze3A_417, %dma_start3A_423] : memref<1000000x32xf32, #tpu.memory_space<hbm>> -> memref<1x32xf32, #tpu.memory_space<hbm>>
      %dma_start3A_425 = tpu.memref_squeeze %dma_start3A_424 : memref<1x32xf32, #tpu.memory_space<hbm>> -> memref<32xf32, #tpu.memory_space<hbm>>
      %dma_start3A_426 = arith.constant 0 : i32
      %dma_start3A_427 = tpu.memref_slice %arg11[%add3A_415, %dma_start3A_426] : memref<512x128xf32, #tpu.memory_space<vmem>> -> memref<1x32xf32, #tpu.memory_space<vmem>>
      %dma_start3A_428 = tpu.memref_squeeze %dma_start3A_427 : memref<1x32xf32, #tpu.memory_space<vmem>> -> memref<32xf32, #tpu.memory_space<vmem>>
      %dma_start3A_429 = arith.constant 0 : i32
      %dma_start3A_430 = tpu.memref_slice %arg4[%squeeze3A_417, %dma_start3A_429] : memref<1000000x32xf32, #tpu.memory_space<hbm>> -> memref<1x32xf32, #tpu.memory_space<hbm>>
      %dma_start3A_431 = tpu.memref_squeeze %dma_start3A_430 : memref<1x32xf32, #tpu.memory_space<hbm>> -> memref<32xf32, #tpu.memory_space<hbm>>
      tpu.enqueue_dma source(%dma_start3A_431 : memref<32xf32, #tpu.memory_space<hbm>>) target(%dma_start3A_428 : memref<32xf32, #tpu.memory_space<vmem>>) target_semaphore(%arg12 : memref<!tpu.dma_semaphore, #tpu.memory_space<semaphore_mem>>)
      %dma_start3A_432 = arith.constant 32 : i32
      %dma_start3A_433 = tpu.memref_slice %arg11[%add3A_415, %dma_start3A_432] : memref<512x128xf32, #tpu.memory_space<vmem>> -> memref<1x32xf32, #tpu.memory_space<vmem>>
      %dma_start3A_434 = tpu.memref_squeeze %dma_start3A_433 : memref<1x32xf32, #tpu.memory_space<vmem>> -> memref<32xf32, #tpu.memory_space<vmem>>
      %dma_start3A_435 = arith.constant 0 : i32
      %dma_start3A_436 = tpu.memref_slice %arg5[%squeeze3A_419, %dma_start3A_435] : memref<100000x32xf32, #tpu.memory_space<hbm>> -> memref<1x32xf32, #tpu.memory_space<hbm>>
      %dma_start3A_437 = tpu.memref_squeeze %dma_start3A_436 : memref<1x32xf32, #tpu.memory_space<hbm>> -> memref<32xf32, #tpu.memory_space<hbm>>
      %dma_start3A_438 = arith.constant 32 : i32
      %dma_start3A_439 = tpu.memref_slice %arg11[%add3A_415, %dma_start3A_438] : memref<512x128xf32, #tpu.memory_space<vmem>> -> memref<1x32xf32, #tpu.memory_space<vmem>>
      %dma_start3A_440 = tpu.memref_squeeze %dma_start3A_439 : memref<1x32xf32, #tpu.memory_space<vmem>> -> memref<32xf32, #tpu.memory_space<vmem>>
      %dma_start3A_441 = arith.constant 0 : i32
      %dma_start3A_442 = tpu.memref_slice %arg5[%squeeze3A_419, %dma_start3A_441] : memref<100000x32xf32, #tpu.memory_space<hbm>> -> memref<1x32xf32, #tpu.memory_space<hbm>>
      %dma_start3A_443 = tpu.memref_squeeze %dma_start3A_442 : memref<1x32xf32, #tpu.memory_space<hbm>> -> memref<32xf32, #tpu.memory_space<hbm>>
      tpu.enqueue_dma source(%dma_start3A_443 : memref<32xf32, #tpu.memory_space<hbm>>) target(%dma_start3A_440 : memref<32xf32, #tpu.memory_space<vmem>>) target_semaphore(%arg12 : memref<!tpu.dma_semaphore, #tpu.memory_space<semaphore_mem>>)
      %dma_start3A_444 = arith.constant 64 : i32
      %dma_start3A_445 = tpu.memref_slice %arg11[%add3A_415, %dma_start3A_444] : memref<512x128xf32, #tpu.memory_space<vmem>> -> memref<1x32xf32, #tpu.memory_space<vmem>>
      %dma_start3A_446 = tpu.memref_squeeze %dma_start3A_445 : memref<1x32xf32, #tpu.memory_space<vmem>> -> memref<32xf32, #tpu.memory_space<vmem>>
      %dma_start3A_447 = arith.constant 0 : i32
      %dma_start3A_448 = tpu.memref_slice %arg6[%squeeze3A_417, %dma_start3A_447] : memref<1000000x32xf32, #tpu.memory_space<hbm>> -> memref<1x32xf32, #tpu.memory_space<hbm>>
      %dma_start3A_449 = tpu.memref_squeeze %dma_start3A_448 : memref<1x32xf32, #tpu.memory_space<hbm>> -> memref<32xf32, #tpu.memory_space<hbm>>
      %dma_start3A_450 = arith.constant 64 : i32
      %dma_start3A_451 = tpu.memref_slice %arg11[%add3A_415, %dma_start3A_450] : memref<512x128xf32, #tpu.memory_space<vmem>> -> memref<1x32xf32, #tpu.memory_space<vmem>>
      %dma_start3A_452 = tpu.memref_squeeze %dma_start3A_451 : memref<1x32xf32, #tpu.memory_space<vmem>> -> memref<32xf32, #tpu.memory_space<vmem>>
      %dma_start3A_453 = arith.constant 0 : i32
      %dma_start3A_454 = tpu.memref_slice %arg6[%squeeze3A_417, %dma_start3A_453] : memref<1000000x32xf32, #tpu.memory_space<hbm>> -> memref<1x32xf32, #tpu.memory_space<hbm>>
      %dma_start3A_455 = tpu.memref_squeeze %dma_start3A_454 : memref<1x32xf32, #tpu.memory_space<hbm>> -> memref<32xf32, #tpu.memory_space<hbm>>
      tpu.enqueue_dma source(%dma_start3A_455 : memref<32xf32, #tpu.memory_space<hbm>>) target(%dma_start3A_452 : memref<32xf32, #tpu.memory_space<vmem>>) target_semaphore(%arg12 : memref<!tpu.dma_semaphore, #tpu.memory_space<semaphore_mem>>)
      %dma_start3A_456 = arith.constant 96 : i32
      %dma_start3A_457 = tpu.memref_slice %arg11[%add3A_415, %dma_start3A_456] : memref<512x128xf32, #tpu.memory_space<vmem>> -> memref<1x32xf32, #tpu.memory_space<vmem>>
      %dma_start3A_458 = tpu.memref_squeeze %dma_start3A_457 : memref<1x32xf32, #tpu.memory_space<vmem>> -> memref<32xf32, #tpu.memory_space<vmem>>
      %dma_start3A_459 = arith.constant 0 : i32
      %dma_start3A_460 = tpu.memref_slice %arg7[%squeeze3A_419, %dma_start3A_459] : memref<100000x32xf32, #tpu.memory_space<hbm>> -> memref<1x32xf32, #tpu.memory_space<hbm>>
      %dma_start3A_461 = tpu.memref_squeeze %dma_start3A_460 : memref<1x32xf32, #tpu.memory_space<hbm>> -> memref<32xf32, #tpu.memory_space<hbm>>
      %dma_start3A_462 = arith.constant 96 : i32
      %dma_start3A_463 = tpu.memref_slice %arg11[%add3A_415, %dma_start3A_462] : memref<512x128xf32, #tpu.memory_space<vmem>> -> memref<1x32xf32, #tpu.memory_space<vmem>>
      %dma_start3A_464 = tpu.memref_squeeze %dma_start3A_463 : memref<1x32xf32, #tpu.memory_space<vmem>> -> memref<32xf32, #tpu.memory_space<vmem>>
      %dma_start3A_465 = arith.constant 0 : i32
      %dma_start3A_466 = tpu.memref_slice %arg7[%squeeze3A_419, %dma_start3A_465] : memref<100000x32xf32, #tpu.memory_space<hbm>> -> memref<1x32xf32, #tpu.memory_space<hbm>>
      %dma_start3A_467 = tpu.memref_squeeze %dma_start3A_466 : memref<1x32xf32, #tpu.memory_space<hbm>> -> memref<32xf32, #tpu.memory_space<hbm>>
      tpu.enqueue_dma source(%dma_start3A_467 : memref<32xf32, #tpu.memory_space<hbm>>) target(%dma_start3A_464 : memref<32xf32, #tpu.memory_space<vmem>>) target_semaphore(%arg12 : memref<!tpu.dma_semaphore, #tpu.memory_space<semaphore_mem>>)
      %mul3A_468 = arith.constant 16 : i32
      %mul3A_469 = arith.muli %scan3A_12, %mul3A_468 : i32
      %add3A_470 = arith.constant 8 : i32
      %add3A_471 = arith.addi %mul3A_469, %add3A_470 : i32
      %slice3A_472 = vector.extract_strided_slice %get3A_17 {offsets = [8], sizes = [1], strides = [1]} : vector<16xi32> to vector<1xi32>
      %squeeze3A_473 = vector.extract %slice3A_472[0] : i32 from vector<1xi32>
      %slice3A_474 = vector.extract_strided_slice %get3A_22 {offsets = [8], sizes = [1], strides = [1]} : vector<16xi32> to vector<1xi32>
      %squeeze3A_475 = vector.extract %slice3A_474[0] : i32 from vector<1xi32>
      %dma_start3A_476 = arith.constant 0 : i32
      %dma_start3A_477 = tpu.memref_slice %arg11[%add3A_471, %dma_start3A_476] : memref<512x128xf32, #tpu.memory_space<vmem>> -> memref<1x32xf32, #tpu.memory_space<vmem>>
      %dma_start3A_478 = tpu.memref_squeeze %dma_start3A_477 : memref<1x32xf32, #tpu.memory_space<vmem>> -> memref<32xf32, #tpu.memory_space<vmem>>
      %dma_start3A_479 = arith.constant 0 : i32
      %dma_start3A_480 = tpu.memref_slice %arg4[%squeeze3A_473, %dma_start3A_479] : memref<1000000x32xf32, #tpu.memory_space<hbm>> -> memref<1x32xf32, #tpu.memory_space<hbm>>
      %dma_start3A_481 = tpu.memref_squeeze %dma_start3A_480 : memref<1x32xf32, #tpu.memory_space<hbm>> -> memref<32xf32, #tpu.memory_space<hbm>>
      %dma_start3A_482 = arith.constant 0 : i32
      %dma_start3A_483 = tpu.memref_slice %arg11[%add3A_471, %dma_start3A_482] : memref<512x128xf32, #tpu.memory_space<vmem>> -> memref<1x32xf32, #tpu.memory_space<vmem>>
      %dma_start3A_484 = tpu.memref_squeeze %dma_start3A_483 : memref<1x32xf32, #tpu.memory_space<vmem>> -> memref<32xf32, #tpu.memory_space<vmem>>
      %dma_start3A_485 = arith.constant 0 : i32
      %dma_start3A_486 = tpu.memref_slice %arg4[%squeeze3A_473, %dma_start3A_485] : memref<1000000x32xf32, #tpu.memory_space<hbm>> -> memref<1x32xf32, #tpu.memory_space<hbm>>
      %dma_start3A_487 = tpu.memref_squeeze %dma_start3A_486 : memref<1x32xf32, #tpu.memory_space<hbm>> -> memref<32xf32, #tpu.memory_space<hbm>>
      tpu.enqueue_dma source(%dma_start3A_487 : memref<32xf32, #tpu.memory_space<hbm>>) target(%dma_start3A_484 : memref<32xf32, #tpu.memory_space<vmem>>) target_semaphore(%arg12 : memref<!tpu.dma_semaphore, #tpu.memory_space<semaphore_mem>>)
      %dma_start3A_488 = arith.constant 32 : i32
      %dma_start3A_489 = tpu.memref_slice %arg11[%add3A_471, %dma_start3A_488] : memref<512x128xf32, #tpu.memory_space<vmem>> -> memref<1x32xf32, #tpu.memory_space<vmem>>
      %dma_start3A_490 = tpu.memref_squeeze %dma_start3A_489 : memref<1x32xf32, #tpu.memory_space<vmem>> -> memref<32xf32, #tpu.memory_space<vmem>>
      %dma_start3A_491 = arith.constant 0 : i32
      %dma_start3A_492 = tpu.memref_slice %arg5[%squeeze3A_475, %dma_start3A_491] : memref<100000x32xf32, #tpu.memory_space<hbm>> -> memref<1x32xf32, #tpu.memory_space<hbm>>
      %dma_start3A_493 = tpu.memref_squeeze %dma_start3A_492 : memref<1x32xf32, #tpu.memory_space<hbm>> -> memref<32xf32, #tpu.memory_space<hbm>>
      %dma_start3A_494 = arith.constant 32 : i32
      %dma_start3A_495 = tpu.memref_slice %arg11[%add3A_471, %dma_start3A_494] : memref<512x128xf32, #tpu.memory_space<vmem>> -> memref<1x32xf32, #tpu.memory_space<vmem>>
      %dma_start3A_496 = tpu.memref_squeeze %dma_start3A_495 : memref<1x32xf32, #tpu.memory_space<vmem>> -> memref<32xf32, #tpu.memory_space<vmem>>
      %dma_start3A_497 = arith.constant 0 : i32
      %dma_start3A_498 = tpu.memref_slice %arg5[%squeeze3A_475, %dma_start3A_497] : memref<100000x32xf32, #tpu.memory_space<hbm>> -> memref<1x32xf32, #tpu.memory_space<hbm>>
      %dma_start3A_499 = tpu.memref_squeeze %dma_start3A_498 : memref<1x32xf32, #tpu.memory_space<hbm>> -> memref<32xf32, #tpu.memory_space<hbm>>
      tpu.enqueue_dma source(%dma_start3A_499 : memref<32xf32, #tpu.memory_space<hbm>>) target(%dma_start3A_496 : memref<32xf32, #tpu.memory_space<vmem>>) target_semaphore(%arg12 : memref<!tpu.dma_semaphore, #tpu.memory_space<semaphore_mem>>)
      %dma_start3A_500 = arith.constant 64 : i32
      %dma_start3A_501 = tpu.memref_slice %arg11[%add3A_471, %dma_start3A_500] : memref<512x128xf32, #tpu.memory_space<vmem>> -> memref<1x32xf32, #tpu.memory_space<vmem>>
      %dma_start3A_502 = tpu.memref_squeeze %dma_start3A_501 : memref<1x32xf32, #tpu.memory_space<vmem>> -> memref<32xf32, #tpu.memory_space<vmem>>
      %dma_start3A_503 = arith.constant 0 : i32
      %dma_start3A_504 = tpu.memref_slice %arg6[%squeeze3A_473, %dma_start3A_503] : memref<1000000x32xf32, #tpu.memory_space<hbm>> -> memref<1x32xf32, #tpu.memory_space<hbm>>
      %dma_start3A_505 = tpu.memref_squeeze %dma_start3A_504 : memref<1x32xf32, #tpu.memory_space<hbm>> -> memref<32xf32, #tpu.memory_space<hbm>>
      %dma_start3A_506 = arith.constant 64 : i32
      %dma_start3A_507 = tpu.memref_slice %arg11[%add3A_471, %dma_start3A_506] : memref<512x128xf32, #tpu.memory_space<vmem>> -> memref<1x32xf32, #tpu.memory_space<vmem>>
      %dma_start3A_508 = tpu.memref_squeeze %dma_start3A_507 : memref<1x32xf32, #tpu.memory_space<vmem>> -> memref<32xf32, #tpu.memory_space<vmem>>
      %dma_start3A_509 = arith.constant 0 : i32
      %dma_start3A_510 = tpu.memref_slice %arg6[%squeeze3A_473, %dma_start3A_509] : memref<1000000x32xf32, #tpu.memory_space<hbm>> -> memref<1x32xf32, #tpu.memory_space<hbm>>
      %dma_start3A_511 = tpu.memref_squeeze %dma_start3A_510 : memref<1x32xf32, #tpu.memory_space<hbm>> -> memref<32xf32, #tpu.memory_space<hbm>>
      tpu.enqueue_dma source(%dma_start3A_511 : memref<32xf32, #tpu.memory_space<hbm>>) target(%dma_start3A_508 : memref<32xf32, #tpu.memory_space<vmem>>) target_semaphore(%arg12 : memref<!tpu.dma_semaphore, #tpu.memory_space<semaphore_mem>>)
      %dma_start3A_512 = arith.constant 96 : i32
      %dma_start3A_513 = tpu.memref_slice %arg11[%add3A_471, %dma_start3A_512] : memref<512x128xf32, #tpu.memory_space<vmem>> -> memref<1x32xf32, #tpu.memory_space<vmem>>
      %dma_start3A_514 = tpu.memref_squeeze %dma_start3A_513 : memref<1x32xf32, #tpu.memory_space<vmem>> -> memref<32xf32, #tpu.memory_space<vmem>>
      %dma_start3A_515 = arith.constant 0 : i32
      %dma_start3A_516 = tpu.memref_slice %arg7[%squeeze3A_475, %dma_start3A_515] : memref<100000x32xf32, #tpu.memory_space<hbm>> -> memref<1x32xf32, #tpu.memory_space<hbm>>
      %dma_start3A_517 = tpu.memref_squeeze %dma_start3A_516 : memref<1x32xf32, #tpu.memory_space<hbm>> -> memref<32xf32, #tpu.memory_space<hbm>>
      %dma_start3A_518 = arith.constant 96 : i32
      %dma_start3A_519 = tpu.memref_slice %arg11[%add3A_471, %dma_start3A_518] : memref<512x128xf32, #tpu.memory_space<vmem>> -> memref<1x32xf32, #tpu.memory_space<vmem>>
      %dma_start3A_520 = tpu.memref_squeeze %dma_start3A_519 : memref<1x32xf32, #tpu.memory_space<vmem>> -> memref<32xf32, #tpu.memory_space<vmem>>
      %dma_start3A_521 = arith.constant 0 : i32
      %dma_start3A_522 = tpu.memref_slice %arg7[%squeeze3A_475, %dma_start3A_521] : memref<100000x32xf32, #tpu.memory_space<hbm>> -> memref<1x32xf32, #tpu.memory_space<hbm>>
      %dma_start3A_523 = tpu.memref_squeeze %dma_start3A_522 : memref<1x32xf32, #tpu.memory_space<hbm>> -> memref<32xf32, #tpu.memory_space<hbm>>
      tpu.enqueue_dma source(%dma_start3A_523 : memref<32xf32, #tpu.memory_space<hbm>>) target(%dma_start3A_520 : memref<32xf32, #tpu.memory_space<vmem>>) target_semaphore(%arg12 : memref<!tpu.dma_semaphore, #tpu.memory_space<semaphore_mem>>)
      %mul3A_524 = arith.constant 16 : i32
      %mul3A_525 = arith.muli %scan3A_12, %mul3A_524 : i32
      %add3A_526 = arith.constant 9 : i32
      %add3A_527 = arith.addi %mul3A_525, %add3A_526 : i32
      %slice3A_528 = vector.extract_strided_slice %get3A_17 {offsets = [9], sizes = [1], strides = [1]} : vector<16xi32> to vector<1xi32>
      %squeeze3A_529 = vector.extract %slice3A_528[0] : i32 from vector<1xi32>
      %slice3A_530 = vector.extract_strided_slice %get3A_22 {offsets = [9], sizes = [1], strides = [1]} : vector<16xi32> to vector<1xi32>
      %squeeze3A_531 = vector.extract %slice3A_530[0] : i32 from vector<1xi32>
      %dma_start3A_532 = arith.constant 0 : i32
      %dma_start3A_533 = tpu.memref_slice %arg11[%add3A_527, %dma_start3A_532] : memref<512x128xf32, #tpu.memory_space<vmem>> -> memref<1x32xf32, #tpu.memory_space<vmem>>
      %dma_start3A_534 = tpu.memref_squeeze %dma_start3A_533 : memref<1x32xf32, #tpu.memory_space<vmem>> -> memref<32xf32, #tpu.memory_space<vmem>>
      %dma_start3A_535 = arith.constant 0 : i32
      %dma_start3A_536 = tpu.memref_slice %arg4[%squeeze3A_529, %dma_start3A_535] : memref<1000000x32xf32, #tpu.memory_space<hbm>> -> memref<1x32xf32, #tpu.memory_space<hbm>>
      %dma_start3A_537 = tpu.memref_squeeze %dma_start3A_536 : memref<1x32xf32, #tpu.memory_space<hbm>> -> memref<32xf32, #tpu.memory_space<hbm>>
      %dma_start3A_538 = arith.constant 0 : i32
      %dma_start3A_539 = tpu.memref_slice %arg11[%add3A_527, %dma_start3A_538] : memref<512x128xf32, #tpu.memory_space<vmem>> -> memref<1x32xf32, #tpu.memory_space<vmem>>
      %dma_start3A_540 = tpu.memref_squeeze %dma_start3A_539 : memref<1x32xf32, #tpu.memory_space<vmem>> -> memref<32xf32, #tpu.memory_space<vmem>>
      %dma_start3A_541 = arith.constant 0 : i32
      %dma_start3A_542 = tpu.memref_slice %arg4[%squeeze3A_529, %dma_start3A_541] : memref<1000000x32xf32, #tpu.memory_space<hbm>> -> memref<1x32xf32, #tpu.memory_space<hbm>>
      %dma_start3A_543 = tpu.memref_squeeze %dma_start3A_542 : memref<1x32xf32, #tpu.memory_space<hbm>> -> memref<32xf32, #tpu.memory_space<hbm>>
      tpu.enqueue_dma source(%dma_start3A_543 : memref<32xf32, #tpu.memory_space<hbm>>) target(%dma_start3A_540 : memref<32xf32, #tpu.memory_space<vmem>>) target_semaphore(%arg12 : memref<!tpu.dma_semaphore, #tpu.memory_space<semaphore_mem>>)
      %dma_start3A_544 = arith.constant 32 : i32
      %dma_start3A_545 = tpu.memref_slice %arg11[%add3A_527, %dma_start3A_544] : memref<512x128xf32, #tpu.memory_space<vmem>> -> memref<1x32xf32, #tpu.memory_space<vmem>>
      %dma_start3A_546 = tpu.memref_squeeze %dma_start3A_545 : memref<1x32xf32, #tpu.memory_space<vmem>> -> memref<32xf32, #tpu.memory_space<vmem>>
      %dma_start3A_547 = arith.constant 0 : i32
      %dma_start3A_548 = tpu.memref_slice %arg5[%squeeze3A_531, %dma_start3A_547] : memref<100000x32xf32, #tpu.memory_space<hbm>> -> memref<1x32xf32, #tpu.memory_space<hbm>>
      %dma_start3A_549 = tpu.memref_squeeze %dma_start3A_548 : memref<1x32xf32, #tpu.memory_space<hbm>> -> memref<32xf32, #tpu.memory_space<hbm>>
      %dma_start3A_550 = arith.constant 32 : i32
      %dma_start3A_551 = tpu.memref_slice %arg11[%add3A_527, %dma_start3A_550] : memref<512x128xf32, #tpu.memory_space<vmem>> -> memref<1x32xf32, #tpu.memory_space<vmem>>
      %dma_start3A_552 = tpu.memref_squeeze %dma_start3A_551 : memref<1x32xf32, #tpu.memory_space<vmem>> -> memref<32xf32, #tpu.memory_space<vmem>>
      %dma_start3A_553 = arith.constant 0 : i32
      %dma_start3A_554 = tpu.memref_slice %arg5[%squeeze3A_531, %dma_start3A_553] : memref<100000x32xf32, #tpu.memory_space<hbm>> -> memref<1x32xf32, #tpu.memory_space<hbm>>
      %dma_start3A_555 = tpu.memref_squeeze %dma_start3A_554 : memref<1x32xf32, #tpu.memory_space<hbm>> -> memref<32xf32, #tpu.memory_space<hbm>>
      tpu.enqueue_dma source(%dma_start3A_555 : memref<32xf32, #tpu.memory_space<hbm>>) target(%dma_start3A_552 : memref<32xf32, #tpu.memory_space<vmem>>) target_semaphore(%arg12 : memref<!tpu.dma_semaphore, #tpu.memory_space<semaphore_mem>>)
      %dma_start3A_556 = arith.constant 64 : i32
      %dma_start3A_557 = tpu.memref_slice %arg11[%add3A_527, %dma_start3A_556] : memref<512x128xf32, #tpu.memory_space<vmem>> -> memref<1x32xf32, #tpu.memory_space<vmem>>
      %dma_start3A_558 = tpu.memref_squeeze %dma_start3A_557 : memref<1x32xf32, #tpu.memory_space<vmem>> -> memref<32xf32, #tpu.memory_space<vmem>>
      %dma_start3A_559 = arith.constant 0 : i32
      %dma_start3A_560 = tpu.memref_slice %arg6[%squeeze3A_529, %dma_start3A_559] : memref<1000000x32xf32, #tpu.memory_space<hbm>> -> memref<1x32xf32, #tpu.memory_space<hbm>>
      %dma_start3A_561 = tpu.memref_squeeze %dma_start3A_560 : memref<1x32xf32, #tpu.memory_space<hbm>> -> memref<32xf32, #tpu.memory_space<hbm>>
      %dma_start3A_562 = arith.constant 64 : i32
      %dma_start3A_563 = tpu.memref_slice %arg11[%add3A_527, %dma_start3A_562] : memref<512x128xf32, #tpu.memory_space<vmem>> -> memref<1x32xf32, #tpu.memory_space<vmem>>
      %dma_start3A_564 = tpu.memref_squeeze %dma_start3A_563 : memref<1x32xf32, #tpu.memory_space<vmem>> -> memref<32xf32, #tpu.memory_space<vmem>>
      %dma_start3A_565 = arith.constant 0 : i32
      %dma_start3A_566 = tpu.memref_slice %arg6[%squeeze3A_529, %dma_start3A_565] : memref<1000000x32xf32, #tpu.memory_space<hbm>> -> memref<1x32xf32, #tpu.memory_space<hbm>>
      %dma_start3A_567 = tpu.memref_squeeze %dma_start3A_566 : memref<1x32xf32, #tpu.memory_space<hbm>> -> memref<32xf32, #tpu.memory_space<hbm>>
      tpu.enqueue_dma source(%dma_start3A_567 : memref<32xf32, #tpu.memory_space<hbm>>) target(%dma_start3A_564 : memref<32xf32, #tpu.memory_space<vmem>>) target_semaphore(%arg12 : memref<!tpu.dma_semaphore, #tpu.memory_space<semaphore_mem>>)
      %dma_start3A_568 = arith.constant 96 : i32
      %dma_start3A_569 = tpu.memref_slice %arg11[%add3A_527, %dma_start3A_568] : memref<512x128xf32, #tpu.memory_space<vmem>> -> memref<1x32xf32, #tpu.memory_space<vmem>>
      %dma_start3A_570 = tpu.memref_squeeze %dma_start3A_569 : memref<1x32xf32, #tpu.memory_space<vmem>> -> memref<32xf32, #tpu.memory_space<vmem>>
      %dma_start3A_571 = arith.constant 0 : i32
      %dma_start3A_572 = tpu.memref_slice %arg7[%squeeze3A_531, %dma_start3A_571] : memref<100000x32xf32, #tpu.memory_space<hbm>> -> memref<1x32xf32, #tpu.memory_space<hbm>>
      %dma_start3A_573 = tpu.memref_squeeze %dma_start3A_572 : memref<1x32xf32, #tpu.memory_space<hbm>> -> memref<32xf32, #tpu.memory_space<hbm>>
      %dma_start3A_574 = arith.constant 96 : i32
      %dma_start3A_575 = tpu.memref_slice %arg11[%add3A_527, %dma_start3A_574] : memref<512x128xf32, #tpu.memory_space<vmem>> -> memref<1x32xf32, #tpu.memory_space<vmem>>
      %dma_start3A_576 = tpu.memref_squeeze %dma_start3A_575 : memref<1x32xf32, #tpu.memory_space<vmem>> -> memref<32xf32, #tpu.memory_space<vmem>>
      %dma_start3A_577 = arith.constant 0 : i32
      %dma_start3A_578 = tpu.memref_slice %arg7[%squeeze3A_531, %dma_start3A_577] : memref<100000x32xf32, #tpu.memory_space<hbm>> -> memref<1x32xf32, #tpu.memory_space<hbm>>
      %dma_start3A_579 = tpu.memref_squeeze %dma_start3A_578 : memref<1x32xf32, #tpu.memory_space<hbm>> -> memref<32xf32, #tpu.memory_space<hbm>>
      tpu.enqueue_dma source(%dma_start3A_579 : memref<32xf32, #tpu.memory_space<hbm>>) target(%dma_start3A_576 : memref<32xf32, #tpu.memory_space<vmem>>) target_semaphore(%arg12 : memref<!tpu.dma_semaphore, #tpu.memory_space<semaphore_mem>>)
      %mul3A_580 = arith.constant 16 : i32
      %mul3A_581 = arith.muli %scan3A_12, %mul3A_580 : i32
      %add3A_582 = arith.constant 10 : i32
      %add3A_583 = arith.addi %mul3A_581, %add3A_582 : i32
      %slice3A_584 = vector.extract_strided_slice %get3A_17 {offsets = [10], sizes = [1], strides = [1]} : vector<16xi32> to vector<1xi32>
      %squeeze3A_585 = vector.extract %slice3A_584[0] : i32 from vector<1xi32>
      %slice3A_586 = vector.extract_strided_slice %get3A_22 {offsets = [10], sizes = [1], strides = [1]} : vector<16xi32> to vector<1xi32>
      %squeeze3A_587 = vector.extract %slice3A_586[0] : i32 from vector<1xi32>
      %dma_start3A_588 = arith.constant 0 : i32
      %dma_start3A_589 = tpu.memref_slice %arg11[%add3A_583, %dma_start3A_588] : memref<512x128xf32, #tpu.memory_space<vmem>> -> memref<1x32xf32, #tpu.memory_space<vmem>>
      %dma_start3A_590 = tpu.memref_squeeze %dma_start3A_589 : memref<1x32xf32, #tpu.memory_space<vmem>> -> memref<32xf32, #tpu.memory_space<vmem>>
      %dma_start3A_591 = arith.constant 0 : i32
      %dma_start3A_592 = tpu.memref_slice %arg4[%squeeze3A_585, %dma_start3A_591] : memref<1000000x32xf32, #tpu.memory_space<hbm>> -> memref<1x32xf32, #tpu.memory_space<hbm>>
      %dma_start3A_593 = tpu.memref_squeeze %dma_start3A_592 : memref<1x32xf32, #tpu.memory_space<hbm>> -> memref<32xf32, #tpu.memory_space<hbm>>
      %dma_start3A_594 = arith.constant 0 : i32
      %dma_start3A_595 = tpu.memref_slice %arg11[%add3A_583, %dma_start3A_594] : memref<512x128xf32, #tpu.memory_space<vmem>> -> memref<1x32xf32, #tpu.memory_space<vmem>>
      %dma_start3A_596 = tpu.memref_squeeze %dma_start3A_595 : memref<1x32xf32, #tpu.memory_space<vmem>> -> memref<32xf32, #tpu.memory_space<vmem>>
      %dma_start3A_597 = arith.constant 0 : i32
      %dma_start3A_598 = tpu.memref_slice %arg4[%squeeze3A_585, %dma_start3A_597] : memref<1000000x32xf32, #tpu.memory_space<hbm>> -> memref<1x32xf32, #tpu.memory_space<hbm>>
      %dma_start3A_599 = tpu.memref_squeeze %dma_start3A_598 : memref<1x32xf32, #tpu.memory_space<hbm>> -> memref<32xf32, #tpu.memory_space<hbm>>
      tpu.enqueue_dma source(%dma_start3A_599 : memref<32xf32, #tpu.memory_space<hbm>>) target(%dma_start3A_596 : memref<32xf32, #tpu.memory_space<vmem>>) target_semaphore(%arg12 : memref<!tpu.dma_semaphore, #tpu.memory_space<semaphore_mem>>)
      %dma_start3A_600 = arith.constant 32 : i32
      %dma_start3A_601 = tpu.memref_slice %arg11[%add3A_583, %dma_start3A_600] : memref<512x128xf32, #tpu.memory_space<vmem>> -> memref<1x32xf32, #tpu.memory_space<vmem>>
      %dma_start3A_602 = tpu.memref_squeeze %dma_start3A_601 : memref<1x32xf32, #tpu.memory_space<vmem>> -> memref<32xf32, #tpu.memory_space<vmem>>
      %dma_start3A_603 = arith.constant 0 : i32
      %dma_start3A_604 = tpu.memref_slice %arg5[%squeeze3A_587, %dma_start3A_603] : memref<100000x32xf32, #tpu.memory_space<hbm>> -> memref<1x32xf32, #tpu.memory_space<hbm>>
      %dma_start3A_605 = tpu.memref_squeeze %dma_start3A_604 : memref<1x32xf32, #tpu.memory_space<hbm>> -> memref<32xf32, #tpu.memory_space<hbm>>
      %dma_start3A_606 = arith.constant 32 : i32
      %dma_start3A_607 = tpu.memref_slice %arg11[%add3A_583, %dma_start3A_606] : memref<512x128xf32, #tpu.memory_space<vmem>> -> memref<1x32xf32, #tpu.memory_space<vmem>>
      %dma_start3A_608 = tpu.memref_squeeze %dma_start3A_607 : memref<1x32xf32, #tpu.memory_space<vmem>> -> memref<32xf32, #tpu.memory_space<vmem>>
      %dma_start3A_609 = arith.constant 0 : i32
      %dma_start3A_610 = tpu.memref_slice %arg5[%squeeze3A_587, %dma_start3A_609] : memref<100000x32xf32, #tpu.memory_space<hbm>> -> memref<1x32xf32, #tpu.memory_space<hbm>>
      %dma_start3A_611 = tpu.memref_squeeze %dma_start3A_610 : memref<1x32xf32, #tpu.memory_space<hbm>> -> memref<32xf32, #tpu.memory_space<hbm>>
      tpu.enqueue_dma source(%dma_start3A_611 : memref<32xf32, #tpu.memory_space<hbm>>) target(%dma_start3A_608 : memref<32xf32, #tpu.memory_space<vmem>>) target_semaphore(%arg12 : memref<!tpu.dma_semaphore, #tpu.memory_space<semaphore_mem>>)
      %dma_start3A_612 = arith.constant 64 : i32
      %dma_start3A_613 = tpu.memref_slice %arg11[%add3A_583, %dma_start3A_612] : memref<512x128xf32, #tpu.memory_space<vmem>> -> memref<1x32xf32, #tpu.memory_space<vmem>>
      %dma_start3A_614 = tpu.memref_squeeze %dma_start3A_613 : memref<1x32xf32, #tpu.memory_space<vmem>> -> memref<32xf32, #tpu.memory_space<vmem>>
      %dma_start3A_615 = arith.constant 0 : i32
      %dma_start3A_616 = tpu.memref_slice %arg6[%squeeze3A_585, %dma_start3A_615] : memref<1000000x32xf32, #tpu.memory_space<hbm>> -> memref<1x32xf32, #tpu.memory_space<hbm>>
      %dma_start3A_617 = tpu.memref_squeeze %dma_start3A_616 : memref<1x32xf32, #tpu.memory_space<hbm>> -> memref<32xf32, #tpu.memory_space<hbm>>
      %dma_start3A_618 = arith.constant 64 : i32
      %dma_start3A_619 = tpu.memref_slice %arg11[%add3A_583, %dma_start3A_618] : memref<512x128xf32, #tpu.memory_space<vmem>> -> memref<1x32xf32, #tpu.memory_space<vmem>>
      %dma_start3A_620 = tpu.memref_squeeze %dma_start3A_619 : memref<1x32xf32, #tpu.memory_space<vmem>> -> memref<32xf32, #tpu.memory_space<vmem>>
      %dma_start3A_621 = arith.constant 0 : i32
      %dma_start3A_622 = tpu.memref_slice %arg6[%squeeze3A_585, %dma_start3A_621] : memref<1000000x32xf32, #tpu.memory_space<hbm>> -> memref<1x32xf32, #tpu.memory_space<hbm>>
      %dma_start3A_623 = tpu.memref_squeeze %dma_start3A_622 : memref<1x32xf32, #tpu.memory_space<hbm>> -> memref<32xf32, #tpu.memory_space<hbm>>
      tpu.enqueue_dma source(%dma_start3A_623 : memref<32xf32, #tpu.memory_space<hbm>>) target(%dma_start3A_620 : memref<32xf32, #tpu.memory_space<vmem>>) target_semaphore(%arg12 : memref<!tpu.dma_semaphore, #tpu.memory_space<semaphore_mem>>)
      %dma_start3A_624 = arith.constant 96 : i32
      %dma_start3A_625 = tpu.memref_slice %arg11[%add3A_583, %dma_start3A_624] : memref<512x128xf32, #tpu.memory_space<vmem>> -> memref<1x32xf32, #tpu.memory_space<vmem>>
      %dma_start3A_626 = tpu.memref_squeeze %dma_start3A_625 : memref<1x32xf32, #tpu.memory_space<vmem>> -> memref<32xf32, #tpu.memory_space<vmem>>
      %dma_start3A_627 = arith.constant 0 : i32
      %dma_start3A_628 = tpu.memref_slice %arg7[%squeeze3A_587, %dma_start3A_627] : memref<100000x32xf32, #tpu.memory_space<hbm>> -> memref<1x32xf32, #tpu.memory_space<hbm>>
      %dma_start3A_629 = tpu.memref_squeeze %dma_start3A_628 : memref<1x32xf32, #tpu.memory_space<hbm>> -> memref<32xf32, #tpu.memory_space<hbm>>
      %dma_start3A_630 = arith.constant 96 : i32
      %dma_start3A_631 = tpu.memref_slice %arg11[%add3A_583, %dma_start3A_630] : memref<512x128xf32, #tpu.memory_space<vmem>> -> memref<1x32xf32, #tpu.memory_space<vmem>>
      %dma_start3A_632 = tpu.memref_squeeze %dma_start3A_631 : memref<1x32xf32, #tpu.memory_space<vmem>> -> memref<32xf32, #tpu.memory_space<vmem>>
      %dma_start3A_633 = arith.constant 0 : i32
      %dma_start3A_634 = tpu.memref_slice %arg7[%squeeze3A_587, %dma_start3A_633] : memref<100000x32xf32, #tpu.memory_space<hbm>> -> memref<1x32xf32, #tpu.memory_space<hbm>>
      %dma_start3A_635 = tpu.memref_squeeze %dma_start3A_634 : memref<1x32xf32, #tpu.memory_space<hbm>> -> memref<32xf32, #tpu.memory_space<hbm>>
      tpu.enqueue_dma source(%dma_start3A_635 : memref<32xf32, #tpu.memory_space<hbm>>) target(%dma_start3A_632 : memref<32xf32, #tpu.memory_space<vmem>>) target_semaphore(%arg12 : memref<!tpu.dma_semaphore, #tpu.memory_space<semaphore_mem>>)
      %mul3A_636 = arith.constant 16 : i32
      %mul3A_637 = arith.muli %scan3A_12, %mul3A_636 : i32
      %add3A_638 = arith.constant 11 : i32
      %add3A_639 = arith.addi %mul3A_637, %add3A_638 : i32
      %slice3A_640 = vector.extract_strided_slice %get3A_17 {offsets = [11], sizes = [1], strides = [1]} : vector<16xi32> to vector<1xi32>
      %squeeze3A_641 = vector.extract %slice3A_640[0] : i32 from vector<1xi32>
      %slice3A_642 = vector.extract_strided_slice %get3A_22 {offsets = [11], sizes = [1], strides = [1]} : vector<16xi32> to vector<1xi32>
      %squeeze3A_643 = vector.extract %slice3A_642[0] : i32 from vector<1xi32>
      %dma_start3A_644 = arith.constant 0 : i32
      %dma_start3A_645 = tpu.memref_slice %arg11[%add3A_639, %dma_start3A_644] : memref<512x128xf32, #tpu.memory_space<vmem>> -> memref<1x32xf32, #tpu.memory_space<vmem>>
      %dma_start3A_646 = tpu.memref_squeeze %dma_start3A_645 : memref<1x32xf32, #tpu.memory_space<vmem>> -> memref<32xf32, #tpu.memory_space<vmem>>
      %dma_start3A_647 = arith.constant 0 : i32
      %dma_start3A_648 = tpu.memref_slice %arg4[%squeeze3A_641, %dma_start3A_647] : memref<1000000x32xf32, #tpu.memory_space<hbm>> -> memref<1x32xf32, #tpu.memory_space<hbm>>
      %dma_start3A_649 = tpu.memref_squeeze %dma_start3A_648 : memref<1x32xf32, #tpu.memory_space<hbm>> -> memref<32xf32, #tpu.memory_space<hbm>>
      %dma_start3A_650 = arith.constant 0 : i32
      %dma_start3A_651 = tpu.memref_slice %arg11[%add3A_639, %dma_start3A_650] : memref<512x128xf32, #tpu.memory_space<vmem>> -> memref<1x32xf32, #tpu.memory_space<vmem>>
      %dma_start3A_652 = tpu.memref_squeeze %dma_start3A_651 : memref<1x32xf32, #tpu.memory_space<vmem>> -> memref<32xf32, #tpu.memory_space<vmem>>
      %dma_start3A_653 = arith.constant 0 : i32
      %dma_start3A_654 = tpu.memref_slice %arg4[%squeeze3A_641, %dma_start3A_653] : memref<1000000x32xf32, #tpu.memory_space<hbm>> -> memref<1x32xf32, #tpu.memory_space<hbm>>
      %dma_start3A_655 = tpu.memref_squeeze %dma_start3A_654 : memref<1x32xf32, #tpu.memory_space<hbm>> -> memref<32xf32, #tpu.memory_space<hbm>>
      tpu.enqueue_dma source(%dma_start3A_655 : memref<32xf32, #tpu.memory_space<hbm>>) target(%dma_start3A_652 : memref<32xf32, #tpu.memory_space<vmem>>) target_semaphore(%arg12 : memref<!tpu.dma_semaphore, #tpu.memory_space<semaphore_mem>>)
      %dma_start3A_656 = arith.constant 32 : i32
      %dma_start3A_657 = tpu.memref_slice %arg11[%add3A_639, %dma_start3A_656] : memref<512x128xf32, #tpu.memory_space<vmem>> -> memref<1x32xf32, #tpu.memory_space<vmem>>
      %dma_start3A_658 = tpu.memref_squeeze %dma_start3A_657 : memref<1x32xf32, #tpu.memory_space<vmem>> -> memref<32xf32, #tpu.memory_space<vmem>>
      %dma_start3A_659 = arith.constant 0 : i32
      %dma_start3A_660 = tpu.memref_slice %arg5[%squeeze3A_643, %dma_start3A_659] : memref<100000x32xf32, #tpu.memory_space<hbm>> -> memref<1x32xf32, #tpu.memory_space<hbm>>
      %dma_start3A_661 = tpu.memref_squeeze %dma_start3A_660 : memref<1x32xf32, #tpu.memory_space<hbm>> -> memref<32xf32, #tpu.memory_space<hbm>>
      %dma_start3A_662 = arith.constant 32 : i32
      %dma_start3A_663 = tpu.memref_slice %arg11[%add3A_639, %dma_start3A_662] : memref<512x128xf32, #tpu.memory_space<vmem>> -> memref<1x32xf32, #tpu.memory_space<vmem>>
      %dma_start3A_664 = tpu.memref_squeeze %dma_start3A_663 : memref<1x32xf32, #tpu.memory_space<vmem>> -> memref<32xf32, #tpu.memory_space<vmem>>
      %dma_start3A_665 = arith.constant 0 : i32
      %dma_start3A_666 = tpu.memref_slice %arg5[%squeeze3A_643, %dma_start3A_665] : memref<100000x32xf32, #tpu.memory_space<hbm>> -> memref<1x32xf32, #tpu.memory_space<hbm>>
      %dma_start3A_667 = tpu.memref_squeeze %dma_start3A_666 : memref<1x32xf32, #tpu.memory_space<hbm>> -> memref<32xf32, #tpu.memory_space<hbm>>
      tpu.enqueue_dma source(%dma_start3A_667 : memref<32xf32, #tpu.memory_space<hbm>>) target(%dma_start3A_664 : memref<32xf32, #tpu.memory_space<vmem>>) target_semaphore(%arg12 : memref<!tpu.dma_semaphore, #tpu.memory_space<semaphore_mem>>)
      %dma_start3A_668 = arith.constant 64 : i32
      %dma_start3A_669 = tpu.memref_slice %arg11[%add3A_639, %dma_start3A_668] : memref<512x128xf32, #tpu.memory_space<vmem>> -> memref<1x32xf32, #tpu.memory_space<vmem>>
      %dma_start3A_670 = tpu.memref_squeeze %dma_start3A_669 : memref<1x32xf32, #tpu.memory_space<vmem>> -> memref<32xf32, #tpu.memory_space<vmem>>
      %dma_start3A_671 = arith.constant 0 : i32
      %dma_start3A_672 = tpu.memref_slice %arg6[%squeeze3A_641, %dma_start3A_671] : memref<1000000x32xf32, #tpu.memory_space<hbm>> -> memref<1x32xf32, #tpu.memory_space<hbm>>
      %dma_start3A_673 = tpu.memref_squeeze %dma_start3A_672 : memref<1x32xf32, #tpu.memory_space<hbm>> -> memref<32xf32, #tpu.memory_space<hbm>>
      %dma_start3A_674 = arith.constant 64 : i32
      %dma_start3A_675 = tpu.memref_slice %arg11[%add3A_639, %dma_start3A_674] : memref<512x128xf32, #tpu.memory_space<vmem>> -> memref<1x32xf32, #tpu.memory_space<vmem>>
      %dma_start3A_676 = tpu.memref_squeeze %dma_start3A_675 : memref<1x32xf32, #tpu.memory_space<vmem>> -> memref<32xf32, #tpu.memory_space<vmem>>
      %dma_start3A_677 = arith.constant 0 : i32
      %dma_start3A_678 = tpu.memref_slice %arg6[%squeeze3A_641, %dma_start3A_677] : memref<1000000x32xf32, #tpu.memory_space<hbm>> -> memref<1x32xf32, #tpu.memory_space<hbm>>
      %dma_start3A_679 = tpu.memref_squeeze %dma_start3A_678 : memref<1x32xf32, #tpu.memory_space<hbm>> -> memref<32xf32, #tpu.memory_space<hbm>>
      tpu.enqueue_dma source(%dma_start3A_679 : memref<32xf32, #tpu.memory_space<hbm>>) target(%dma_start3A_676 : memref<32xf32, #tpu.memory_space<vmem>>) target_semaphore(%arg12 : memref<!tpu.dma_semaphore, #tpu.memory_space<semaphore_mem>>)
      %dma_start3A_680 = arith.constant 96 : i32
      %dma_start3A_681 = tpu.memref_slice %arg11[%add3A_639, %dma_start3A_680] : memref<512x128xf32, #tpu.memory_space<vmem>> -> memref<1x32xf32, #tpu.memory_space<vmem>>
      %dma_start3A_682 = tpu.memref_squeeze %dma_start3A_681 : memref<1x32xf32, #tpu.memory_space<vmem>> -> memref<32xf32, #tpu.memory_space<vmem>>
      %dma_start3A_683 = arith.constant 0 : i32
      %dma_start3A_684 = tpu.memref_slice %arg7[%squeeze3A_643, %dma_start3A_683] : memref<100000x32xf32, #tpu.memory_space<hbm>> -> memref<1x32xf32, #tpu.memory_space<hbm>>
      %dma_start3A_685 = tpu.memref_squeeze %dma_start3A_684 : memref<1x32xf32, #tpu.memory_space<hbm>> -> memref<32xf32, #tpu.memory_space<hbm>>
      %dma_start3A_686 = arith.constant 96 : i32
      %dma_start3A_687 = tpu.memref_slice %arg11[%add3A_639, %dma_start3A_686] : memref<512x128xf32, #tpu.memory_space<vmem>> -> memref<1x32xf32, #tpu.memory_space<vmem>>
      %dma_start3A_688 = tpu.memref_squeeze %dma_start3A_687 : memref<1x32xf32, #tpu.memory_space<vmem>> -> memref<32xf32, #tpu.memory_space<vmem>>
      %dma_start3A_689 = arith.constant 0 : i32
      %dma_start3A_690 = tpu.memref_slice %arg7[%squeeze3A_643, %dma_start3A_689] : memref<100000x32xf32, #tpu.memory_space<hbm>> -> memref<1x32xf32, #tpu.memory_space<hbm>>
      %dma_start3A_691 = tpu.memref_squeeze %dma_start3A_690 : memref<1x32xf32, #tpu.memory_space<hbm>> -> memref<32xf32, #tpu.memory_space<hbm>>
      tpu.enqueue_dma source(%dma_start3A_691 : memref<32xf32, #tpu.memory_space<hbm>>) target(%dma_start3A_688 : memref<32xf32, #tpu.memory_space<vmem>>) target_semaphore(%arg12 : memref<!tpu.dma_semaphore, #tpu.memory_space<semaphore_mem>>)
      %mul3A_692 = arith.constant 16 : i32
      %mul3A_693 = arith.muli %scan3A_12, %mul3A_692 : i32
      %add3A_694 = arith.constant 12 : i32
      %add3A_695 = arith.addi %mul3A_693, %add3A_694 : i32
      %slice3A_696 = vector.extract_strided_slice %get3A_17 {offsets = [12], sizes = [1], strides = [1]} : vector<16xi32> to vector<1xi32>
      %squeeze3A_697 = vector.extract %slice3A_696[0] : i32 from vector<1xi32>
      %slice3A_698 = vector.extract_strided_slice %get3A_22 {offsets = [12], sizes = [1], strides = [1]} : vector<16xi32> to vector<1xi32>
      %squeeze3A_699 = vector.extract %slice3A_698[0] : i32 from vector<1xi32>
      %dma_start3A_700 = arith.constant 0 : i32
      %dma_start3A_701 = tpu.memref_slice %arg11[%add3A_695, %dma_start3A_700] : memref<512x128xf32, #tpu.memory_space<vmem>> -> memref<1x32xf32, #tpu.memory_space<vmem>>
      %dma_start3A_702 = tpu.memref_squeeze %dma_start3A_701 : memref<1x32xf32, #tpu.memory_space<vmem>> -> memref<32xf32, #tpu.memory_space<vmem>>
      %dma_start3A_703 = arith.constant 0 : i32
      %dma_start3A_704 = tpu.memref_slice %arg4[%squeeze3A_697, %dma_start3A_703] : memref<1000000x32xf32, #tpu.memory_space<hbm>> -> memref<1x32xf32, #tpu.memory_space<hbm>>
      %dma_start3A_705 = tpu.memref_squeeze %dma_start3A_704 : memref<1x32xf32, #tpu.memory_space<hbm>> -> memref<32xf32, #tpu.memory_space<hbm>>
      %dma_start3A_706 = arith.constant 0 : i32
      %dma_start3A_707 = tpu.memref_slice %arg11[%add3A_695, %dma_start3A_706] : memref<512x128xf32, #tpu.memory_space<vmem>> -> memref<1x32xf32, #tpu.memory_space<vmem>>
      %dma_start3A_708 = tpu.memref_squeeze %dma_start3A_707 : memref<1x32xf32, #tpu.memory_space<vmem>> -> memref<32xf32, #tpu.memory_space<vmem>>
      %dma_start3A_709 = arith.constant 0 : i32
      %dma_start3A_710 = tpu.memref_slice %arg4[%squeeze3A_697, %dma_start3A_709] : memref<1000000x32xf32, #tpu.memory_space<hbm>> -> memref<1x32xf32, #tpu.memory_space<hbm>>
      %dma_start3A_711 = tpu.memref_squeeze %dma_start3A_710 : memref<1x32xf32, #tpu.memory_space<hbm>> -> memref<32xf32, #tpu.memory_space<hbm>>
      tpu.enqueue_dma source(%dma_start3A_711 : memref<32xf32, #tpu.memory_space<hbm>>) target(%dma_start3A_708 : memref<32xf32, #tpu.memory_space<vmem>>) target_semaphore(%arg12 : memref<!tpu.dma_semaphore, #tpu.memory_space<semaphore_mem>>)
      %dma_start3A_712 = arith.constant 32 : i32
      %dma_start3A_713 = tpu.memref_slice %arg11[%add3A_695, %dma_start3A_712] : memref<512x128xf32, #tpu.memory_space<vmem>> -> memref<1x32xf32, #tpu.memory_space<vmem>>
      %dma_start3A_714 = tpu.memref_squeeze %dma_start3A_713 : memref<1x32xf32, #tpu.memory_space<vmem>> -> memref<32xf32, #tpu.memory_space<vmem>>
      %dma_start3A_715 = arith.constant 0 : i32
      %dma_start3A_716 = tpu.memref_slice %arg5[%squeeze3A_699, %dma_start3A_715] : memref<100000x32xf32, #tpu.memory_space<hbm>> -> memref<1x32xf32, #tpu.memory_space<hbm>>
      %dma_start3A_717 = tpu.memref_squeeze %dma_start3A_716 : memref<1x32xf32, #tpu.memory_space<hbm>> -> memref<32xf32, #tpu.memory_space<hbm>>
      %dma_start3A_718 = arith.constant 32 : i32
      %dma_start3A_719 = tpu.memref_slice %arg11[%add3A_695, %dma_start3A_718] : memref<512x128xf32, #tpu.memory_space<vmem>> -> memref<1x32xf32, #tpu.memory_space<vmem>>
      %dma_start3A_720 = tpu.memref_squeeze %dma_start3A_719 : memref<1x32xf32, #tpu.memory_space<vmem>> -> memref<32xf32, #tpu.memory_space<vmem>>
      %dma_start3A_721 = arith.constant 0 : i32
      %dma_start3A_722 = tpu.memref_slice %arg5[%squeeze3A_699, %dma_start3A_721] : memref<100000x32xf32, #tpu.memory_space<hbm>> -> memref<1x32xf32, #tpu.memory_space<hbm>>
      %dma_start3A_723 = tpu.memref_squeeze %dma_start3A_722 : memref<1x32xf32, #tpu.memory_space<hbm>> -> memref<32xf32, #tpu.memory_space<hbm>>
      tpu.enqueue_dma source(%dma_start3A_723 : memref<32xf32, #tpu.memory_space<hbm>>) target(%dma_start3A_720 : memref<32xf32, #tpu.memory_space<vmem>>) target_semaphore(%arg12 : memref<!tpu.dma_semaphore, #tpu.memory_space<semaphore_mem>>)
      %dma_start3A_724 = arith.constant 64 : i32
      %dma_start3A_725 = tpu.memref_slice %arg11[%add3A_695, %dma_start3A_724] : memref<512x128xf32, #tpu.memory_space<vmem>> -> memref<1x32xf32, #tpu.memory_space<vmem>>
      %dma_start3A_726 = tpu.memref_squeeze %dma_start3A_725 : memref<1x32xf32, #tpu.memory_space<vmem>> -> memref<32xf32, #tpu.memory_space<vmem>>
      %dma_start3A_727 = arith.constant 0 : i32
      %dma_start3A_728 = tpu.memref_slice %arg6[%squeeze3A_697, %dma_start3A_727] : memref<1000000x32xf32, #tpu.memory_space<hbm>> -> memref<1x32xf32, #tpu.memory_space<hbm>>
      %dma_start3A_729 = tpu.memref_squeeze %dma_start3A_728 : memref<1x32xf32, #tpu.memory_space<hbm>> -> memref<32xf32, #tpu.memory_space<hbm>>
      %dma_start3A_730 = arith.constant 64 : i32
      %dma_start3A_731 = tpu.memref_slice %arg11[%add3A_695, %dma_start3A_730] : memref<512x128xf32, #tpu.memory_space<vmem>> -> memref<1x32xf32, #tpu.memory_space<vmem>>
      %dma_start3A_732 = tpu.memref_squeeze %dma_start3A_731 : memref<1x32xf32, #tpu.memory_space<vmem>> -> memref<32xf32, #tpu.memory_space<vmem>>
      %dma_start3A_733 = arith.constant 0 : i32
      %dma_start3A_734 = tpu.memref_slice %arg6[%squeeze3A_697, %dma_start3A_733] : memref<1000000x32xf32, #tpu.memory_space<hbm>> -> memref<1x32xf32, #tpu.memory_space<hbm>>
      %dma_start3A_735 = tpu.memref_squeeze %dma_start3A_734 : memref<1x32xf32, #tpu.memory_space<hbm>> -> memref<32xf32, #tpu.memory_space<hbm>>
      tpu.enqueue_dma source(%dma_start3A_735 : memref<32xf32, #tpu.memory_space<hbm>>) target(%dma_start3A_732 : memref<32xf32, #tpu.memory_space<vmem>>) target_semaphore(%arg12 : memref<!tpu.dma_semaphore, #tpu.memory_space<semaphore_mem>>)
      %dma_start3A_736 = arith.constant 96 : i32
      %dma_start3A_737 = tpu.memref_slice %arg11[%add3A_695, %dma_start3A_736] : memref<512x128xf32, #tpu.memory_space<vmem>> -> memref<1x32xf32, #tpu.memory_space<vmem>>
      %dma_start3A_738 = tpu.memref_squeeze %dma_start3A_737 : memref<1x32xf32, #tpu.memory_space<vmem>> -> memref<32xf32, #tpu.memory_space<vmem>>
      %dma_start3A_739 = arith.constant 0 : i32
      %dma_start3A_740 = tpu.memref_slice %arg7[%squeeze3A_699, %dma_start3A_739] : memref<100000x32xf32, #tpu.memory_space<hbm>> -> memref<1x32xf32, #tpu.memory_space<hbm>>
      %dma_start3A_741 = tpu.memref_squeeze %dma_start3A_740 : memref<1x32xf32, #tpu.memory_space<hbm>> -> memref<32xf32, #tpu.memory_space<hbm>>
      %dma_start3A_742 = arith.constant 96 : i32
      %dma_start3A_743 = tpu.memref_slice %arg11[%add3A_695, %dma_start3A_742] : memref<512x128xf32, #tpu.memory_space<vmem>> -> memref<1x32xf32, #tpu.memory_space<vmem>>
      %dma_start3A_744 = tpu.memref_squeeze %dma_start3A_743 : memref<1x32xf32, #tpu.memory_space<vmem>> -> memref<32xf32, #tpu.memory_space<vmem>>
      %dma_start3A_745 = arith.constant 0 : i32
      %dma_start3A_746 = tpu.memref_slice %arg7[%squeeze3A_699, %dma_start3A_745] : memref<100000x32xf32, #tpu.memory_space<hbm>> -> memref<1x32xf32, #tpu.memory_space<hbm>>
      %dma_start3A_747 = tpu.memref_squeeze %dma_start3A_746 : memref<1x32xf32, #tpu.memory_space<hbm>> -> memref<32xf32, #tpu.memory_space<hbm>>
      tpu.enqueue_dma source(%dma_start3A_747 : memref<32xf32, #tpu.memory_space<hbm>>) target(%dma_start3A_744 : memref<32xf32, #tpu.memory_space<vmem>>) target_semaphore(%arg12 : memref<!tpu.dma_semaphore, #tpu.memory_space<semaphore_mem>>)
      %mul3A_748 = arith.constant 16 : i32
      %mul3A_749 = arith.muli %scan3A_12, %mul3A_748 : i32
      %add3A_750 = arith.constant 13 : i32
      %add3A_751 = arith.addi %mul3A_749, %add3A_750 : i32
      %slice3A_752 = vector.extract_strided_slice %get3A_17 {offsets = [13], sizes = [1], strides = [1]} : vector<16xi32> to vector<1xi32>
      %squeeze3A_753 = vector.extract %slice3A_752[0] : i32 from vector<1xi32>
      %slice3A_754 = vector.extract_strided_slice %get3A_22 {offsets = [13], sizes = [1], strides = [1]} : vector<16xi32> to vector<1xi32>
      %squeeze3A_755 = vector.extract %slice3A_754[0] : i32 from vector<1xi32>
      %dma_start3A_756 = arith.constant 0 : i32
      %dma_start3A_757 = tpu.memref_slice %arg11[%add3A_751, %dma_start3A_756] : memref<512x128xf32, #tpu.memory_space<vmem>> -> memref<1x32xf32, #tpu.memory_space<vmem>>
      %dma_start3A_758 = tpu.memref_squeeze %dma_start3A_757 : memref<1x32xf32, #tpu.memory_space<vmem>> -> memref<32xf32, #tpu.memory_space<vmem>>
      %dma_start3A_759 = arith.constant 0 : i32
      %dma_start3A_760 = tpu.memref_slice %arg4[%squeeze3A_753, %dma_start3A_759] : memref<1000000x32xf32, #tpu.memory_space<hbm>> -> memref<1x32xf32, #tpu.memory_space<hbm>>
      %dma_start3A_761 = tpu.memref_squeeze %dma_start3A_760 : memref<1x32xf32, #tpu.memory_space<hbm>> -> memref<32xf32, #tpu.memory_space<hbm>>
      %dma_start3A_762 = arith.constant 0 : i32
      %dma_start3A_763 = tpu.memref_slice %arg11[%add3A_751, %dma_start3A_762] : memref<512x128xf32, #tpu.memory_space<vmem>> -> memref<1x32xf32, #tpu.memory_space<vmem>>
      %dma_start3A_764 = tpu.memref_squeeze %dma_start3A_763 : memref<1x32xf32, #tpu.memory_space<vmem>> -> memref<32xf32, #tpu.memory_space<vmem>>
      %dma_start3A_765 = arith.constant 0 : i32
      %dma_start3A_766 = tpu.memref_slice %arg4[%squeeze3A_753, %dma_start3A_765] : memref<1000000x32xf32, #tpu.memory_space<hbm>> -> memref<1x32xf32, #tpu.memory_space<hbm>>
      %dma_start3A_767 = tpu.memref_squeeze %dma_start3A_766 : memref<1x32xf32, #tpu.memory_space<hbm>> -> memref<32xf32, #tpu.memory_space<hbm>>
      tpu.enqueue_dma source(%dma_start3A_767 : memref<32xf32, #tpu.memory_space<hbm>>) target(%dma_start3A_764 : memref<32xf32, #tpu.memory_space<vmem>>) target_semaphore(%arg12 : memref<!tpu.dma_semaphore, #tpu.memory_space<semaphore_mem>>)
      %dma_start3A_768 = arith.constant 32 : i32
      %dma_start3A_769 = tpu.memref_slice %arg11[%add3A_751, %dma_start3A_768] : memref<512x128xf32, #tpu.memory_space<vmem>> -> memref<1x32xf32, #tpu.memory_space<vmem>>
      %dma_start3A_770 = tpu.memref_squeeze %dma_start3A_769 : memref<1x32xf32, #tpu.memory_space<vmem>> -> memref<32xf32, #tpu.memory_space<vmem>>
      %dma_start3A_771 = arith.constant 0 : i32
      %dma_start3A_772 = tpu.memref_slice %arg5[%squeeze3A_755, %dma_start3A_771] : memref<100000x32xf32, #tpu.memory_space<hbm>> -> memref<1x32xf32, #tpu.memory_space<hbm>>
      %dma_start3A_773 = tpu.memref_squeeze %dma_start3A_772 : memref<1x32xf32, #tpu.memory_space<hbm>> -> memref<32xf32, #tpu.memory_space<hbm>>
      %dma_start3A_774 = arith.constant 32 : i32
      %dma_start3A_775 = tpu.memref_slice %arg11[%add3A_751, %dma_start3A_774] : memref<512x128xf32, #tpu.memory_space<vmem>> -> memref<1x32xf32, #tpu.memory_space<vmem>>
      %dma_start3A_776 = tpu.memref_squeeze %dma_start3A_775 : memref<1x32xf32, #tpu.memory_space<vmem>> -> memref<32xf32, #tpu.memory_space<vmem>>
      %dma_start3A_777 = arith.constant 0 : i32
      %dma_start3A_778 = tpu.memref_slice %arg5[%squeeze3A_755, %dma_start3A_777] : memref<100000x32xf32, #tpu.memory_space<hbm>> -> memref<1x32xf32, #tpu.memory_space<hbm>>
      %dma_start3A_779 = tpu.memref_squeeze %dma_start3A_778 : memref<1x32xf32, #tpu.memory_space<hbm>> -> memref<32xf32, #tpu.memory_space<hbm>>
      tpu.enqueue_dma source(%dma_start3A_779 : memref<32xf32, #tpu.memory_space<hbm>>) target(%dma_start3A_776 : memref<32xf32, #tpu.memory_space<vmem>>) target_semaphore(%arg12 : memref<!tpu.dma_semaphore, #tpu.memory_space<semaphore_mem>>)
      %dma_start3A_780 = arith.constant 64 : i32
      %dma_start3A_781 = tpu.memref_slice %arg11[%add3A_751, %dma_start3A_780] : memref<512x128xf32, #tpu.memory_space<vmem>> -> memref<1x32xf32, #tpu.memory_space<vmem>>
      %dma_start3A_782 = tpu.memref_squeeze %dma_start3A_781 : memref<1x32xf32, #tpu.memory_space<vmem>> -> memref<32xf32, #tpu.memory_space<vmem>>
      %dma_start3A_783 = arith.constant 0 : i32
      %dma_start3A_784 = tpu.memref_slice %arg6[%squeeze3A_753, %dma_start3A_783] : memref<1000000x32xf32, #tpu.memory_space<hbm>> -> memref<1x32xf32, #tpu.memory_space<hbm>>
      %dma_start3A_785 = tpu.memref_squeeze %dma_start3A_784 : memref<1x32xf32, #tpu.memory_space<hbm>> -> memref<32xf32, #tpu.memory_space<hbm>>
      %dma_start3A_786 = arith.constant 64 : i32
      %dma_start3A_787 = tpu.memref_slice %arg11[%add3A_751, %dma_start3A_786] : memref<512x128xf32, #tpu.memory_space<vmem>> -> memref<1x32xf32, #tpu.memory_space<vmem>>
      %dma_start3A_788 = tpu.memref_squeeze %dma_start3A_787 : memref<1x32xf32, #tpu.memory_space<vmem>> -> memref<32xf32, #tpu.memory_space<vmem>>
      %dma_start3A_789 = arith.constant 0 : i32
      %dma_start3A_790 = tpu.memref_slice %arg6[%squeeze3A_753, %dma_start3A_789] : memref<1000000x32xf32, #tpu.memory_space<hbm>> -> memref<1x32xf32, #tpu.memory_space<hbm>>
      %dma_start3A_791 = tpu.memref_squeeze %dma_start3A_790 : memref<1x32xf32, #tpu.memory_space<hbm>> -> memref<32xf32, #tpu.memory_space<hbm>>
      tpu.enqueue_dma source(%dma_start3A_791 : memref<32xf32, #tpu.memory_space<hbm>>) target(%dma_start3A_788 : memref<32xf32, #tpu.memory_space<vmem>>) target_semaphore(%arg12 : memref<!tpu.dma_semaphore, #tpu.memory_space<semaphore_mem>>)
      %dma_start3A_792 = arith.constant 96 : i32
      %dma_start3A_793 = tpu.memref_slice %arg11[%add3A_751, %dma_start3A_792] : memref<512x128xf32, #tpu.memory_space<vmem>> -> memref<1x32xf32, #tpu.memory_space<vmem>>
      %dma_start3A_794 = tpu.memref_squeeze %dma_start3A_793 : memref<1x32xf32, #tpu.memory_space<vmem>> -> memref<32xf32, #tpu.memory_space<vmem>>
      %dma_start3A_795 = arith.constant 0 : i32
      %dma_start3A_796 = tpu.memref_slice %arg7[%squeeze3A_755, %dma_start3A_795] : memref<100000x32xf32, #tpu.memory_space<hbm>> -> memref<1x32xf32, #tpu.memory_space<hbm>>
      %dma_start3A_797 = tpu.memref_squeeze %dma_start3A_796 : memref<1x32xf32, #tpu.memory_space<hbm>> -> memref<32xf32, #tpu.memory_space<hbm>>
      %dma_start3A_798 = arith.constant 96 : i32
      %dma_start3A_799 = tpu.memref_slice %arg11[%add3A_751, %dma_start3A_798] : memref<512x128xf32, #tpu.memory_space<vmem>> -> memref<1x32xf32, #tpu.memory_space<vmem>>
      %dma_start3A_800 = tpu.memref_squeeze %dma_start3A_799 : memref<1x32xf32, #tpu.memory_space<vmem>> -> memref<32xf32, #tpu.memory_space<vmem>>
      %dma_start3A_801 = arith.constant 0 : i32
      %dma_start3A_802 = tpu.memref_slice %arg7[%squeeze3A_755, %dma_start3A_801] : memref<100000x32xf32, #tpu.memory_space<hbm>> -> memref<1x32xf32, #tpu.memory_space<hbm>>
      %dma_start3A_803 = tpu.memref_squeeze %dma_start3A_802 : memref<1x32xf32, #tpu.memory_space<hbm>> -> memref<32xf32, #tpu.memory_space<hbm>>
      tpu.enqueue_dma source(%dma_start3A_803 : memref<32xf32, #tpu.memory_space<hbm>>) target(%dma_start3A_800 : memref<32xf32, #tpu.memory_space<vmem>>) target_semaphore(%arg12 : memref<!tpu.dma_semaphore, #tpu.memory_space<semaphore_mem>>)
      %mul3A_804 = arith.constant 16 : i32
      %mul3A_805 = arith.muli %scan3A_12, %mul3A_804 : i32
      %add3A_806 = arith.constant 14 : i32
      %add3A_807 = arith.addi %mul3A_805, %add3A_806 : i32
      %slice3A_808 = vector.extract_strided_slice %get3A_17 {offsets = [14], sizes = [1], strides = [1]} : vector<16xi32> to vector<1xi32>
      %squeeze3A_809 = vector.extract %slice3A_808[0] : i32 from vector<1xi32>
      %slice3A_810 = vector.extract_strided_slice %get3A_22 {offsets = [14], sizes = [1], strides = [1]} : vector<16xi32> to vector<1xi32>
      %squeeze3A_811 = vector.extract %slice3A_810[0] : i32 from vector<1xi32>
      %dma_start3A_812 = arith.constant 0 : i32
      %dma_start3A_813 = tpu.memref_slice %arg11[%add3A_807, %dma_start3A_812] : memref<512x128xf32, #tpu.memory_space<vmem>> -> memref<1x32xf32, #tpu.memory_space<vmem>>
      %dma_start3A_814 = tpu.memref_squeeze %dma_start3A_813 : memref<1x32xf32, #tpu.memory_space<vmem>> -> memref<32xf32, #tpu.memory_space<vmem>>
      %dma_start3A_815 = arith.constant 0 : i32
      %dma_start3A_816 = tpu.memref_slice %arg4[%squeeze3A_809, %dma_start3A_815] : memref<1000000x32xf32, #tpu.memory_space<hbm>> -> memref<1x32xf32, #tpu.memory_space<hbm>>
      %dma_start3A_817 = tpu.memref_squeeze %dma_start3A_816 : memref<1x32xf32, #tpu.memory_space<hbm>> -> memref<32xf32, #tpu.memory_space<hbm>>
      %dma_start3A_818 = arith.constant 0 : i32
      %dma_start3A_819 = tpu.memref_slice %arg11[%add3A_807, %dma_start3A_818] : memref<512x128xf32, #tpu.memory_space<vmem>> -> memref<1x32xf32, #tpu.memory_space<vmem>>
      %dma_start3A_820 = tpu.memref_squeeze %dma_start3A_819 : memref<1x32xf32, #tpu.memory_space<vmem>> -> memref<32xf32, #tpu.memory_space<vmem>>
      %dma_start3A_821 = arith.constant 0 : i32
      %dma_start3A_822 = tpu.memref_slice %arg4[%squeeze3A_809, %dma_start3A_821] : memref<1000000x32xf32, #tpu.memory_space<hbm>> -> memref<1x32xf32, #tpu.memory_space<hbm>>
      %dma_start3A_823 = tpu.memref_squeeze %dma_start3A_822 : memref<1x32xf32, #tpu.memory_space<hbm>> -> memref<32xf32, #tpu.memory_space<hbm>>
      tpu.enqueue_dma source(%dma_start3A_823 : memref<32xf32, #tpu.memory_space<hbm>>) target(%dma_start3A_820 : memref<32xf32, #tpu.memory_space<vmem>>) target_semaphore(%arg12 : memref<!tpu.dma_semaphore, #tpu.memory_space<semaphore_mem>>)
      %dma_start3A_824 = arith.constant 32 : i32
      %dma_start3A_825 = tpu.memref_slice %arg11[%add3A_807, %dma_start3A_824] : memref<512x128xf32, #tpu.memory_space<vmem>> -> memref<1x32xf32, #tpu.memory_space<vmem>>
      %dma_start3A_826 = tpu.memref_squeeze %dma_start3A_825 : memref<1x32xf32, #tpu.memory_space<vmem>> -> memref<32xf32, #tpu.memory_space<vmem>>
      %dma_start3A_827 = arith.constant 0 : i32
      %dma_start3A_828 = tpu.memref_slice %arg5[%squeeze3A_811, %dma_start3A_827] : memref<100000x32xf32, #tpu.memory_space<hbm>> -> memref<1x32xf32, #tpu.memory_space<hbm>>
      %dma_start3A_829 = tpu.memref_squeeze %dma_start3A_828 : memref<1x32xf32, #tpu.memory_space<hbm>> -> memref<32xf32, #tpu.memory_space<hbm>>
      %dma_start3A_830 = arith.constant 32 : i32
      %dma_start3A_831 = tpu.memref_slice %arg11[%add3A_807, %dma_start3A_830] : memref<512x128xf32, #tpu.memory_space<vmem>> -> memref<1x32xf32, #tpu.memory_space<vmem>>
      %dma_start3A_832 = tpu.memref_squeeze %dma_start3A_831 : memref<1x32xf32, #tpu.memory_space<vmem>> -> memref<32xf32, #tpu.memory_space<vmem>>
      %dma_start3A_833 = arith.constant 0 : i32
      %dma_start3A_834 = tpu.memref_slice %arg5[%squeeze3A_811, %dma_start3A_833] : memref<100000x32xf32, #tpu.memory_space<hbm>> -> memref<1x32xf32, #tpu.memory_space<hbm>>
      %dma_start3A_835 = tpu.memref_squeeze %dma_start3A_834 : memref<1x32xf32, #tpu.memory_space<hbm>> -> memref<32xf32, #tpu.memory_space<hbm>>
      tpu.enqueue_dma source(%dma_start3A_835 : memref<32xf32, #tpu.memory_space<hbm>>) target(%dma_start3A_832 : memref<32xf32, #tpu.memory_space<vmem>>) target_semaphore(%arg12 : memref<!tpu.dma_semaphore, #tpu.memory_space<semaphore_mem>>)
      %dma_start3A_836 = arith.constant 64 : i32
      %dma_start3A_837 = tpu.memref_slice %arg11[%add3A_807, %dma_start3A_836] : memref<512x128xf32, #tpu.memory_space<vmem>> -> memref<1x32xf32, #tpu.memory_space<vmem>>
      %dma_start3A_838 = tpu.memref_squeeze %dma_start3A_837 : memref<1x32xf32, #tpu.memory_space<vmem>> -> memref<32xf32, #tpu.memory_space<vmem>>
      %dma_start3A_839 = arith.constant 0 : i32
      %dma_start3A_840 = tpu.memref_slice %arg6[%squeeze3A_809, %dma_start3A_839] : memref<1000000x32xf32, #tpu.memory_space<hbm>> -> memref<1x32xf32, #tpu.memory_space<hbm>>
      %dma_start3A_841 = tpu.memref_squeeze %dma_start3A_840 : memref<1x32xf32, #tpu.memory_space<hbm>> -> memref<32xf32, #tpu.memory_space<hbm>>
      %dma_start3A_842 = arith.constant 64 : i32
      %dma_start3A_843 = tpu.memref_slice %arg11[%add3A_807, %dma_start3A_842] : memref<512x128xf32, #tpu.memory_space<vmem>> -> memref<1x32xf32, #tpu.memory_space<vmem>>
      %dma_start3A_844 = tpu.memref_squeeze %dma_start3A_843 : memref<1x32xf32, #tpu.memory_space<vmem>> -> memref<32xf32, #tpu.memory_space<vmem>>
      %dma_start3A_845 = arith.constant 0 : i32
      %dma_start3A_846 = tpu.memref_slice %arg6[%squeeze3A_809, %dma_start3A_845] : memref<1000000x32xf32, #tpu.memory_space<hbm>> -> memref<1x32xf32, #tpu.memory_space<hbm>>
      %dma_start3A_847 = tpu.memref_squeeze %dma_start3A_846 : memref<1x32xf32, #tpu.memory_space<hbm>> -> memref<32xf32, #tpu.memory_space<hbm>>
      tpu.enqueue_dma source(%dma_start3A_847 : memref<32xf32, #tpu.memory_space<hbm>>) target(%dma_start3A_844 : memref<32xf32, #tpu.memory_space<vmem>>) target_semaphore(%arg12 : memref<!tpu.dma_semaphore, #tpu.memory_space<semaphore_mem>>)
      %dma_start3A_848 = arith.constant 96 : i32
      %dma_start3A_849 = tpu.memref_slice %arg11[%add3A_807, %dma_start3A_848] : memref<512x128xf32, #tpu.memory_space<vmem>> -> memref<1x32xf32, #tpu.memory_space<vmem>>
      %dma_start3A_850 = tpu.memref_squeeze %dma_start3A_849 : memref<1x32xf32, #tpu.memory_space<vmem>> -> memref<32xf32, #tpu.memory_space<vmem>>
      %dma_start3A_851 = arith.constant 0 : i32
      %dma_start3A_852 = tpu.memref_slice %arg7[%squeeze3A_811, %dma_start3A_851] : memref<100000x32xf32, #tpu.memory_space<hbm>> -> memref<1x32xf32, #tpu.memory_space<hbm>>
      %dma_start3A_853 = tpu.memref_squeeze %dma_start3A_852 : memref<1x32xf32, #tpu.memory_space<hbm>> -> memref<32xf32, #tpu.memory_space<hbm>>
      %dma_start3A_854 = arith.constant 96 : i32
      %dma_start3A_855 = tpu.memref_slice %arg11[%add3A_807, %dma_start3A_854] : memref<512x128xf32, #tpu.memory_space<vmem>> -> memref<1x32xf32, #tpu.memory_space<vmem>>
      %dma_start3A_856 = tpu.memref_squeeze %dma_start3A_855 : memref<1x32xf32, #tpu.memory_space<vmem>> -> memref<32xf32, #tpu.memory_space<vmem>>
      %dma_start3A_857 = arith.constant 0 : i32
      %dma_start3A_858 = tpu.memref_slice %arg7[%squeeze3A_811, %dma_start3A_857] : memref<100000x32xf32, #tpu.memory_space<hbm>> -> memref<1x32xf32, #tpu.memory_space<hbm>>
      %dma_start3A_859 = tpu.memref_squeeze %dma_start3A_858 : memref<1x32xf32, #tpu.memory_space<hbm>> -> memref<32xf32, #tpu.memory_space<hbm>>
      tpu.enqueue_dma source(%dma_start3A_859 : memref<32xf32, #tpu.memory_space<hbm>>) target(%dma_start3A_856 : memref<32xf32, #tpu.memory_space<vmem>>) target_semaphore(%arg12 : memref<!tpu.dma_semaphore, #tpu.memory_space<semaphore_mem>>)
      %mul3A_860 = arith.constant 16 : i32
      %mul3A_861 = arith.muli %scan3A_12, %mul3A_860 : i32
      %add3A_862 = arith.constant 15 : i32
      %add3A_863 = arith.addi %mul3A_861, %add3A_862 : i32
      %slice3A_864 = vector.extract_strided_slice %get3A_17 {offsets = [15], sizes = [1], strides = [1]} : vector<16xi32> to vector<1xi32>
      %squeeze3A_865 = vector.extract %slice3A_864[0] : i32 from vector<1xi32>
      %slice3A_866 = vector.extract_strided_slice %get3A_22 {offsets = [15], sizes = [1], strides = [1]} : vector<16xi32> to vector<1xi32>
      %squeeze3A_867 = vector.extract %slice3A_866[0] : i32 from vector<1xi32>
      %dma_start3A_868 = arith.constant 0 : i32
      %dma_start3A_869 = tpu.memref_slice %arg11[%add3A_863, %dma_start3A_868] : memref<512x128xf32, #tpu.memory_space<vmem>> -> memref<1x32xf32, #tpu.memory_space<vmem>>
      %dma_start3A_870 = tpu.memref_squeeze %dma_start3A_869 : memref<1x32xf32, #tpu.memory_space<vmem>> -> memref<32xf32, #tpu.memory_space<vmem>>
      %dma_start3A_871 = arith.constant 0 : i32
      %dma_start3A_872 = tpu.memref_slice %arg4[%squeeze3A_865, %dma_start3A_871] : memref<1000000x32xf32, #tpu.memory_space<hbm>> -> memref<1x32xf32, #tpu.memory_space<hbm>>
      %dma_start3A_873 = tpu.memref_squeeze %dma_start3A_872 : memref<1x32xf32, #tpu.memory_space<hbm>> -> memref<32xf32, #tpu.memory_space<hbm>>
      %dma_start3A_874 = arith.constant 0 : i32
      %dma_start3A_875 = tpu.memref_slice %arg11[%add3A_863, %dma_start3A_874] : memref<512x128xf32, #tpu.memory_space<vmem>> -> memref<1x32xf32, #tpu.memory_space<vmem>>
      %dma_start3A_876 = tpu.memref_squeeze %dma_start3A_875 : memref<1x32xf32, #tpu.memory_space<vmem>> -> memref<32xf32, #tpu.memory_space<vmem>>
      %dma_start3A_877 = arith.constant 0 : i32
      %dma_start3A_878 = tpu.memref_slice %arg4[%squeeze3A_865, %dma_start3A_877] : memref<1000000x32xf32, #tpu.memory_space<hbm>> -> memref<1x32xf32, #tpu.memory_space<hbm>>
      %dma_start3A_879 = tpu.memref_squeeze %dma_start3A_878 : memref<1x32xf32, #tpu.memory_space<hbm>> -> memref<32xf32, #tpu.memory_space<hbm>>
      tpu.enqueue_dma source(%dma_start3A_879 : memref<32xf32, #tpu.memory_space<hbm>>) target(%dma_start3A_876 : memref<32xf32, #tpu.memory_space<vmem>>) target_semaphore(%arg12 : memref<!tpu.dma_semaphore, #tpu.memory_space<semaphore_mem>>)
      %dma_start3A_880 = arith.constant 32 : i32
      %dma_start3A_881 = tpu.memref_slice %arg11[%add3A_863, %dma_start3A_880] : memref<512x128xf32, #tpu.memory_space<vmem>> -> memref<1x32xf32, #tpu.memory_space<vmem>>
      %dma_start3A_882 = tpu.memref_squeeze %dma_start3A_881 : memref<1x32xf32, #tpu.memory_space<vmem>> -> memref<32xf32, #tpu.memory_space<vmem>>
      %dma_start3A_883 = arith.constant 0 : i32
      %dma_start3A_884 = tpu.memref_slice %arg5[%squeeze3A_867, %dma_start3A_883] : memref<100000x32xf32, #tpu.memory_space<hbm>> -> memref<1x32xf32, #tpu.memory_space<hbm>>
      %dma_start3A_885 = tpu.memref_squeeze %dma_start3A_884 : memref<1x32xf32, #tpu.memory_space<hbm>> -> memref<32xf32, #tpu.memory_space<hbm>>
      %dma_start3A_886 = arith.constant 32 : i32
      %dma_start3A_887 = tpu.memref_slice %arg11[%add3A_863, %dma_start3A_886] : memref<512x128xf32, #tpu.memory_space<vmem>> -> memref<1x32xf32, #tpu.memory_space<vmem>>
      %dma_start3A_888 = tpu.memref_squeeze %dma_start3A_887 : memref<1x32xf32, #tpu.memory_space<vmem>> -> memref<32xf32, #tpu.memory_space<vmem>>
      %dma_start3A_889 = arith.constant 0 : i32
      %dma_start3A_890 = tpu.memref_slice %arg5[%squeeze3A_867, %dma_start3A_889] : memref<100000x32xf32, #tpu.memory_space<hbm>> -> memref<1x32xf32, #tpu.memory_space<hbm>>
      %dma_start3A_891 = tpu.memref_squeeze %dma_start3A_890 : memref<1x32xf32, #tpu.memory_space<hbm>> -> memref<32xf32, #tpu.memory_space<hbm>>
      tpu.enqueue_dma source(%dma_start3A_891 : memref<32xf32, #tpu.memory_space<hbm>>) target(%dma_start3A_888 : memref<32xf32, #tpu.memory_space<vmem>>) target_semaphore(%arg12 : memref<!tpu.dma_semaphore, #tpu.memory_space<semaphore_mem>>)
      %dma_start3A_892 = arith.constant 64 : i32
      %dma_start3A_893 = tpu.memref_slice %arg11[%add3A_863, %dma_start3A_892] : memref<512x128xf32, #tpu.memory_space<vmem>> -> memref<1x32xf32, #tpu.memory_space<vmem>>
      %dma_start3A_894 = tpu.memref_squeeze %dma_start3A_893 : memref<1x32xf32, #tpu.memory_space<vmem>> -> memref<32xf32, #tpu.memory_space<vmem>>
      %dma_start3A_895 = arith.constant 0 : i32
      %dma_start3A_896 = tpu.memref_slice %arg6[%squeeze3A_865, %dma_start3A_895] : memref<1000000x32xf32, #tpu.memory_space<hbm>> -> memref<1x32xf32, #tpu.memory_space<hbm>>
      %dma_start3A_897 = tpu.memref_squeeze %dma_start3A_896 : memref<1x32xf32, #tpu.memory_space<hbm>> -> memref<32xf32, #tpu.memory_space<hbm>>
      %dma_start3A_898 = arith.constant 64 : i32
      %dma_start3A_899 = tpu.memref_slice %arg11[%add3A_863, %dma_start3A_898] : memref<512x128xf32, #tpu.memory_space<vmem>> -> memref<1x32xf32, #tpu.memory_space<vmem>>
      %dma_start3A_900 = tpu.memref_squeeze %dma_start3A_899 : memref<1x32xf32, #tpu.memory_space<vmem>> -> memref<32xf32, #tpu.memory_space<vmem>>
      %dma_start3A_901 = arith.constant 0 : i32
      %dma_start3A_902 = tpu.memref_slice %arg6[%squeeze3A_865, %dma_start3A_901] : memref<1000000x32xf32, #tpu.memory_space<hbm>> -> memref<1x32xf32, #tpu.memory_space<hbm>>
      %dma_start3A_903 = tpu.memref_squeeze %dma_start3A_902 : memref<1x32xf32, #tpu.memory_space<hbm>> -> memref<32xf32, #tpu.memory_space<hbm>>
      tpu.enqueue_dma source(%dma_start3A_903 : memref<32xf32, #tpu.memory_space<hbm>>) target(%dma_start3A_900 : memref<32xf32, #tpu.memory_space<vmem>>) target_semaphore(%arg12 : memref<!tpu.dma_semaphore, #tpu.memory_space<semaphore_mem>>)
      %dma_start3A_904 = arith.constant 96 : i32
      %dma_start3A_905 = tpu.memref_slice %arg11[%add3A_863, %dma_start3A_904] : memref<512x128xf32, #tpu.memory_space<vmem>> -> memref<1x32xf32, #tpu.memory_space<vmem>>
      %dma_start3A_906 = tpu.memref_squeeze %dma_start3A_905 : memref<1x32xf32, #tpu.memory_space<vmem>> -> memref<32xf32, #tpu.memory_space<vmem>>
      %dma_start3A_907 = arith.constant 0 : i32
      %dma_start3A_908 = tpu.memref_slice %arg7[%squeeze3A_867, %dma_start3A_907] : memref<100000x32xf32, #tpu.memory_space<hbm>> -> memref<1x32xf32, #tpu.memory_space<hbm>>
      %dma_start3A_909 = tpu.memref_squeeze %dma_start3A_908 : memref<1x32xf32, #tpu.memory_space<hbm>> -> memref<32xf32, #tpu.memory_space<hbm>>
      %dma_start3A_910 = arith.constant 96 : i32
      %dma_start3A_911 = tpu.memref_slice %arg11[%add3A_863, %dma_start3A_910] : memref<512x128xf32, #tpu.memory_space<vmem>> -> memref<1x32xf32, #tpu.memory_space<vmem>>
      %dma_start3A_912 = tpu.memref_squeeze %dma_start3A_911 : memref<1x32xf32, #tpu.memory_space<vmem>> -> memref<32xf32, #tpu.memory_space<vmem>>
      %dma_start3A_913 = arith.constant 0 : i32
      %dma_start3A_914 = tpu.memref_slice %arg7[%squeeze3A_867, %dma_start3A_913] : memref<100000x32xf32, #tpu.memory_space<hbm>> -> memref<1x32xf32, #tpu.memory_space<hbm>>
      %dma_start3A_915 = tpu.memref_squeeze %dma_start3A_914 : memref<1x32xf32, #tpu.memory_space<hbm>> -> memref<32xf32, #tpu.memory_space<hbm>>
      tpu.enqueue_dma source(%dma_start3A_915 : memref<32xf32, #tpu.memory_space<hbm>>) target(%dma_start3A_912 : memref<32xf32, #tpu.memory_space<vmem>>) target_semaphore(%arg12 : memref<!tpu.dma_semaphore, #tpu.memory_space<semaphore_mem>>)
      %scan3A_916 = arith.constant 0 : i32
      scf.yield %scan3A_916 : i32
    }
    %scan3A_8 = arith.constant 32 : i32
    %dma_wait3A = arith.constant 0 : i32
    %dma_wait3A_9 = tpu.memref_slice %arg8[%mul3A_2, %dma_wait3A] : memref<16384x128xf32, #tpu.memory_space<hbm>> -> memref<512x128xf32, #tpu.memory_space<hbm>>
    %dma_wait3A_10 = arith.constant 0 : i32
    %dma_wait3A_11 = tpu.memref_slice %arg8[%mul3A_2, %dma_wait3A_10] : memref<16384x128xf32, #tpu.memory_space<hbm>> -> memref<512x128xf32, #tpu.memory_space<hbm>>
    tpu.wait_dma2 semaphore(%arg12 : memref<!tpu.dma_semaphore, #tpu.memory_space<semaphore_mem>>) src(%dma_wait3A_11 : memref<512x128xf32, #tpu.memory_space<hbm>>) dst(%arg11 : memref<512x128xf32, #tpu.memory_space<vmem>>)
    "tpu.region"() ({
      %run_scoped3A = tpu.sem_alloc : memref<!tpu.dma_semaphore, #tpu.memory_space<semaphore_mem>>
      %dma_start3A = arith.constant 0 : i32
      %dma_start3A_12 = tpu.memref_slice %arg8[%mul3A_2, %dma_start3A] : memref<16384x128xf32, #tpu.memory_space<hbm>> -> memref<512x128xf32, #tpu.memory_space<hbm>>
      %dma_start3A_13 = arith.constant 0 : i32
      %dma_start3A_14 = tpu.memref_slice %arg8[%mul3A_2, %dma_start3A_13] : memref<16384x128xf32, #tpu.memory_space<hbm>> -> memref<512x128xf32, #tpu.memory_space<hbm>>
      tpu.enqueue_dma source(%arg11 : memref<512x128xf32, #tpu.memory_space<vmem>>) target(%dma_start3A_14 : memref<512x128xf32, #tpu.memory_space<hbm>>) target_semaphore(%run_scoped3A : memref<!tpu.dma_semaphore, #tpu.memory_space<semaphore_mem>>)
      %dma_wait3A_15 = arith.constant 0 : i32
      %dma_wait3A_16 = tpu.memref_slice %arg8[%mul3A_2, %dma_wait3A_15] : memref<16384x128xf32, #tpu.memory_space<hbm>> -> memref<512x128xf32, #tpu.memory_space<hbm>>
      %dma_wait3A_17 = arith.constant 0 : i32
      %dma_wait3A_18 = tpu.memref_slice %arg8[%mul3A_2, %dma_wait3A_17] : memref<16384x128xf32, #tpu.memory_space<hbm>> -> memref<512x128xf32, #tpu.memory_space<hbm>>
      tpu.wait_dma2 semaphore(%run_scoped3A : memref<!tpu.dma_semaphore, #tpu.memory_space<semaphore_mem>>) src(%arg11 : memref<512x128xf32, #tpu.memory_space<vmem>>) dst(%dma_wait3A_18 : memref<512x128xf32, #tpu.memory_space<hbm>>)
      tpu.yield
    }) : () -> ()
    return
  }
}

module attributes {stable_mosaic.version = 14 : i64} {
  func.func @_tc_body(%arg0: i32, %arg1: memref<2048x128xf32, #tpu.memory_space<vmem>>, %arg2: memref<32x32xf32, #tpu.memory_space<vmem>>, %arg3: memref<32x32xf32, #tpu.memory_space<vmem>>, %arg4: memref<32xf32, #tpu.memory_space<vmem>>, %arg5: memref<32x16xf32, #tpu.memory_space<vmem>>, %arg6: memref<16xf32, #tpu.memory_space<vmem>>, %arg7: memref<32x1xf32, #tpu.memory_space<vmem>>, %arg8: memref<16x1xf32, #tpu.memory_space<vmem>>, %arg9: memref<1xf32, #tpu.memory_space<vmem>>, %arg10: memref<2048x1xf32, #tpu.memory_space<vmem>>) attributes {dimension_semantics = [#tpu.dimension_semantics<arbitrary>], iteration_bounds = array<i64: 8>, scalar_prefetch = 0 : i64, scratch_operands = 0 : i64, tpu.core_type = #tpu.core_type<tc>, window_params = [{transform_indices = @transform_0, window_bounds = array<i64: 2048, 128>}, {pipeline_mode = #tpu.pipeline_mode<synchronous>, transform_indices = @transform_1, window_bounds = array<i64: 32, 32>}, {pipeline_mode = #tpu.pipeline_mode<synchronous>, transform_indices = @transform_2, window_bounds = array<i64: 32, 32>}, {pipeline_mode = #tpu.pipeline_mode<synchronous>, transform_indices = @transform_3, window_bounds = array<i64: 32>}, {pipeline_mode = #tpu.pipeline_mode<synchronous>, transform_indices = @transform_4, window_bounds = array<i64: 32, 16>}, {pipeline_mode = #tpu.pipeline_mode<synchronous>, transform_indices = @transform_5, window_bounds = array<i64: 16>}, {pipeline_mode = #tpu.pipeline_mode<synchronous>, transform_indices = @transform_6, window_bounds = array<i64: 32, 1>}, {pipeline_mode = #tpu.pipeline_mode<synchronous>, transform_indices = @transform_7, window_bounds = array<i64: 16, 1>}, {pipeline_mode = #tpu.pipeline_mode<synchronous>, transform_indices = @transform_8, window_bounds = array<i64: 1>}, {transform_indices = @transform_9, window_bounds = array<i64: 2048, 1>}]} {
    %get3A = arith.constant 0 : index
    %get3A_0 = arith.constant 0 : index
    %get3A_1 = vector.load %arg1[%get3A, %get3A_0] : memref<2048x128xf32, #tpu.memory_space<vmem>>, vector<2048x32xf32>
    %get3A_2 = arith.constant 0 : index
    %get3A_3 = arith.constant 32 : index
    %get3A_4 = vector.load %arg1[%get3A_2, %get3A_3] : memref<2048x128xf32, #tpu.memory_space<vmem>>, vector<2048x32xf32>
    %get3A_5 = arith.constant 0 : index
    %get3A_6 = arith.constant 64 : index
    %get3A_7 = vector.load %arg1[%get3A_5, %get3A_6] : memref<2048x128xf32, #tpu.memory_space<vmem>>, vector<2048x32xf32>
    %get3A_8 = arith.constant 0 : index
    %get3A_9 = arith.constant 96 : index
    %get3A_10 = vector.load %arg1[%get3A_8, %get3A_9] : memref<2048x128xf32, #tpu.memory_space<vmem>>, vector<2048x32xf32>
    %get3A_11 = arith.constant 0 : index
    %get3A_12 = arith.constant 0 : index
    %get3A_13 = vector.load %arg2[%get3A_11, %get3A_12] : memref<32x32xf32, #tpu.memory_space<vmem>>, vector<32x32xf32>
    %dot_general3A = arith.constant dense<0.000000e+00> : vector<2048x32xf32>
    %dot_general3A_14 = tpu.matmul %get3A_7, %get3A_13, %dot_general3A {dimension_numbers = #tpu.dot_dimension_numbers<[1], [0], [0], [1], [0, 0, 1, 1], [], []>, transpose_lhs_hint = false} : vector<2048x32xf32>, vector<32x32xf32>, vector<2048x32xf32> -> vector<2048x32xf32>
    %get3A_15 = arith.constant 0 : index
    %get3A_16 = arith.constant 0 : index
    %get3A_17 = vector.load %arg3[%get3A_15, %get3A_16] : memref<32x32xf32, #tpu.memory_space<vmem>>, vector<32x32xf32>
    %dot_general3A_18 = arith.constant dense<0.000000e+00> : vector<2048x32xf32>
    %dot_general3A_19 = tpu.matmul %get3A_10, %get3A_17, %dot_general3A_18 {dimension_numbers = #tpu.dot_dimension_numbers<[1], [0], [0], [1], [0, 0, 1, 1], [], []>, transpose_lhs_hint = false} : vector<2048x32xf32>, vector<32x32xf32>, vector<2048x32xf32> -> vector<2048x32xf32>
    %add3A = arith.addf %dot_general3A_14, %dot_general3A_19 : vector<2048x32xf32>
    %get3A_20 = arith.constant 0 : index
    %get3A_21 = vector.load %arg4[%get3A_20] : memref<32xf32, #tpu.memory_space<vmem>>, vector<32xf32>
    %broadcast_in_dim3A = vector.shape_cast %get3A_21 : vector<32xf32> to vector<1x32xf32>
    %add3A_22 = vector.broadcast %broadcast_in_dim3A : vector<1x32xf32> to vector<2048x32xf32>
    %add3A_23 = arith.addf %add3A, %add3A_22 : vector<2048x32xf32>
    %max3A = arith.constant 0.000000e+00 : f32
    %max3A_24 = vector.broadcast %max3A : f32 to vector<2048x32xf32>
    %max3A_25 = arith.maximumf %add3A_23, %max3A_24 : vector<2048x32xf32>
    %get3A_26 = arith.constant 0 : index
    %get3A_27 = arith.constant 0 : index
    %get3A_28 = vector.load %arg5[%get3A_26, %get3A_27] : memref<32x16xf32, #tpu.memory_space<vmem>>, vector<32x16xf32>
    %dot_general3A_29 = arith.constant dense<0.000000e+00> : vector<2048x16xf32>
    %dot_general3A_30 = tpu.matmul %max3A_25, %get3A_28, %dot_general3A_29 {dimension_numbers = #tpu.dot_dimension_numbers<[1], [0], [0], [1], [0, 0, 1, 1], [], []>, transpose_lhs_hint = false} : vector<2048x32xf32>, vector<32x16xf32>, vector<2048x16xf32> -> vector<2048x16xf32>
    %get3A_31 = arith.constant 0 : index
    %get3A_32 = vector.load %arg6[%get3A_31] : memref<16xf32, #tpu.memory_space<vmem>>, vector<16xf32>
    %broadcast_in_dim3A_33 = vector.shape_cast %get3A_32 : vector<16xf32> to vector<1x16xf32>
    %add3A_34 = vector.broadcast %broadcast_in_dim3A_33 : vector<1x16xf32> to vector<2048x16xf32>
    %add3A_35 = arith.addf %dot_general3A_30, %add3A_34 : vector<2048x16xf32>
    %max3A_36 = arith.constant 0.000000e+00 : f32
    %max3A_37 = vector.broadcast %max3A_36 : f32 to vector<2048x16xf32>
    %max3A_38 = arith.maximumf %add3A_35, %max3A_37 : vector<2048x16xf32>
    %mul3A = arith.mulf %get3A_1, %get3A_4 : vector<2048x32xf32>
    %get3A_39 = arith.constant 0 : index
    %get3A_40 = arith.constant 0 : index
    %get3A_41 = vector.load %arg7[%get3A_39, %get3A_40] : memref<32x1xf32, #tpu.memory_space<vmem>>, vector<32x1xf32>
    %dot_general3A_42 = arith.constant dense<0.000000e+00> : vector<2048x1xf32>
    %dot_general3A_43 = tpu.matmul %mul3A, %get3A_41, %dot_general3A_42 {dimension_numbers = #tpu.dot_dimension_numbers<[1], [0], [0], [1], [0, 0, 1, 1], [], []>, transpose_lhs_hint = false} : vector<2048x32xf32>, vector<32x1xf32>, vector<2048x1xf32> -> vector<2048x1xf32>
    %get3A_44 = arith.constant 0 : index
    %get3A_45 = arith.constant 0 : index
    %get3A_46 = vector.load %arg8[%get3A_44, %get3A_45] : memref<16x1xf32, #tpu.memory_space<vmem>>, vector<16x1xf32>
    %dot_general3A_47 = arith.constant dense<0.000000e+00> : vector<2048x1xf32>
    %dot_general3A_48 = tpu.matmul %max3A_38, %get3A_46, %dot_general3A_47 {dimension_numbers = #tpu.dot_dimension_numbers<[1], [0], [0], [1], [0, 0, 1, 1], [], []>, transpose_lhs_hint = false} : vector<2048x16xf32>, vector<16x1xf32>, vector<2048x1xf32> -> vector<2048x1xf32>
    %add3A_49 = arith.addf %dot_general3A_43, %dot_general3A_48 : vector<2048x1xf32>
    %get3A_50 = arith.constant 0 : index
    %get3A_51 = vector.load %arg9[%get3A_50] : memref<1xf32, #tpu.memory_space<vmem>>, vector<1xf32>
    %broadcast_in_dim3A_52 = vector.shape_cast %get3A_51 : vector<1xf32> to vector<1x1xf32>
    %add3A_53 = vector.broadcast %broadcast_in_dim3A_52 : vector<1x1xf32> to vector<2048x1xf32>
    %add3A_54 = arith.addf %add3A_49, %add3A_53 : vector<2048x1xf32>
    %neg3A = arith.constant 0.000000e+00 : f32
    %neg3A_55 = vector.broadcast %neg3A : f32 to vector<2048x1xf32>
    %neg3A_56 = arith.subf %neg3A_55, %add3A_54 : vector<2048x1xf32>
    %exp3A = math.exp %neg3A_56 : vector<2048x1xf32>
    %add3A_57 = arith.constant 1.000000e+00 : f32
    %add3A_58 = vector.broadcast %add3A_57 : f32 to vector<2048x1xf32>
    %add3A_59 = arith.addf %add3A_58, %exp3A : vector<2048x1xf32>
    %div3A = arith.constant 1.000000e+00 : f32
    %div3A_60 = vector.broadcast %div3A : f32 to vector<2048x1xf32>
    %div3A_61 = arith.divf %div3A_60, %add3A_59 : vector<2048x1xf32>
    %swap3A = arith.constant 0 : index
    %swap3A_62 = arith.constant 0 : index
    %swap3A_63 = vector.load %arg10[%swap3A, %swap3A_62] : memref<2048x1xf32, #tpu.memory_space<vmem>>, vector<2048x1xf32>
    tpu.vector_store %arg10[%swap3A, %swap3A_62], %div3A_61 {strides = array<i32>} : memref<2048x1xf32, #tpu.memory_space<vmem>>, vector<2048x1xf32>,
    return
  }
  func.func @transform_0(%arg0: i32) -> (i32, i32) {
    %c0_i32 = arith.constant 0 : i32
    %c0_i32_0 = arith.constant 0 : i32
    return %arg0, %c0_i32 : i32, i32
  }
  func.func @transform_1(%arg0: i32) -> (i32, i32) {
    %c0_i32 = arith.constant 0 : i32
    %c0_i32_0 = arith.constant 0 : i32
    %c0_i32_1 = arith.constant 0 : i32
    return %c0_i32, %c0_i32_0 : i32, i32
  }
  func.func @transform_2(%arg0: i32) -> (i32, i32) {
    %c0_i32 = arith.constant 0 : i32
    %c0_i32_0 = arith.constant 0 : i32
    %c0_i32_1 = arith.constant 0 : i32
    return %c0_i32, %c0_i32_0 : i32, i32
  }
  func.func @transform_3(%arg0: i32) -> i32 {
    %c0_i32 = arith.constant 0 : i32
    %c0_i32_0 = arith.constant 0 : i32
    return %c0_i32 : i32
  }
  func.func @transform_4(%arg0: i32) -> (i32, i32) {
    %c0_i32 = arith.constant 0 : i32
    %c0_i32_0 = arith.constant 0 : i32
    %c0_i32_1 = arith.constant 0 : i32
    return %c0_i32, %c0_i32_0 : i32, i32
  }
  func.func @transform_5(%arg0: i32) -> i32 {
    %c0_i32 = arith.constant 0 : i32
    %c0_i32_0 = arith.constant 0 : i32
    return %c0_i32 : i32
  }
  func.func @transform_6(%arg0: i32) -> (i32, i32) {
    %c0_i32 = arith.constant 0 : i32
    %c0_i32_0 = arith.constant 0 : i32
    %c0_i32_1 = arith.constant 0 : i32
    return %c0_i32, %c0_i32_0 : i32, i32
  }
  func.func @transform_7(%arg0: i32) -> (i32, i32) {
    %c0_i32 = arith.constant 0 : i32
    %c0_i32_0 = arith.constant 0 : i32
    %c0_i32_1 = arith.constant 0 : i32
    return %c0_i32, %c0_i32_0 : i32, i32
  }
  func.func @transform_8(%arg0: i32) -> i32 {
    %c0_i32 = arith.constant 0 : i32
    %c0_i32_0 = arith.constant 0 : i32
    return %c0_i32 : i32
  }
  func.func @transform_9(%arg0: i32) -> (i32, i32) {
    %c0_i32 = arith.constant 0 : i32
    %c0_i32_0 = arith.constant 0 : i32
    return %arg0, %c0_i32 : i32, i32
  }
}

</mosaic_0001>

<sc_bundles>
// kernel: kernel.4.cloned.1.call-start
scs
__scs_entry_jumppad:
0x0: {  	(pc) =	sbr.rel $0x88, $3  }
0x1: {  	(tag) =	ssettag $0x0;
	lr =	simm.s32 $0x1  }
0x2: {  	[smem:$0x3F95] =	sst lr;
	_ =	strace $0xD0000000  }
0x3: {  	_ = 	snop  }
0x4: {  	_ = 	snop  }
0x5: {  	_ = 	snop  }
0x6: {  	_ = 	snop  }
0x7: {  	_ = 	snop  }
__scs_overlays_trampoline_lowered:
0x8: {  	[smem:$0x3FA4] =	sst s0  }
0x9: {  	[smem:$0x3FA5] =	sst s1  }
0xa: {  	[smem:$0x3FA6] =	sst s2  }
0xb: {  	[smem:$0x3FA7] =	sst s3  }
0xc: {  	[smem:$0x3FA8] =	sst s4  }
0xd: {  	[smem:$0x3FA9] =	sst s5  }
0xe: {  	[smem:$0x3FAA] =	sst s6  }
0xf: {  	[smem:$0x3FAB] =	sst s7  }
0x10: {  	[smem:$0x3FAC] =	sst s8  }
0x11: {  	[smem:$0x3FAD] =	sst s9;
	s0 =	simm.s32 @!p0 $0x0  }
0x12: {  	s1 =	sld [smem:$0x3F93];
	s0 =	simm.s32 @p0 $0x1  }
0x13: {  	[smem:$0x3FAE] =	sst s0;
	s0 =	simm.s32 @!p1 $0x0  }
0x14: {  	s2 =	sld [smem:$0x3F92];
	s0 =	simm.s32 @p1 $0x1  }
0x15: {  	[smem:$0x3FAF] =	sst s0;
	s0 =	simm.s32 @!p2 $0x0  }
0x16: {  	s3 =	sld [smem:$0x3FDB];
	s0 =	simm.s32 @p2 $0x1  }
0x17: {  	s4 =	simm.s32 $0x1BF5;
	[smem:$0x3FB1] =	sst s0  }
0x18: {  	s0 =	sld [smem:$0x3F94];
	_ =	swait.ge [sflag:s4], $0x0  }
0x19: {  	s7 =	sld [smem:$0x3F95]  }
0x1a: {  	s8 =	sadd.s32 $0xFFFFE003, lr  }
0x1b: {  	s9 =	sadd.s32 $0xFFFFFEF7, lr;
	s5 =	simm.s32 $0xFFFFFFFF;
	p2 =	slt.u32 s8, $0xFFFFF086  }
0x1c: {  	p1 =	slt.u32 s9, $0xF7A;
	s5 =	simm.s32 @!p2 $0x0  }
0x1d: {  	s5 =	simm.s32 @p1 $0x1;
	p0 =	seq.s32 s7, s2  }
0x1e: {  	s7 =	smul.u32 @!p0 $0xF7A, s2;
	p2 =	seq.s32 @!p0 s5, $0x0  }
0x1f: {  	s9 =	smul.u32 $0xF7A, s1;
	s8 =	simm.s32 @!p0 $0x1BF5;
	p2 =	por !p2, p0  }
0x20: {  	[sflag:s8] =	ssyncset.s32 @!p0 $0xFFFFF086;
	s6 =	sadd.s32 @!p0 s3, s7;
	s7 =	simm.s32 @!p0 $0x108  }
0x21: {  	s3 =	sadd.s32 s3, s9;
	s6 =	sadd.s32 @!p0 $0x88, s6;
	s7 =	simm.s32 @p2 $0x1082  }
0x22: {  	[simem:s7], [sflag:s8] =	dma.local @!p0 [hbm:s6], $0xF7A  }
0x23: {  	s9 =	sor.u32 $0xD0000000, s2;
	s6 =	simm.s32 $0x108;
	_ =	swait.ge @!p0 [sflag:s8], $0x0  }
0x24: {  	s3 =	sadd.s32 $0x88, s3;
	s6 =	simm.s32 @!p1 $0x1082;
	[sflag:s4] =	ssyncset.s32 $0xFFFFF086  }
0x25: {  	[simem:s6], [sflag:s4] =	dma.local [hbm:s3], $0xF7A  }
0x26: {  	[smem:$0x3F95] =	sst s1;
	(tag) =	ssettag s2;
	_ =	strace s9  }
0x27: {  	s1 =	sld [smem:$0x3FA5]  }
0x28: {  	s2 =	sld [smem:$0x3FA6]  }
0x29: {  	s4 =	sld [smem:$0x3FA8]  }
0x2a: {  	p0 =	seq.s32 s5, $0x0;
	s5 =	sld [smem:$0x3FA9]  }
0x2b: {  	s6 =	sld [smem:$0x3FAA]  }
0x2c: {  	s7 =	sld [smem:$0x3FAB]  }
0x2d: {  	s3 =	simm.s32 $0x108;
	s8 =	sld [smem:$0x3FAC]  }
0x2e: {  	s3 =	simm.s32 @!p0 $0x1082;
	s9 =	sld [smem:$0x3FAD]  }
0x2f: {  	lr =	sadd.s32 s0, s3;
	s0 =	sld [smem:$0x3FA4]  }
0x30: {  	s3 =	sld [smem:$0x3FA7]  }
0x31: {  	[smem:$0x3FB0] =	sst s10  }
0x32: {  	s10 =	sld [smem:$0x3FAE];
	_ =	sdelay $0x3  }
0x33: {  	p0 =	seq.s32 s10, $0x1;
	s10 =	sld [smem:$0x3FB0];
	_ =	sdelay $0x3  }
0x34: {  	[smem:$0x3FB0] =	sst s10  }
0x35: {  	s10 =	sld [smem:$0x3FAF];
	_ =	sdelay $0x3  }
0x36: {  	p1 =	seq.s32 s10, $0x1;
	s10 =	sld [smem:$0x3FB0];
	_ =	sdelay $0x3  }
0x37: {  	[smem:$0x3FB0] =	sst s10  }
0x38: {  	s10 =	sld [smem:$0x3FB1]  }
0x39: {  	_ = 	snop;
	(pc) =	sbr.ind lr, $3  }
0x3a: {  	_ = 	snop  }
0x3b: {  	_ = 	snop  }
0x3c: {  	p2 =	seq.s32 s10, $0x1;
	s10 =	sld [smem:$0x3FB0]  }
0x3d: {  	_ =	shalt  }
0x3e: {  	_ =	shalt  }
0x3f: {  	_ =	shalt  }
0x40: {  	_ =	shalt  }
0x41: {  	_ =	shalt  }
0x42: {  	_ =	shalt  }
0x43: {  	_ =	shalt  }
0x44: {  	_ =	shalt  }
0x45: {  	_ =	shalt  }
0x46: {  	_ =	shalt  }
0x47: {  	_ =	shalt  }
0x48: {  	_ =	shalt  }
0x49: {  	_ =	shalt  }
0x4a: {  	_ =	shalt  }
0x4b: {  	_ =	shalt  }
0x4c: {  	_ =	shalt  }
0x4d: {  	_ =	shalt  }
0x4e: {  	_ =	shalt  }
0x4f: {  	_ =	shalt  }
0x50: {  	_ =	shalt  }
0x51: {  	_ =	shalt  }
0x52: {  	_ =	shalt  }
0x53: {  	_ =	shalt  }
0x54: {  	_ =	shalt  }
0x55: {  	_ =	shalt  }
0x56: {  	_ =	shalt  }
0x57: {  	_ =	shalt  }
0x58: {  	_ =	shalt  }
0x59: {  	_ =	shalt  }
0x5a: {  	_ =	shalt  }
0x5b: {  	_ =	shalt  }
0x5c: {  	_ =	shalt  }
0x5d: {  	_ =	shalt  }
0x5e: {  	_ =	shalt  }
0x5f: {  	_ =	shalt  }
0x60: {  	_ =	shalt  }
0x61: {  	_ =	shalt  }
0x62: {  	_ =	shalt  }
0x63: {  	_ =	shalt  }
0x64: {  	_ =	shalt  }
0x65: {  	_ =	shalt  }
0x66: {  	_ =	shalt  }
0x67: {  	_ =	shalt  }
0x68: {  	_ =	shalt  }
0x69: {  	_ =	shalt  }
0x6a: {  	_ =	shalt  }
0x6b: {  	_ =	shalt  }
0x6c: {  	_ =	shalt  }
0x6d: {  	_ =	shalt  }
0x6e: {  	_ =	shalt  }
0x6f: {  	_ =	shalt  }
0x70: {  	_ =	shalt  }
0x71: {  	_ =	shalt  }
0x72: {  	_ =	shalt  }
0x73: {  	_ =	shalt  }
0x74: {  	_ =	shalt  }
0x75: {  	_ =	shalt  }
0x76: {  	_ =	shalt  }
0x77: {  	_ =	shalt  }
0x78: {  	_ =	shalt  }
0x79: {  	_ =	shalt  }
0x7a: {  	_ =	shalt  }
0x7b: {  	_ =	shalt  }
0x7c: {  	_ =	shalt  }
0x7d: {  	_ =	shalt  }
0x7e: {  	_ =	shalt  }
0x7f: {  	_ =	shalt  }
0x80: {  	_ =	shalt  }
0x81: {  	_ =	shalt  }
0x82: {  	_ =	shalt  }
0x83: {  	_ =	shalt  }
0x84: {  	_ =	shalt  }
0x85: {  	_ =	shalt  }
0x86: {  	_ =	shalt  }
0x87: {  	_ =	shalt  }
.Lfunc_end0:
.L_simem_size_0:
called_computation_lowered:
.L_overlay_start_0:
0x88: {  	s2 =	sld [smem:$0x3FD9]  }
0x89: {  	s3 =	sld [smem:$0x3FFE];
	_ =	sdelay $0x1  }
0x8a: {  	s1 =	srdreg.scid  }
0x8b: {  	s0 =	sand.u32 $0x1, s1  }
0x8c: {  	s17 =	sshll.u32 s0, $0xA;
	s2 =	sadd.s32 s3, s2  }
0x8d: {  	s2 =	sadd.s32 s2, s17  }
0x8e: {  	[smem:$0x3FBC] =	sst s2  }
0x8f: {  	_ = 	snop  }
0x90: {  	s2 =	sld [smem:$0x3FC9]  }
0x91: {  	s18 =	sld [smem:$0x3FC8];
	(tm) =	ssettm $0x1  }
0x92: {  	s4 =	sld [smem:$0x3FFB];
	_ =	sdelay $0x3  }
0x93: {  	_ =	strace s4  }
0x94: {  	s4 =	sld [smem:$0x3FFC];
	_ =	sdelay $0x3  }
0x95: {  	_ =	strace s4  }
0x96: {  	s4 =	sld [smem:$0x3FFD];
	_ =	sdelay $0x3  }
0x97: {  	_ =	strace s4  }
0x98: {  	_ =	strace $0x8FFFFFFF  }
0x99: {  	s19 =	sld [smem:$0x3FDB];
	_ =	sdelay $0x1  }
0x9a: {  	s5 =	simm.s32 $_scs_section_size  }
0x9b: {  	s6 =	simm.s32 $_size__tile_overlayer_lowered;
	s7 =	simm.s32 $_tile_overlayer_lowered  }
0x9c: {  	s22 =	simm.s32 $0x1BFF;
	s21 =	sshll.u32 s7, $0x1;
	s4 =	sadd.s32 s5, s19  }
0x9d: {  	s8 =	simm.s32 $0x0;
	s20 =	sshll.u32 s6, $0x1;
	s6 =	sadd.s32 s21, s4  }
0x9e: {  	[timem:s8], [sflag:s22] =	dma.local [hbm:s6], s20  }
0x9f: {  	_ =	swait.ge [sflag:s22], s20  }
0xa0: {  	s5 =	ssub.s32 $0x0, s20;
	[sflag:s22] =	ssyncset.done $0x0  }
0xa1: {  	[sflag:s22] =	ssyncadd.s32 s5;
	_ =	sdelay $0x1  }
0xa2: {  	s23 =	simm.s32 $0x1B8B  }
0xa3: {  	_ =	swait.ge [sflag:s23], $0x1  }
0xa4: {  	[sflag:s23] =	ssyncset.done $0x0  }
0xa5: {  	s25 =	simm.s32 $0x1B8E;
	s24 =	sld [smem:$0x3FFE];
	[sflag:s23] =	ssyncadd.s32 $0xFFFFFFFF  }
0xa6: {  	s26 =	simm.s32 $execute0_lowered;
	[smem:$0x3FD2] =	sst s25  }
0xa7: {  	s6 =	sshll.u32 s26, $0x1;
	_ =	strace $0x80000046;
	[dreg:$0x1] =	wrdreg $0xFFFFFFFF  }
0xa8: {  	s28 =	simm.s32 $_size_execute0_lowered;
	s4 =	sadd.s32 s4, s6;
	[dreg:$0x0] =	wrdreg $0x0  }
0xa9: {  	s6 =	sshll.u32 s28, $0x1;
	[dreg:$0x2] =	wrdreg s4  }
0xaa: {  	[dreg:$0x3] =	wrdreg s6  }
0xab: {  	[dreg:$0x4] =	wrdreg $0xC0  }
0xac: {  	_ =	task [dreg:s8], $0x5FFFF  }
0xad: {  	[dreg:$0x1] =	wrdreg $0xFFFFFFFF  }
0xae: {  	[dreg:$0x0] =	wrdreg $0x60  }
0xaf: {  	[dreg:$0x2] =	wrdreg s2  }
0xb0: {  	[dreg:$0x3] =	wrdreg s18  }
0xb1: {  	[dreg:$0x4] =	wrdreg s24  }
0xb2: {  	[dreg:$0x5] =	wrdreg $0x9  }
0xb3: {  	_ =	task.clear_ibuf [dreg:s8], $0x6FFFF;
	_ =	strace $0x90000046  }
0xb4: {  	s29 =	simm.s32 $0x9;
	_ =	strace $0x80000048  }
0xb5: {  	_ =	swait.ge [sflag:s29], $0x1  }
0xb6: {  	[sflag:s29] =	ssyncadd.s32 $0xFFFFFFFF  }
0xb7: {  	_ =	strace $0x90000048  }
0xb8: {  	_ =	sfence  }
0xb9: {  	s30 =	sld [smem:$0x0];
	_ =	sdelay $0x2  }
0xba: {  	s31 =	sshll.u32 s1, $0xD;
	s1 =	sshrl.u32 s1, $0x2  }
0xbb: {  	s3 =	sand.u32 $0x4000, s31;
	s1 =	sadd.s32 s1, s30  }
0xbc: {  	s0 =	sor.u32 s3, s0;
	s1 =	sshll.u32 s1, $0x11  }
0xbd: {  	s0 =	sor.u32 s1, s0  }
0xbe: {  	s0 =	sadd.s32 $0x8F2B, s0  }
0xbf: {  	[sflag:s0] =	ssyncadd.remote.s32 $0x1  }
0xc0: {  	_ =	sfence.sel $0xFFFF  }
0xc1: {  	[dreg:$0x0] =	wrdreg $0xFFFFFFFF;
	(pc) =	sbr.abs _section_cstart, $3  }
0xc2: {  	[dreg:$0x1] =	wrdreg $0xFFFFFFFF  }
0xc3: {  	_ =	task.clear_ibuf [dreg:s8], $0x2FFFF;
	_ =	strace $0x9FFFFFFF  }
0xc4: {  	(tm) =	ssettm $0x7FFFFFFF  }
0xc5: {  	_ =	shalt  }
tec
execute0_lowered:
.L_overlay_start_1:
0x0: {  	(tag) =	ssettag $0x1  }
0x1: {  	s0 =	rddreg [dreg:$0x0]  }
0x2: {  	s2 =	rddreg [dreg:$0x1]  }
0x3: {  	s7 =	rddreg [dreg:$0x2];
	s1 =	simm.s32 $0x0  }
0x4: {  	s4 =	srdreg.scid;
	s5 =	stileid.u32;
	s12 =	simm.s32 $0x80  }
0x5: {  	[smem:$0x7FF] =	sst s1;
	s3 =	sadd.s32 $0x1200, s7;
	s6 =	sand.u32 $0x1, s4  }
0x6: {  	s4 =	sadd.s32 $0xF43600, s7;
	s8 =	sshll.u32 s5, $0xA;
	s9 =	sshll.u32 s6, $0x9  }
0x7: {  	s5 =	sadd.s32 $0x10CA000, s7;
	_ =	strace $0x80000047;
	s8 =	sor.u32 s9, s8  }
0x8: {  	s28 =	ssub.s32 $0x2, s6;
	s10 =	sshll.u32 s8, $0x4;
	s8 =	sshrl.u32 s8, $0x3  }
0x9: {  	s6 =	sadd.s32 $0x200C400, s7;
	s11 =	sshrl.u32 s28, $0x1;
	s0 =	sadd.s32 s0, s8  }
0xa: {  	s9 =	ssub.s32 s28, s11;
	s29 =	sadd.s32 s2, s8;
	[dreg:$0xa] =	wrdreg s0  }
0xb: {  	s7 =	sadd.s32 s10, s7;
	s31 =	smax.u32 s9, $0x1;
	[dreg:$0xb] =	wrdreg s29  }
0xc: {  	s13 =	simm.s32 $0x400;
	s30 =	sadd.s32 $0x2192E00, s7;
	[dreg:$0xd] =	wrdreg s31  }
0xd: {  	s2 =	simm.s32 $0x2;
	s7 =	simm.s32 $0x0;
	[dreg:$0xc] =	wrdreg s30  }
.LBB2_1:
0xe: {  	[dreg:$0xe] =	wrdreg s7  }
0xf: {  	s0 =	rddreg [dreg:$0xa]  }
0x10: {  	[tilespmem:s1], [sflag:$0x2] =	stream.linear.gather [hbm4b:s0+s1], $0x200, $0x38;
	[tilespmem:$0x10400] =	vst v63  }
0x11: {  	_ =	swait.ge [sflag:s2], $0x200  }
0x12: {  	[sflag:s2] =	ssyncset.done $0x0  }
0x13: {  	s10 =	simm.s32 $0x200;
	s24 =	rddreg [dreg:$0xb];
	[sflag:s2] =	ssyncadd.s32 $0xFFFFFE00  }
0x14: {  	[tilespmem:s10], [sflag:$0x2] =	stream.linear.gather [hbm4b:s24+s1], $0x200, $0x38;
	[tilespmem:$0x10400] =	vst v63  }
0x15: {  	_ =	swait.ge [sflag:s2], $0x200  }
0x16: {  	[sflag:s2] =	ssyncset.done $0x0  }
0x17: {  	[sflag:s2] =	ssyncadd.s32 $0xFFFFFE00  }
0x18: {  	v0 =	vld [tilespmem:s1+$0x0];
	_ =	sdelay $0x1  }
0x19: {  	v2 =	vld [tilespmem:s10+$0x0];
	_ =	sdelay $0x2  }
0x1a: {  	v1 =	vshll.u32 v0, $0x4  }
0x1b: {  	(v2sf) =	vpush v1, $0x0  }
0x1c: {  	v63 =	vshll.u32 v2, $0x4;
	(v2sf) =	vpush v1, $0x1  }
0x1d: {  	(v2sf) =	vpush v63, $0x0;
	_ =	sdelay $0xc  }
0x1e: {  	s25 =	spop (v2sf)  }
0x1f: {  	s0 =	sand.u32 $0x1FFFFFF0, s25;
	s26 =	spop (v2sf)  }
0x20: {  	s28 =	simm.s32 $0x400;
	s8 =	sadd.s32 s3, s0;
	s9 =	spop (v2sf)  }
0x21: {  	(v2sf) =	vpush v63, $0x1;
	[tilespmem:s28], [sflag:$0x1] =	stream.strided.gather [hbm4b:s8+s12], $0x0, s13, s12, $0x38;
	[tilespmem:$0x10400] =	vst v63  }
0x22: {  	s29 =	sand.u32 $0x1FFFFFF0, s9  }
0x23: {  	[tilespmem:s28], [sflag:$0x1] =	stream.linear.gather [hbm4b:s8+s1], $0x20, $0x38;
	[tilespmem:$0x10400] =	vst v63  }
0x24: {  	s30 =	simm.s32 $0x420;
	s9 =	sadd.s32 s4, s29  }
0x25: {  	[tilespmem:s30], [sflag:$0x1] =	stream.strided.gather [hbm4b:s9+s12], $0x0, s13, s12, $0x38;
	[tilespmem:$0x10400] =	vst v63  }
0x26: {  	_ = 	snop  }
0x27: {  	[tilespmem:s30], [sflag:$0x1] =	stream.linear.gather [hbm4b:s9+s1], $0x20, $0x38;
	[tilespmem:$0x10400] =	vst v63  }
0x28: {  	s31 =	simm.s32 $0x440;
	s0 =	sadd.s32 s5, s0  }
0x29: {  	[tilespmem:s31], [sflag:$0x1] =	stream.strided.gather [hbm4b:s0+s12], $0x0, s13, s12, $0x38;
	[tilespmem:$0x10400] =	vst v63  }
0x2a: {  	_ = 	snop  }
0x2b: {  	[tilespmem:s31], [sflag:$0x1] =	stream.linear.gather [hbm4b:s0+s1], $0x20, $0x38;
	[tilespmem:$0x10400] =	vst v63  }
0x2c: {  	s7 =	sadd.s32 s6, s29;
	s8 =	simm.s32 $0x460  }
0x2d: {  	(v2sf) =	vpush v1, $0x2;
	[tilespmem:s8], [sflag:$0x1] =	stream.strided.gather [hbm4b:s7+s12], $0x0, s13, s12, $0x38;
	[tilespmem:$0x10400] =	vst v63  }
0x2e: {  	s2 =	sand.u32 $0x1FFFFFF0, s26  }
0x2f: {  	[tilespmem:s8], [sflag:$0x1] =	stream.linear.gather [hbm4b:s7+s1], $0x20, $0x38;
	[tilespmem:$0x10400] =	vst v63  }
0x30: {  	s11 =	simm.s32 $0x480;
	s14 =	sadd.s32 s3, s2;
	s9 =	spop (v2sf)  }
0x31: {  	(v2sf) =	vpush v63, $0x2;
	[tilespmem:s11], [sflag:$0x1] =	stream.strided.gather [hbm4b:s14+s12], $0x0, s13, s12, $0x38;
	[tilespmem:$0x10400] =	vst v63  }
0x32: {  	s0 =	sand.u32 $0x1FFFFFF0, s9  }
0x33: {  	[tilespmem:s11], [sflag:$0x1] =	stream.linear.gather [hbm4b:s14+s1], $0x20, $0x38;
	[tilespmem:$0x10400] =	vst v63  }
0x34: {  	s15 =	simm.s32 $0x4A0;
	s16 =	sadd.s32 s4, s0  }
0x35: {  	[tilespmem:s15], [sflag:$0x1] =	stream.strided.gather [hbm4b:s16+s12], $0x0, s13, s12, $0x38;
	[tilespmem:$0x10400] =	vst v63  }
0x36: {  	_ = 	snop  }
0x37: {  	[tilespmem:s15], [sflag:$0x1] =	stream.linear.gather [hbm4b:s16+s1], $0x20, $0x38;
	[tilespmem:$0x10400] =	vst v63  }
0x38: {  	s17 =	simm.s32 $0x4C0;
	s2 =	sadd.s32 s5, s2  }
0x39: {  	[tilespmem:s17], [sflag:$0x1] =	stream.strided.gather [hbm4b:s2+s12], $0x0, s13, s12, $0x38;
	[tilespmem:$0x10400] =	vst v63  }
0x3a: {  	_ = 	snop  }
0x3b: {  	[tilespmem:s17], [sflag:$0x1] =	stream.linear.gather [hbm4b:s2+s1], $0x20, $0x38;
	[tilespmem:$0x10400] =	vst v63  }
0x3c: {  	s19 =	simm.s32 $0x4E0;
	s18 =	spop (v2sf);
	s0 =	sadd.s32 s6, s0  }
0x3d: {  	(v2sf) =	vpush v1, $0x3;
	[tilespmem:s19], [sflag:$0x1] =	stream.strided.gather [hbm4b:s0+s12], $0x0, s13, s12, $0x38;
	[tilespmem:$0x10400] =	vst v63  }
0x3e: {  	s2 =	sand.u32 $0x1FFFFFF0, s18  }
0x3f: {  	[tilespmem:s19], [sflag:$0x1] =	stream.linear.gather [hbm4b:s0+s1], $0x20, $0x38;
	[tilespmem:$0x10400] =	vst v63  }
0x40: {  	s21 =	simm.s32 $0x500;
	s20 =	spop (v2sf);
	s22 =	sadd.s32 s3, s2  }
0x41: {  	(v2sf) =	vpush v63, $0x3;
	[tilespmem:s21], [sflag:$0x1] =	stream.strided.gather [hbm4b:s22+s12], $0x0, s13, s12, $0x38;
	[tilespmem:$0x10400] =	vst v63  }
0x42: {  	s0 =	sand.u32 $0x1FFFFFF0, s20  }
0x43: {  	[tilespmem:s21], [sflag:$0x1] =	stream.linear.gather [hbm4b:s22+s1], $0x20, $0x38;
	[tilespmem:$0x10400] =	vst v63  }
0x44: {  	s23 =	simm.s32 $0x520;
	s24 =	sadd.s32 s4, s0  }
0x45: {  	[tilespmem:s23], [sflag:$0x1] =	stream.strided.gather [hbm4b:s24+s12], $0x0, s13, s12, $0x38;
	[tilespmem:$0x10400] =	vst v63  }
0x46: {  	_ = 	snop  }
0x47: {  	[tilespmem:s23], [sflag:$0x1] =	stream.linear.gather [hbm4b:s24+s1], $0x20, $0x38;
	[tilespmem:$0x10400] =	vst v63  }
0x48: {  	s25 =	simm.s32 $0x540;
	s2 =	sadd.s32 s5, s2  }
0x49: {  	[tilespmem:s25], [sflag:$0x1] =	stream.strided.gather [hbm4b:s2+s12], $0x0, s13, s12, $0x38;
	[tilespmem:$0x10400] =	vst v63  }
0x4a: {  	_ = 	snop  }
0x4b: {  	[tilespmem:s25], [sflag:$0x1] =	stream.linear.gather [hbm4b:s2+s1], $0x20, $0x38;
	[tilespmem:$0x10400] =	vst v63  }
0x4c: {  	s28 =	simm.s32 $0x560;
	s26 =	spop (v2sf);
	s0 =	sadd.s32 s6, s0  }
0x4d: {  	(v2sf) =	vpush v1, $0x4;
	[tilespmem:s28], [sflag:$0x1] =	stream.strided.gather [hbm4b:s0+s12], $0x0, s13, s12, $0x38;
	[tilespmem:$0x10400] =	vst v63  }
0x4e: {  	s2 =	sand.u32 $0x1FFFFFF0, s26  }
0x4f: {  	[tilespmem:s28], [sflag:$0x1] =	stream.linear.gather [hbm4b:s0+s1], $0x20, $0x38;
	[tilespmem:$0x10400] =	vst v63  }
0x50: {  	s30 =	simm.s32 $0x580;
	s29 =	spop (v2sf);
	s31 =	sadd.s32 s3, s2  }
0x51: {  	(v2sf) =	vpush v63, $0x4;
	[tilespmem:s30], [sflag:$0x1] =	stream.strided.gather [hbm4b:s31+s12], $0x0, s13, s12, $0x38;
	[tilespmem:$0x10400] =	vst v63  }
0x52: {  	s0 =	sand.u32 $0x1FFFFFF0, s29  }
0x53: {  	[tilespmem:s30], [sflag:$0x1] =	stream.linear.gather [hbm4b:s31+s1], $0x20, $0x38;
	[tilespmem:$0x10400] =	vst v63  }
0x54: {  	s9 =	simm.s32 $0x5A0;
	s11 =	sadd.s32 s4, s0  }
0x55: {  	[tilespmem:s9], [sflag:$0x1] =	stream.strided.gather [hbm4b:s11+s12], $0x0, s13, s12, $0x38;
	[tilespmem:$0x10400] =	vst v63  }
0x56: {  	_ = 	snop  }
0x57: {  	[tilespmem:s9], [sflag:$0x1] =	stream.linear.gather [hbm4b:s11+s1], $0x20, $0x38;
	[tilespmem:$0x10400] =	vst v63  }
0x58: {  	s14 =	simm.s32 $0x5C0;
	s2 =	sadd.s32 s5, s2  }
0x59: {  	[tilespmem:s14], [sflag:$0x1] =	stream.strided.gather [hbm4b:s2+s12], $0x0, s13, s12, $0x38;
	[tilespmem:$0x10400] =	vst v63  }
0x5a: {  	_ = 	snop  }
0x5b: {  	[tilespmem:s14], [sflag:$0x1] =	stream.linear.gather [hbm4b:s2+s1], $0x20, $0x38;
	[tilespmem:$0x10400] =	vst v63  }
0x5c: {  	s16 =	simm.s32 $0x5E0;
	s15 =	spop (v2sf);
	s0 =	sadd.s32 s6, s0  }
0x5d: {  	(v2sf) =	vpush v1, $0x5;
	[tilespmem:s16], [sflag:$0x1] =	stream.strided.gather [hbm4b:s0+s12], $0x0, s13, s12, $0x38;
	[tilespmem:$0x10400] =	vst v63  }
0x5e: {  	s2 =	sand.u32 $0x1FFFFFF0, s15  }
0x5f: {  	[tilespmem:s16], [sflag:$0x1] =	stream.linear.gather [hbm4b:s0+s1], $0x20, $0x38;
	[tilespmem:$0x10400] =	vst v63  }
0x60: {  	s18 =	simm.s32 $0x600;
	s17 =	spop (v2sf);
	s19 =	sadd.s32 s3, s2  }
0x61: {  	(v2sf) =	vpush v63, $0x5;
	[tilespmem:s18], [sflag:$0x1] =	stream.strided.gather [hbm4b:s19+s12], $0x0, s13, s12, $0x38;
	[tilespmem:$0x10400] =	vst v63  }
0x62: {  	s0 =	sand.u32 $0x1FFFFFF0, s17  }
0x63: {  	[tilespmem:s18], [sflag:$0x1] =	stream.linear.gather [hbm4b:s19+s1], $0x20, $0x38;
	[tilespmem:$0x10400] =	vst v63  }
0x64: {  	s20 =	simm.s32 $0x620;
	s21 =	sadd.s32 s4, s0  }
0x65: {  	[tilespmem:s20], [sflag:$0x1] =	stream.strided.gather [hbm4b:s21+s12], $0x0, s13, s12, $0x38;
	[tilespmem:$0x10400] =	vst v63  }
0x66: {  	_ = 	snop  }
0x67: {  	[tilespmem:s20], [sflag:$0x1] =	stream.linear.gather [hbm4b:s21+s1], $0x20, $0x38;
	[tilespmem:$0x10400] =	vst v63  }
0x68: {  	s22 =	simm.s32 $0x640;
	s2 =	sadd.s32 s5, s2  }
0x69: {  	[tilespmem:s22], [sflag:$0x1] =	stream.strided.gather [hbm4b:s2+s12], $0x0, s13, s12, $0x38;
	[tilespmem:$0x10400] =	vst v63  }
0x6a: {  	_ = 	snop  }
0x6b: {  	[tilespmem:s22], [sflag:$0x1] =	stream.linear.gather [hbm4b:s2+s1], $0x20, $0x38;
	[tilespmem:$0x10400] =	vst v63  }
0x6c: {  	s24 =	simm.s32 $0x660;
	s23 =	spop (v2sf);
	s0 =	sadd.s32 s6, s0  }
0x6d: {  	(v2sf) =	vpush v1, $0x6;
	[tilespmem:s24], [sflag:$0x1] =	stream.strided.gather [hbm4b:s0+s12], $0x0, s13, s12, $0x38;
	[tilespmem:$0x10400] =	vst v63  }
0x6e: {  	s2 =	sand.u32 $0x1FFFFFF0, s23  }
0x6f: {  	[tilespmem:s24], [sflag:$0x1] =	stream.linear.gather [hbm4b:s0+s1], $0x20, $0x38;
	[tilespmem:$0x10400] =	vst v63  }
0x70: {  	s26 =	simm.s32 $0x680;
	s25 =	spop (v2sf);
	s28 =	sadd.s32 s3, s2  }
0x71: {  	(v2sf) =	vpush v63, $0x6;
	[tilespmem:s26], [sflag:$0x1] =	stream.strided.gather [hbm4b:s28+s12], $0x0, s13, s12, $0x38;
	[tilespmem:$0x10400] =	vst v63  }
0x72: {  	s0 =	sand.u32 $0x1FFFFFF0, s25  }
0x73: {  	[tilespmem:s26], [sflag:$0x1] =	stream.linear.gather [hbm4b:s28+s1], $0x20, $0x38;
	[tilespmem:$0x10400] =	vst v63  }
0x74: {  	s29 =	simm.s32 $0x6A0;
	s30 =	sadd.s32 s4, s0  }
0x75: {  	[tilespmem:s29], [sflag:$0x1] =	stream.strided.gather [hbm4b:s30+s12], $0x0, s13, s12, $0x38;
	[tilespmem:$0x10400] =	vst v63  }
0x76: {  	_ = 	snop  }
0x77: {  	[tilespmem:s29], [sflag:$0x1] =	stream.linear.gather [hbm4b:s30+s1], $0x20, $0x38;
	[tilespmem:$0x10400] =	vst v63  }
0x78: {  	s31 =	simm.s32 $0x6C0;
	s2 =	sadd.s32 s5, s2  }
0x79: {  	[tilespmem:s31], [sflag:$0x1] =	stream.strided.gather [hbm4b:s2+s12], $0x0, s13, s12, $0x38;
	[tilespmem:$0x10400] =	vst v63  }
0x7a: {  	_ = 	snop  }
0x7b: {  	[tilespmem:s31], [sflag:$0x1] =	stream.linear.gather [hbm4b:s2+s1], $0x20, $0x38;
	[tilespmem:$0x10400] =	vst v63  }
0x7c: {  	s8 =	simm.s32 $0x6E0;
	s7 =	spop (v2sf);
	s0 =	sadd.s32 s6, s0  }
0x7d: {  	(v2sf) =	vpush v1, $0x7;
	[tilespmem:s8], [sflag:$0x1] =	stream.strided.gather [hbm4b:s0+s12], $0x0, s13, s12, $0x38;
	[tilespmem:$0x10400] =	vst v63  }
0x7e: {  	s2 =	sand.u32 $0x1FFFFFF0, s7  }
0x7f: {  	[tilespmem:s8], [sflag:$0x1] =	stream.linear.gather [hbm4b:s0+s1], $0x20, $0x38;
	[tilespmem:$0x10400] =	vst v63  }
0x80: {  	s11 =	simm.s32 $0x700;
	s9 =	spop (v2sf);
	s14 =	sadd.s32 s3, s2  }
0x81: {  	(v2sf) =	vpush v63, $0x7;
	[tilespmem:s11], [sflag:$0x1] =	stream.strided.gather [hbm4b:s14+s12], $0x0, s13, s12, $0x38;
	[tilespmem:$0x10400] =	vst v63  }
0x82: {  	s0 =	sand.u32 $0x1FFFFFF0, s9  }
0x83: {  	[tilespmem:s11], [sflag:$0x1] =	stream.linear.gather [hbm4b:s14+s1], $0x20, $0x38;
	[tilespmem:$0x10400] =	vst v63  }
0x84: {  	s15 =	simm.s32 $0x720;
	s16 =	sadd.s32 s4, s0  }
0x85: {  	[tilespmem:s15], [sflag:$0x1] =	stream.strided.gather [hbm4b:s16+s12], $0x0, s13, s12, $0x38;
	[tilespmem:$0x10400] =	vst v63  }
0x86: {  	_ = 	snop  }
0x87: {  	[tilespmem:s15], [sflag:$0x1] =	stream.linear.gather [hbm4b:s16+s1], $0x20, $0x38;
	[tilespmem:$0x10400] =	vst v63  }
0x88: {  	s17 =	simm.s32 $0x740;
	s2 =	sadd.s32 s5, s2  }
0x89: {  	[tilespmem:s17], [sflag:$0x1] =	stream.strided.gather [hbm4b:s2+s12], $0x0, s13, s12, $0x38;
	[tilespmem:$0x10400] =	vst v63  }
0x8a: {  	_ = 	snop  }
0x8b: {  	[tilespmem:s17], [sflag:$0x1] =	stream.linear.gather [hbm4b:s2+s1], $0x20, $0x38;
	[tilespmem:$0x10400] =	vst v63  }
0x8c: {  	s19 =	simm.s32 $0x760;
	s18 =	spop (v2sf);
	s0 =	sadd.s32 s6, s0  }
0x8d: {  	(v2sf) =	vpush v1, $0x8;
	[tilespmem:s19], [sflag:$0x1] =	stream.strided.gather [hbm4b:s0+s12], $0x0, s13, s12, $0x38;
	[tilespmem:$0x10400] =	vst v63  }
0x8e: {  	s2 =	sand.u32 $0x1FFFFFF0, s18  }
0x8f: {  	[tilespmem:s19], [sflag:$0x1] =	stream.linear.gather [hbm4b:s0+s1], $0x20, $0x38;
	[tilespmem:$0x10400] =	vst v63  }
0x90: {  	s21 =	simm.s32 $0x780;
	s20 =	spop (v2sf);
	s22 =	sadd.s32 s3, s2  }
0x91: {  	(v2sf) =	vpush v63, $0x8;
	[tilespmem:s21], [sflag:$0x1] =	stream.strided.gather [hbm4b:s22+s12], $0x0, s13, s12, $0x38;
	[tilespmem:$0x10400] =	vst v63  }
0x92: {  	s0 =	sand.u32 $0x1FFFFFF0, s20  }
0x93: {  	[tilespmem:s21], [sflag:$0x1] =	stream.linear.gather [hbm4b:s22+s1], $0x20, $0x38;
	[tilespmem:$0x10400] =	vst v63  }
0x94: {  	s23 =	simm.s32 $0x7A0;
	s24 =	sadd.s32 s4, s0  }
0x95: {  	[tilespmem:s23], [sflag:$0x1] =	stream.strided.gather [hbm4b:s24+s12], $0x0, s13, s12, $0x38;
	[tilespmem:$0x10400] =	vst v63  }
0x96: {  	_ = 	snop  }
0x97: {  	[tilespmem:s23], [sflag:$0x1] =	stream.linear.gather [hbm4b:s24+s1], $0x20, $0x38;
	[tilespmem:$0x10400] =	vst v63  }
0x98: {  	s25 =	simm.s32 $0x7C0;
	s2 =	sadd.s32 s5, s2  }
0x99: {  	[tilespmem:s25], [sflag:$0x1] =	stream.strided.gather [hbm4b:s2+s12], $0x0, s13, s12, $0x38;
	[tilespmem:$0x10400] =	vst v63  }
0x9a: {  	_ = 	snop  }
0x9b: {  	[tilespmem:s25], [sflag:$0x1] =	stream.linear.gather [hbm4b:s2+s1], $0x20, $0x38;
	[tilespmem:$0x10400] =	vst v63  }
0x9c: {  	s28 =	simm.s32 $0x7E0;
	s26 =	spop (v2sf);
	s0 =	sadd.s32 s6, s0  }
0x9d: {  	(v2sf) =	vpush v1, $0x9;
	[tilespmem:s28], [sflag:$0x1] =	stream.strided.gather [hbm4b:s0+s12], $0x0, s13, s12, $0x38;
	[tilespmem:$0x10400] =	vst v63  }
0x9e: {  	s2 =	sand.u32 $0x1FFFFFF0, s26  }
0x9f: {  	[tilespmem:s28], [sflag:$0x1] =	stream.linear.gather [hbm4b:s0+s1], $0x20, $0x38;
	[tilespmem:$0x10400] =	vst v63  }
0xa0: {  	s30 =	simm.s32 $0x800;
	s29 =	spop (v2sf);
	s31 =	sadd.s32 s3, s2  }
0xa1: {  	(v2sf) =	vpush v63, $0x9;
	[tilespmem:s30], [sflag:$0x1] =	stream.strided.gather [hbm4b:s31+s12], $0x0, s13, s12, $0x38;
	[tilespmem:$0x10400] =	vst v63  }
0xa2: {  	s0 =	sand.u32 $0x1FFFFFF0, s29  }
0xa3: {  	[tilespmem:s30], [sflag:$0x1] =	stream.linear.gather [hbm4b:s31+s1], $0x20, $0x38;
	[tilespmem:$0x10400] =	vst v63  }
0xa4: {  	s9 =	simm.s32 $0x820;
	s11 =	sadd.s32 s4, s0  }
0xa5: {  	[tilespmem:s9], [sflag:$0x1] =	stream.strided.gather [hbm4b:s11+s12], $0x0, s13, s12, $0x38;
	[tilespmem:$0x10400] =	vst v63  }
0xa6: {  	_ = 	snop  }
0xa7: {  	[tilespmem:s9], [sflag:$0x1] =	stream.linear.gather [hbm4b:s11+s1], $0x20, $0x38;
	[tilespmem:$0x10400] =	vst v63  }
0xa8: {  	s14 =	simm.s32 $0x840;
	s2 =	sadd.s32 s5, s2  }
0xa9: {  	[tilespmem:s14], [sflag:$0x1] =	stream.strided.gather [hbm4b:s2+s12], $0x0, s13, s12, $0x38;
	[tilespmem:$0x10400] =	vst v63  }
0xaa: {  	_ = 	snop  }
0xab: {  	[tilespmem:s14], [sflag:$0x1] =	stream.linear.gather [hbm4b:s2+s1], $0x20, $0x38;
	[tilespmem:$0x10400] =	vst v63  }
0xac: {  	s16 =	simm.s32 $0x860;
	s15 =	spop (v2sf);
	s0 =	sadd.s32 s6, s0  }
0xad: {  	(v2sf) =	vpush v1, $0xA;
	[tilespmem:s16], [sflag:$0x1] =	stream.strided.gather [hbm4b:s0+s12], $0x0, s13, s12, $0x38;
	[tilespmem:$0x10400] =	vst v63  }
0xae: {  	s2 =	sand.u32 $0x1FFFFFF0, s15  }
0xaf: {  	[tilespmem:s16], [sflag:$0x1] =	stream.linear.gather [hbm4b:s0+s1], $0x20, $0x38;
	[tilespmem:$0x10400] =	vst v63  }
0xb0: {  	s18 =	simm.s32 $0x880;
	s17 =	spop (v2sf);
	s19 =	sadd.s32 s3, s2  }
0xb1: {  	(v2sf) =	vpush v63, $0xA;
	[tilespmem:s18], [sflag:$0x1] =	stream.strided.gather [hbm4b:s19+s12], $0x0, s13, s12, $0x38;
	[tilespmem:$0x10400] =	vst v63  }
0xb2: {  	s0 =	sand.u32 $0x1FFFFFF0, s17  }
0xb3: {  	[tilespmem:s18], [sflag:$0x1] =	stream.linear.gather [hbm4b:s19+s1], $0x20, $0x38;
	[tilespmem:$0x10400] =	vst v63  }
0xb4: {  	s20 =	simm.s32 $0x8A0;
	s21 =	sadd.s32 s4, s0  }
0xb5: {  	[tilespmem:s20], [sflag:$0x1] =	stream.strided.gather [hbm4b:s21+s12], $0x0, s13, s12, $0x38;
	[tilespmem:$0x10400] =	vst v63  }
0xb6: {  	_ = 	snop  }
0xb7: {  	[tilespmem:s20], [sflag:$0x1] =	stream.linear.gather [hbm4b:s21+s1], $0x20, $0x38;
	[tilespmem:$0x10400] =	vst v63  }
0xb8: {  	s22 =	simm.s32 $0x8C0;
	s2 =	sadd.s32 s5, s2  }
0xb9: {  	[tilespmem:s22], [sflag:$0x1] =	stream.strided.gather [hbm4b:s2+s12], $0x0, s13, s12, $0x38;
	[tilespmem:$0x10400] =	vst v63  }
0xba: {  	_ = 	snop  }
0xbb: {  	[tilespmem:s22], [sflag:$0x1] =	stream.linear.gather [hbm4b:s2+s1], $0x20, $0x38;
	[tilespmem:$0x10400] =	vst v63  }
0xbc: {  	s24 =	simm.s32 $0x8E0;
	s23 =	spop (v2sf);
	s0 =	sadd.s32 s6, s0  }
0xbd: {  	(v2sf) =	vpush v1, $0xB;
	[tilespmem:s24], [sflag:$0x1] =	stream.strided.gather [hbm4b:s0+s12], $0x0, s13, s12, $0x38;
	[tilespmem:$0x10400] =	vst v63  }
0xbe: {  	s2 =	sand.u32 $0x1FFFFFF0, s23  }
0xbf: {  	[tilespmem:s24], [sflag:$0x1] =	stream.linear.gather [hbm4b:s0+s1], $0x20, $0x38;
	[tilespmem:$0x10400] =	vst v63  }
0xc0: {  	s26 =	simm.s32 $0x900;
	s25 =	spop (v2sf);
	s28 =	sadd.s32 s3, s2  }
0xc1: {  	(v2sf) =	vpush v63, $0xB;
	[tilespmem:s26], [sflag:$0x1] =	stream.strided.gather [hbm4b:s28+s12], $0x0, s13, s12, $0x38;
	[tilespmem:$0x10400] =	vst v63  }
0xc2: {  	s0 =	sand.u32 $0x1FFFFFF0, s25  }
0xc3: {  	[tilespmem:s26], [sflag:$0x1] =	stream.linear.gather [hbm4b:s28+s1], $0x20, $0x38;
	[tilespmem:$0x10400] =	vst v63  }
0xc4: {  	s29 =	simm.s32 $0x920;
	s30 =	sadd.s32 s4, s0  }
0xc5: {  	[tilespmem:s29], [sflag:$0x1] =	stream.strided.gather [hbm4b:s30+s12], $0x0, s13, s12, $0x38;
	[tilespmem:$0x10400] =	vst v63  }
0xc6: {  	_ = 	snop  }
0xc7: {  	[tilespmem:s29], [sflag:$0x1] =	stream.linear.gather [hbm4b:s30+s1], $0x20, $0x38;
	[tilespmem:$0x10400] =	vst v63  }
0xc8: {  	s31 =	simm.s32 $0x940;
	s2 =	sadd.s32 s5, s2  }
0xc9: {  	[tilespmem:s31], [sflag:$0x1] =	stream.strided.gather [hbm4b:s2+s12], $0x0, s13, s12, $0x38;
	[tilespmem:$0x10400] =	vst v63  }
0xca: {  	_ = 	snop  }
0xcb: {  	[tilespmem:s31], [sflag:$0x1] =	stream.linear.gather [hbm4b:s2+s1], $0x20, $0x38;
	[tilespmem:$0x10400] =	vst v63  }
0xcc: {  	s8 =	simm.s32 $0x960;
	s7 =	spop (v2sf);
	s0 =	sadd.s32 s6, s0  }
0xcd: {  	(v2sf) =	vpush v1, $0xC;
	[tilespmem:s8], [sflag:$0x1] =	stream.strided.gather [hbm4b:s0+s12], $0x0, s13, s12, $0x38;
	[tilespmem:$0x10400] =	vst v63  }
0xce: {  	s2 =	sand.u32 $0x1FFFFFF0, s7  }
0xcf: {  	[tilespmem:s8], [sflag:$0x1] =	stream.linear.gather [hbm4b:s0+s1], $0x20, $0x38;
	[tilespmem:$0x10400] =	vst v63  }
0xd0: {  	s11 =	simm.s32 $0x980;
	s9 =	spop (v2sf);
	s14 =	sadd.s32 s3, s2  }
0xd1: {  	(v2sf) =	vpush v63, $0xC;
	[tilespmem:s11], [sflag:$0x1] =	stream.strided.gather [hbm4b:s14+s12], $0x0, s13, s12, $0x38;
	[tilespmem:$0x10400] =	vst v63  }
0xd2: {  	s0 =	sand.u32 $0x1FFFFFF0, s9  }
0xd3: {  	[tilespmem:s11], [sflag:$0x1] =	stream.linear.gather [hbm4b:s14+s1], $0x20, $0x38;
	[tilespmem:$0x10400] =	vst v63  }
0xd4: {  	s15 =	simm.s32 $0x9A0;
	s16 =	sadd.s32 s4, s0  }
0xd5: {  	[tilespmem:s15], [sflag:$0x1] =	stream.strided.gather [hbm4b:s16+s12], $0x0, s13, s12, $0x38;
	[tilespmem:$0x10400] =	vst v63  }
0xd6: {  	_ = 	snop  }
0xd7: {  	[tilespmem:s15], [sflag:$0x1] =	stream.linear.gather [hbm4b:s16+s1], $0x20, $0x38;
	[tilespmem:$0x10400] =	vst v63  }
0xd8: {  	s17 =	simm.s32 $0x9C0;
	s2 =	sadd.s32 s5, s2  }
0xd9: {  	[tilespmem:s17], [sflag:$0x1] =	stream.strided.gather [hbm4b:s2+s12], $0x0, s13, s12, $0x38;
	[tilespmem:$0x10400] =	vst v63  }
0xda: {  	_ = 	snop  }
0xdb: {  	[tilespmem:s17], [sflag:$0x1] =	stream.linear.gather [hbm4b:s2+s1], $0x20, $0x38;
	[tilespmem:$0x10400] =	vst v63  }
0xdc: {  	s19 =	simm.s32 $0x9E0;
	s18 =	spop (v2sf);
	s0 =	sadd.s32 s6, s0  }
0xdd: {  	(v2sf) =	vpush v1, $0xD;
	[tilespmem:s19], [sflag:$0x1] =	stream.strided.gather [hbm4b:s0+s12], $0x0, s13, s12, $0x38;
	[tilespmem:$0x10400] =	vst v63  }
0xde: {  	s2 =	sand.u32 $0x1FFFFFF0, s18  }
0xdf: {  	[tilespmem:s19], [sflag:$0x1] =	stream.linear.gather [hbm4b:s0+s1], $0x20, $0x38;
	[tilespmem:$0x10400] =	vst v63  }
0xe0: {  	s21 =	simm.s32 $0xA00;
	s20 =	spop (v2sf);
	s22 =	sadd.s32 s3, s2  }
0xe1: {  	(v2sf) =	vpush v63, $0xD;
	[tilespmem:s21], [sflag:$0x1] =	stream.strided.gather [hbm4b:s22+s12], $0x0, s13, s12, $0x38;
	[tilespmem:$0x10400] =	vst v63  }
0xe2: {  	s0 =	sand.u32 $0x1FFFFFF0, s20  }
0xe3: {  	[tilespmem:s21], [sflag:$0x1] =	stream.linear.gather [hbm4b:s22+s1], $0x20, $0x38;
	[tilespmem:$0x10400] =	vst v63  }
0xe4: {  	s23 =	simm.s32 $0xA20;
	s24 =	sadd.s32 s4, s0  }
0xe5: {  	[tilespmem:s23], [sflag:$0x1] =	stream.strided.gather [hbm4b:s24+s12], $0x0, s13, s12, $0x38;
	[tilespmem:$0x10400] =	vst v63  }
0xe6: {  	_ = 	snop  }
0xe7: {  	[tilespmem:s23], [sflag:$0x1] =	stream.linear.gather [hbm4b:s24+s1], $0x20, $0x38;
	[tilespmem:$0x10400] =	vst v63  }
0xe8: {  	s25 =	simm.s32 $0xA40;
	s2 =	sadd.s32 s5, s2  }
0xe9: {  	[tilespmem:s25], [sflag:$0x1] =	stream.strided.gather [hbm4b:s2+s12], $0x0, s13, s12, $0x38;
	[tilespmem:$0x10400] =	vst v63  }
0xea: {  	_ = 	snop  }
0xeb: {  	[tilespmem:s25], [sflag:$0x1] =	stream.linear.gather [hbm4b:s2+s1], $0x20, $0x38;
	[tilespmem:$0x10400] =	vst v63  }
0xec: {  	s28 =	simm.s32 $0xA60;
	s26 =	spop (v2sf);
	s0 =	sadd.s32 s6, s0  }
0xed: {  	(v2sf) =	vpush v1, $0xE;
	[tilespmem:s28], [sflag:$0x1] =	stream.strided.gather [hbm4b:s0+s12], $0x0, s13, s12, $0x38;
	[tilespmem:$0x10400] =	vst v63  }
0xee: {  	s2 =	sand.u32 $0x1FFFFFF0, s26  }
0xef: {  	[tilespmem:s28], [sflag:$0x1] =	stream.linear.gather [hbm4b:s0+s1], $0x20, $0x38;
	[tilespmem:$0x10400] =	vst v63  }
0xf0: {  	s30 =	simm.s32 $0xA80;
	s29 =	spop (v2sf);
	s31 =	sadd.s32 s3, s2  }
0xf1: {  	(v2sf) =	vpush v63, $0xE;
	[tilespmem:s30], [sflag:$0x1] =	stream.strided.gather [hbm4b:s31+s12], $0x0, s13, s12, $0x38;
	[tilespmem:$0x10400] =	vst v63  }
0xf2: {  	s0 =	sand.u32 $0x1FFFFFF0, s29  }
0xf3: {  	[tilespmem:s30], [sflag:$0x1] =	stream.linear.gather [hbm4b:s31+s1], $0x20, $0x38;
	[tilespmem:$0x10400] =	vst v63  }
0xf4: {  	s8 =	simm.s32 $0xAA0;
	s9 =	sadd.s32 s4, s0  }
0xf5: {  	[tilespmem:s8], [sflag:$0x1] =	stream.strided.gather [hbm4b:s9+s12], $0x0, s13, s12, $0x38;
	[tilespmem:$0x10400] =	vst v63  }
0xf6: {  	_ = 	snop  }
0xf7: {  	[tilespmem:s8], [sflag:$0x1] =	stream.linear.gather [hbm4b:s9+s1], $0x20, $0x38;
	[tilespmem:$0x10400] =	vst v63  }
0xf8: {  	s11 =	simm.s32 $0xAC0;
	s2 =	sadd.s32 s5, s2  }
0xf9: {  	[tilespmem:s11], [sflag:$0x1] =	stream.strided.gather [hbm4b:s2+s12], $0x0, s13, s12, $0x38;
	[tilespmem:$0x10400] =	vst v63  }
0xfa: {  	_ = 	snop  }
0xfb: {  	[tilespmem:s11], [sflag:$0x1] =	stream.linear.gather [hbm4b:s2+s1], $0x20, $0x38;
	[tilespmem:$0x10400] =	vst v63  }
0xfc: {  	s15 =	simm.s32 $0xAE0;
	s14 =	spop (v2sf);
	s0 =	sadd.s32 s6, s0  }
0xfd: {  	(v2sf) =	vpush v1, $0xF;
	[tilespmem:s15], [sflag:$0x1] =	stream.strided.gather [hbm4b:s0+s12], $0x0, s13, s12, $0x38;
	[tilespmem:$0x10400] =	vst v63  }
0xfe: {  	s2 =	sand.u32 $0x1FFFFFF0, s14  }
0xff: {  	[tilespmem:s15], [sflag:$0x1] =	stream.linear.gather [hbm4b:s0+s1], $0x20, $0x38;
	[tilespmem:$0x10400] =	vst v63  }
0x100: {  	s17 =	simm.s32 $0xB00;
	s16 =	spop (v2sf);
	s18 =	sadd.s32 s3, s2  }
0x101: {  	(v2sf) =	vpush v63, $0xF;
	[tilespmem:s17], [sflag:$0x1] =	stream.strided.gather [hbm4b:s18+s12], $0x0, s13, s12, $0x38;
	[tilespmem:$0x10400] =	vst v63  }
0x102: {  	s0 =	sand.u32 $0x1FFFFFF0, s16  }
0x103: {  	[tilespmem:s17], [sflag:$0x1] =	stream.linear.gather [hbm4b:s18+s1], $0x20, $0x38;
	[tilespmem:$0x10400] =	vst v63  }
0x104: {  	s19 =	simm.s32 $0xB20;
	s20 =	sadd.s32 s4, s0  }
0x105: {  	[tilespmem:s19], [sflag:$0x1] =	stream.strided.gather [hbm4b:s20+s12], $0x0, s13, s12, $0x38;
	[tilespmem:$0x10400] =	vst v63  }
0x106: {  	_ = 	snop  }
0x107: {  	[tilespmem:s19], [sflag:$0x1] =	stream.linear.gather [hbm4b:s20+s1], $0x20, $0x38;
	[tilespmem:$0x10400] =	vst v63  }
0x108: {  	s21 =	simm.s32 $0xB40;
	s2 =	sadd.s32 s5, s2  }
0x109: {  	[tilespmem:s21], [sflag:$0x1] =	stream.strided.gather [hbm4b:s2+s12], $0x0, s13, s12, $0x38;
	[tilespmem:$0x10400] =	vst v63  }
0x10a: {  	_ = 	snop  }
0x10b: {  	[tilespmem:s21], [sflag:$0x1] =	stream.linear.gather [hbm4b:s2+s1], $0x20, $0x38;
	[tilespmem:$0x10400] =	vst v63  }
0x10c: {  	s23 =	simm.s32 $0xB60;
	s22 =	spop (v2sf);
	s0 =	sadd.s32 s6, s0  }
0x10d: {  	[tilespmem:s23], [sflag:$0x1] =	stream.strided.gather [hbm4b:s0+s12], $0x0, s13, s12, $0x38;
	[tilespmem:$0x10400] =	vst v63  }
0x10e: {  	s2 =	sand.u32 $0x1FFFFFF0, s22  }
0x10f: {  	[tilespmem:s23], [sflag:$0x1] =	stream.linear.gather [hbm4b:s0+s1], $0x20, $0x38;
	[tilespmem:$0x10400] =	vst v63  }
0x110: {  	s25 =	simm.s32 $0xB80;
	s24 =	spop (v2sf);
	s26 =	sadd.s32 s3, s2  }
0x111: {  	[tilespmem:s25], [sflag:$0x1] =	stream.strided.gather [hbm4b:s26+s12], $0x0, s13, s12, $0x38;
	[tilespmem:$0x10400] =	vst v63  }
0x112: {  	s28 =	sand.u32 $0x1FFFFFF0, s24  }
0x113: {  	[tilespmem:s25], [sflag:$0x1] =	stream.linear.gather [hbm4b:s26+s1], $0x20, $0x38;
	[tilespmem:$0x10400] =	vst v63  }
0x114: {  	s29 =	simm.s32 $0xBA0;
	s30 =	sadd.s32 s4, s28  }
0x115: {  	[tilespmem:s29], [sflag:$0x1] =	stream.strided.gather [hbm4b:s30+s12], $0x0, s13, s12, $0x38;
	[tilespmem:$0x10400] =	vst v63  }
0x116: {  	_ = 	snop  }
0x117: {  	[tilespmem:s29], [sflag:$0x1] =	stream.linear.gather [hbm4b:s30+s1], $0x20, $0x38;
	[tilespmem:$0x10400] =	vst v63  }
0x118: {  	s31 =	simm.s32 $0xBC0;
	s2 =	sadd.s32 s5, s2  }
0x119: {  	[tilespmem:s31], [sflag:$0x1] =	stream.strided.gather [hbm4b:s2+s12], $0x0, s13, s12, $0x38;
	[tilespmem:$0x10400] =	vst v63  }
0x11a: {  	s7 =	simm.s32 $0x0  }
0x11b: {  	[tilespmem:s31], [sflag:$0x1] =	stream.linear.gather [hbm4b:s2+s1], $0x20, $0x38;
	[tilespmem:$0x10400] =	vst v63  }
0x11c: {  	s17 =	simm.s32 $0x2000;
	s0 =	simm.s32 $0xBE0;
	s2 =	sadd.s32 s6, s28  }
0x11d: {  	[tilespmem:s0], [sflag:$0x1] =	stream.strided.gather [hbm4b:s2+s12], $0x0, s13, s12, $0x38;
	[tilespmem:$0x10400] =	vst v63  }
.LBB2_2:
0x11e: {  	s7 =	sadd.s32 $0x10, s7  }
0x11f: {  	[tilespmem:s0], [sflag:$0x1] =	stream.linear.gather [hbm4b:s2+s1], $0x20, $0x38;
	[tilespmem:$0x10400] =	vst v63  }
0x120: {  	v0 =	vld [tilespmem:s7+$0x0]  }
0x121: {  	s10 =	sadd.s32 $0x10, s10  }
0x122: {  	v1 =	vld [tilespmem:s10+$0x0];
	_ =	sdelay $0x2  }
0x123: {  	v0 =	vshll.u32 v0, $0x4  }
0x124: {  	(v2sf) =	vpush v0, $0x0  }
0x125: {  	v1 =	vshll.u32 v1, $0x4;
	(v2sf) =	vpush v0, $0x1  }
0x126: {  	(v2sf) =	vpush v1, $0x0;
	_ =	sdelay $0x5  }
0x127: {  	(v2sf) =	vpush v1, $0x1;
	_ =	sdelay $0x1  }
0x128: {  	(v2sf) =	vpush v0, $0x2;
	_ =	sdelay $0x1  }
0x129: {  	(v2sf) =	vpush v1, $0x2;
	_ =	sdelay $0x1  }
0x12a: {  	(v2sf) =	vpush v0, $0x3  }
0x12b: {  	s26 =	smov.u32 s17;
	[dreg:$0x5] =	wrdreg s7;
	s28 =	spop (v2sf)  }
0x12c: {  	s19 =	sshra.s32 s26, $0x2;
	(v2sf) =	vpush v1, $0x3;
	s29 =	sand.u32 $0x1FFFFFF0, s28;
	s30 =	spop (v2sf)  }
0x12d: {  	s8 =	sadd.s32 $0x400, s19;
	s31 =	sadd.s32 s3, s29;
	s7 =	spop (v2sf)  }
0x12e: {  	(v2sf) =	vpush v0, $0x4;
	[tilespmem:s8], [sflag:$0x1] =	stream.strided.gather [hbm4b:s31+s12], $0x0, s13, s12, $0x38;
	[tilespmem:$0x10400] =	vst v63  }
0x12f: {  	s18 =	sand.u32 $0x1FFFFFF0, s7  }
0x130: {  	[tilespmem:s8], [sflag:$0x1] =	stream.linear.gather [hbm4b:s31+s1], $0x20, $0x38;
	[tilespmem:$0x10400] =	vst v63  }
0x131: {  	[dreg:$0x4] =	wrdreg s10;
	s10 =	sadd.s32 $0x420, s19;
	s2 =	sadd.s32 s4, s18  }
0x132: {  	[tilespmem:s10], [sflag:$0x1] =	stream.strided.gather [hbm4b:s2+s12], $0x0, s13, s12, $0x38;
	[tilespmem:$0x10400] =	vst v63  }
0x133: {  	s11 =	spop (v2sf)  }
0x134: {  	(v2sf) =	vpush v1, $0x4;
	[tilespmem:s10], [sflag:$0x1] =	stream.linear.gather [hbm4b:s2+s1], $0x20, $0x38;
	[tilespmem:$0x10400] =	vst v63  }
0x135: {  	s15 =	sadd.s32 $0x440, s19;
	s0 =	sadd.s32 s5, s29;
	s14 =	spop (v2sf)  }
0x136: {  	(v2sf) =	vpush v0, $0x5;
	[tilespmem:s15], [sflag:$0x1] =	stream.strided.gather [hbm4b:s0+s12], $0x0, s13, s12, $0x38;
	[tilespmem:$0x10400] =	vst v63  }
0x137: {  	s16 =	spop (v2sf)  }
0x138: {  	(v2sf) =	vpush v1, $0x5;
	[tilespmem:s15], [sflag:$0x1] =	stream.linear.gather [hbm4b:s0+s1], $0x20, $0x38;
	[tilespmem:$0x10400] =	vst v63  }
0x139: {  	s21 =	sadd.s32 $0x460, s19;
	s20 =	spop (v2sf);
	s10 =	sadd.s32 s6, s18  }
0x13a: {  	(v2sf) =	vpush v0, $0x6;
	[tilespmem:s21], [sflag:$0x1] =	stream.strided.gather [hbm4b:s10+s12], $0x0, s13, s12, $0x38;
	[tilespmem:$0x10400] =	vst v63  }
0x13b: {  	s9 =	sand.u32 $0x1FFFFFF0, s30;
	s18 =	spop (v2sf)  }
0x13c: {  	[tilespmem:s21], [sflag:$0x1] =	stream.linear.gather [hbm4b:s10+s1], $0x20, $0x38;
	[tilespmem:$0x10400] =	vst v63  }
0x13d: {  	s24 =	sadd.s32 $0x480, s19;
	s25 =	sadd.s32 s3, s9;
	s23 =	spop (v2sf)  }
0x13e: {  	(v2sf) =	vpush v1, $0x6;
	[tilespmem:s24], [sflag:$0x1] =	stream.strided.gather [hbm4b:s25+s12], $0x0, s13, s12, $0x38;
	[tilespmem:$0x10400] =	vst v63  }
0x13f: {  	s26 =	sand.u32 $0x1FFFFFF0, s11  }
0x140: {  	(v2sf) =	vpush v0, $0x7;
	[tilespmem:s24], [sflag:$0x1] =	stream.linear.gather [hbm4b:s25+s1], $0x20, $0x38;
	[tilespmem:$0x10400] =	vst v63  }
0x141: {  	s29 =	sadd.s32 $0x4A0, s19;
	s30 =	sadd.s32 s4, s26  }
0x142: {  	[tilespmem:s29], [sflag:$0x1] =	stream.strided.gather [hbm4b:s30+s12], $0x0, s13, s12, $0x38;
	[tilespmem:$0x10400] =	vst v63  }
0x143: {  	s9 =	sadd.s32 s5, s9;
	s0 =	sand.u32 $0x1FFFFFF0, s20;
	s28 =	spop (v2sf)  }
0x144: {  	(v2sf) =	vpush v1, $0x7;
	[tilespmem:s29], [sflag:$0x1] =	stream.linear.gather [hbm4b:s30+s1], $0x20, $0x38;
	[tilespmem:$0x10400] =	vst v63  }
0x145: {  	s20 =	sand.u32 $0x1FFFFFF0, s23;
	s23 =	sadd.s32 $0x4C0, s19;
	s31 =	spop (v2sf)  }
0x146: {  	[tilespmem:s23], [sflag:$0x1] =	stream.strided.gather [hbm4b:s9+s12], $0x0, s13, s12, $0x38;
	[tilespmem:$0x10400] =	vst v63  }
0x147: {  	s8 =	sand.u32 $0x1FFFFFF0, s16;
	s16 =	sadd.s32 $0x4E0, s19;
	s7 =	spop (v2sf)  }
0x148: {  	(v2sf) =	vpush v0, $0x8;
	[tilespmem:s23], [sflag:$0x1] =	stream.linear.gather [hbm4b:s9+s1], $0x20, $0x38;
	[tilespmem:$0x10400] =	vst v63  }
0x149: {  	s2 =	sand.u32 $0x1FFFFFF0, s14;
	s10 =	sadd.s32 s6, s26;
	s14 =	spop (v2sf)  }
0x14a: {  	(v2sf) =	vpush v1, $0x8;
	[tilespmem:s16], [sflag:$0x1] =	stream.strided.gather [hbm4b:s10+s12], $0x0, s13, s12, $0x38;
	[tilespmem:$0x10400] =	vst v63  }
0x14b: {  	s26 =	sadd.s32 $0x500, s19  }
0x14c: {  	[tilespmem:s16], [sflag:$0x1] =	stream.linear.gather [hbm4b:s10+s1], $0x20, $0x38;
	[tilespmem:$0x10400] =	vst v63  }
0x14d: {  	s21 =	sand.u32 $0x1FFFFFF0, s28;
	s28 =	sadd.s32 s3, s2;
	s25 =	spop (v2sf)  }
0x14e: {  	(v2sf) =	vpush v0, $0x9;
	[tilespmem:s26], [sflag:$0x1] =	stream.strided.gather [hbm4b:s28+s12], $0x0, s13, s12, $0x38;
	[tilespmem:$0x10400] =	vst v63  }
0x14f: {  	s24 =	spop (v2sf)  }
0x150: {  	(v2sf) =	vpush v1, $0x9;
	[tilespmem:s26], [sflag:$0x1] =	stream.linear.gather [hbm4b:s28+s1], $0x20, $0x38;
	[tilespmem:$0x10400] =	vst v63  }
0x151: {  	s30 =	sadd.s32 $0x520, s19;
	[dreg:$0x9] =	wrdreg s25;
	s25 =	sadd.s32 s4, s8  }
0x152: {  	[tilespmem:s30], [sflag:$0x1] =	stream.strided.gather [hbm4b:s25+s12], $0x0, s13, s12, $0x38;
	[tilespmem:$0x10400] =	vst v63  }
0x153: {  	s22 =	sand.u32 $0x1FFFFFF0, s18;
	s29 =	spop (v2sf)  }
0x154: {  	(v2sf) =	vpush v0, $0xA;
	[tilespmem:s30], [sflag:$0x1] =	stream.linear.gather [hbm4b:s25+s1], $0x20, $0x38;
	[tilespmem:$0x10400] =	vst v63  }
0x155: {  	s15 =	sand.u32 $0x1FFFFFF0, s7;
	s7 =	sadd.s32 $0x540, s19;
	s26 =	sadd.s32 s5, s2  }
0x156: {  	[tilespmem:s7], [sflag:$0x1] =	stream.strided.gather [hbm4b:s26+s12], $0x0, s13, s12, $0x38;
	[tilespmem:$0x10400] =	vst v63  }
0x157: {  	s18 =	sand.u32 $0x1FFFFFF0, s31;
	s10 =	sand.u32 $0x1FFFFFF0, s24;
	s31 =	spop (v2sf)  }
0x158: {  	(v2sf) =	vpush v1, $0xA;
	[tilespmem:s7], [sflag:$0x1] =	stream.linear.gather [hbm4b:s26+s1], $0x20, $0x38;
	[tilespmem:$0x10400] =	vst v63  }
0x159: {  	s16 =	sadd.s32 s6, s8;
	s24 =	spop (v2sf);
	s25 =	sadd.s32 $0x560, s19  }
0x15a: {  	(v2sf) =	vpush v0, $0xB;
	[tilespmem:s25], [sflag:$0x1] =	stream.strided.gather [hbm4b:s16+s12], $0x0, s13, s12, $0x38;
	[tilespmem:$0x10400] =	vst v63  }
0x15b: {  	s11 =	sand.u32 $0x1FFFFFF0, s14;
	s14 =	sand.u32 $0x1FFFFFF0, s29  }
0x15c: {  	(v2sf) =	vpush v1, $0xB;
	[tilespmem:s25], [sflag:$0x1] =	stream.linear.gather [hbm4b:s16+s1], $0x20, $0x38;
	[tilespmem:$0x10400] =	vst v63  }
0x15d: {  	s29 =	sadd.s32 $0x580, s19;
	s30 =	sadd.s32 s3, s0;
	s28 =	spop (v2sf)  }
0x15e: {  	(v2sf) =	vpush v0, $0xC;
	[tilespmem:s29], [sflag:$0x1] =	stream.strided.gather [hbm4b:s30+s12], $0x0, s13, s12, $0x38;
	[tilespmem:$0x10400] =	vst v63  }
0x15f: {  	s2 =	sand.u32 $0x1FFFFFF0, s31;
	s31 =	spop (v2sf)  }
0x160: {  	(v2sf) =	vpush v1, $0xC;
	[tilespmem:s29], [sflag:$0x1] =	stream.linear.gather [hbm4b:s30+s1], $0x20, $0x38;
	[tilespmem:$0x10400] =	vst v63  }
0x161: {  	[dreg:$0x8] =	wrdreg s28;
	s28 =	sadd.s32 s4, s22;
	s16 =	sadd.s32 $0x5A0, s19  }
0x162: {  	[tilespmem:s16], [sflag:$0x1] =	stream.strided.gather [hbm4b:s28+s12], $0x0, s13, s12, $0x38;
	[tilespmem:$0x10400] =	vst v63  }
0x163: {  	s9 =	spop (v2sf)  }
0x164: {  	(v2sf) =	vpush v0, $0xD;
	[tilespmem:s16], [sflag:$0x1] =	stream.linear.gather [hbm4b:s28+s1], $0x20, $0x38;
	[tilespmem:$0x10400] =	vst v63  }
0x165: {  	s8 =	sand.u32 $0x1FFFFFF0, s24;
	s26 =	sadd.s32 $0x5C0, s19;
	s29 =	sadd.s32 s5, s0  }
0x166: {  	[tilespmem:s26], [sflag:$0x1] =	stream.strided.gather [hbm4b:s29+s12], $0x0, s13, s12, $0x38;
	[tilespmem:$0x10400] =	vst v63  }
0x167: {  	s22 =	sadd.s32 s6, s22;
	[dreg:$0x7] =	wrdreg s31;
	s24 =	spop (v2sf)  }
0x168: {  	(v2sf) =	vpush v1, $0xD;
	[tilespmem:s26], [sflag:$0x1] =	stream.linear.gather [hbm4b:s29+s1], $0x20, $0x38;
	[tilespmem:$0x10400] =	vst v63  }
0x169: {  	s31 =	sand.u32 $0x1FFFFFF0, s9;
	s30 =	spop (v2sf);
	s0 =	sadd.s32 $0x5E0, s19  }
0x16a: {  	(v2sf) =	vpush v0, $0xE;
	[tilespmem:s0], [sflag:$0x1] =	stream.strided.gather [hbm4b:s22+s12], $0x0, s13, s12, $0x38;
	[tilespmem:$0x10400] =	vst v63  }
0x16b: {  	s9 =	sand.u32 $0x1FFFFFF0, s24;
	s24 =	sadd.s32 $0x600, s19;
	s7 =	spop (v2sf)  }
0x16c: {  	(v2sf) =	vpush v1, $0xE;
	[tilespmem:s0], [sflag:$0x1] =	stream.linear.gather [hbm4b:s22+s1], $0x20, $0x38;
	[tilespmem:$0x10400] =	vst v63  }
0x16d: {  	s28 =	sand.u32 $0x1FFFFFF0, s7;
	s7 =	sadd.s32 s3, s20;
	s29 =	spop (v2sf)  }
0x16e: {  	(v2sf) =	vpush v0, $0xF;
	[tilespmem:s24], [sflag:$0x1] =	stream.strided.gather [hbm4b:s7+s12], $0x0, s13, s12, $0x38;
	[tilespmem:$0x10400] =	vst v63  }
0x16f: {  	s16 =	sand.u32 $0x1FFFFFF0, s30;
	s30 =	spop (v2sf)  }
0x170: {  	(v2sf) =	vpush v1, $0xF;
	[tilespmem:s24], [sflag:$0x1] =	stream.linear.gather [hbm4b:s7+s1], $0x20, $0x38;
	[tilespmem:$0x10400] =	vst v63  }
0x171: {  	s23 =	sadd.s32 $0x620, s19;
	s25 =	sadd.s32 s4, s21  }
0x172: {  	[tilespmem:s23], [sflag:$0x1] =	stream.strided.gather [hbm4b:s25+s12], $0x0, s13, s12, $0x38;
	[tilespmem:$0x10400] =	vst v63  }
0x173: {  	s20 =	sadd.s32 s5, s20;
	s26 =	sand.u32 $0x1FFFFFF0, s30;
	s30 =	spop (v2sf)  }
0x174: {  	[tilespmem:s23], [sflag:$0x1] =	stream.linear.gather [hbm4b:s25+s1], $0x20, $0x38;
	[tilespmem:$0x10400] =	vst v63  }
0x175: {  	s29 =	sand.u32 $0x1FFFFFF0, s29;
	s7 =	sand.u32 $0x1FFFFFF0, s30;
	s30 =	sadd.s32 $0x640, s19  }
0x176: {  	[tilespmem:s30], [sflag:$0x1] =	stream.strided.gather [hbm4b:s20+s12], $0x0, s13, s12, $0x38;
	[tilespmem:$0x10400] =	vst v63  }
0x177: {  	[dreg:$0x6] =	wrdreg s29;
	s29 =	spop (v2sf)  }
0x178: {  	[tilespmem:s30], [sflag:$0x1] =	stream.linear.gather [hbm4b:s20+s1], $0x20, $0x38;
	[tilespmem:$0x10400] =	vst v63  }
0x179: {  	s21 =	sadd.s32 s6, s21;
	s0 =	spop (v2sf);
	s25 =	sadd.s32 $0x660, s19  }
0x17a: {  	[tilespmem:s25], [sflag:$0x1] =	stream.strided.gather [hbm4b:s21+s12], $0x0, s13, s12, $0x38;
	[tilespmem:$0x10400] =	vst v63  }
0x17b: {  	s22 =	sand.u32 $0x1FFFFFF0, s0;
	s0 =	spop (v2sf);
	s24 =	sand.u32 $0x1FFFFFF0, s29  }
0x17c: {  	[tilespmem:s25], [sflag:$0x1] =	stream.linear.gather [hbm4b:s21+s1], $0x20, $0x38;
	[tilespmem:$0x10400] =	vst v63  }
0x17d: {  	s29 =	sadd.s32 $0x680, s19;
	s20 =	spop (v2sf);
	s30 =	sadd.s32 s3, s18  }
0x17e: {  	[tilespmem:s29], [sflag:$0x1] =	stream.strided.gather [hbm4b:s30+s12], $0x0, s13, s12, $0x38;
	[tilespmem:$0x10400] =	vst v63  }
0x17f: {  	s23 =	sand.u32 $0x1FFFFFF0, s0;
	s0 =	spop (v2sf);
	s21 =	sand.u32 $0x1FFFFFF0, s20  }
0x180: {  	[tilespmem:s29], [sflag:$0x1] =	stream.linear.gather [hbm4b:s30+s1], $0x20, $0x38;
	[tilespmem:$0x10400] =	vst v63  }
0x181: {  	s20 =	sand.u32 $0x1FFFFFF0, s0;
	s0 =	sadd.s32 $0x6A0, s19;
	s25 =	sadd.s32 s4, s15  }
0x182: {  	[tilespmem:s0], [sflag:$0x1] =	stream.strided.gather [hbm4b:s25+s12], $0x0, s13, s12, $0x38;
	[tilespmem:$0x10400] =	vst v63  }
0x183: {  	_ = 	snop  }
0x184: {  	[tilespmem:s0], [sflag:$0x1] =	stream.linear.gather [hbm4b:s25+s1], $0x20, $0x38;
	[tilespmem:$0x10400] =	vst v63  }
0x185: {  	s18 =	sadd.s32 s5, s18;
	s29 =	sadd.s32 $0x6C0, s19  }
0x186: {  	[tilespmem:s29], [sflag:$0x1] =	stream.strided.gather [hbm4b:s18+s12], $0x0, s13, s12, $0x38;
	[tilespmem:$0x10400] =	vst v63  }
0x187: {  	_ = 	snop  }
0x188: {  	[tilespmem:s29], [sflag:$0x1] =	stream.linear.gather [hbm4b:s18+s1], $0x20, $0x38;
	[tilespmem:$0x10400] =	vst v63  }
0x189: {  	s15 =	sadd.s32 s6, s15;
	s30 =	sadd.s32 $0x6E0, s19  }
0x18a: {  	[tilespmem:s30], [sflag:$0x1] =	stream.strided.gather [hbm4b:s15+s12], $0x0, s13, s12, $0x38;
	[tilespmem:$0x10400] =	vst v63  }
0x18b: {  	_ = 	snop  }
0x18c: {  	[tilespmem:s30], [sflag:$0x1] =	stream.linear.gather [hbm4b:s15+s1], $0x20, $0x38;
	[tilespmem:$0x10400] =	vst v63  }
0x18d: {  	s25 =	sadd.s32 s3, s11;
	s18 =	sadd.s32 $0x700, s19;
	s29 =	rddreg [dreg:$0x9]  }
0x18e: {  	[tilespmem:s18], [sflag:$0x1] =	stream.strided.gather [hbm4b:s25+s12], $0x0, s13, s12, $0x38;
	[tilespmem:$0x10400] =	vst v63  }
0x18f: {  	s0 =	sand.u32 $0x1FFFFFF0, s29  }
0x190: {  	[tilespmem:s18], [sflag:$0x1] =	stream.linear.gather [hbm4b:s25+s1], $0x20, $0x38;
	[tilespmem:$0x10400] =	vst v63  }
0x191: {  	s15 =	sadd.s32 $0x720, s19;
	s30 =	sadd.s32 s4, s0  }
0x192: {  	[tilespmem:s15], [sflag:$0x1] =	stream.strided.gather [hbm4b:s30+s12], $0x0, s13, s12, $0x38;
	[tilespmem:$0x10400] =	vst v63  }
0x193: {  	_ = 	snop  }
0x194: {  	[tilespmem:s15], [sflag:$0x1] =	stream.linear.gather [hbm4b:s30+s1], $0x20, $0x38;
	[tilespmem:$0x10400] =	vst v63  }
0x195: {  	s11 =	sadd.s32 s5, s11;
	s25 =	sadd.s32 $0x740, s19  }
0x196: {  	[tilespmem:s25], [sflag:$0x1] =	stream.strided.gather [hbm4b:s11+s12], $0x0, s13, s12, $0x38;
	[tilespmem:$0x10400] =	vst v63  }
0x197: {  	_ = 	snop  }
0x198: {  	[tilespmem:s25], [sflag:$0x1] =	stream.linear.gather [hbm4b:s11+s1], $0x20, $0x38;
	[tilespmem:$0x10400] =	vst v63  }
0x199: {  	s29 =	sadd.s32 $0x760, s19;
	s0 =	sadd.s32 s6, s0  }
0x19a: {  	[tilespmem:s29], [sflag:$0x1] =	stream.strided.gather [hbm4b:s0+s12], $0x0, s13, s12, $0x38;
	[tilespmem:$0x10400] =	vst v63  }
0x19b: {  	_ = 	snop  }
0x19c: {  	[tilespmem:s29], [sflag:$0x1] =	stream.linear.gather [hbm4b:s0+s1], $0x20, $0x38;
	[tilespmem:$0x10400] =	vst v63  }
0x19d: {  	s18 =	sadd.s32 $0x780, s19;
	s30 =	sadd.s32 s3, s10  }
0x19e: {  	[tilespmem:s18], [sflag:$0x1] =	stream.strided.gather [hbm4b:s30+s12], $0x0, s13, s12, $0x38;
	[tilespmem:$0x10400] =	vst v63  }
0x19f: {  	_ = 	snop  }
0x1a0: {  	[tilespmem:s18], [sflag:$0x1] =	stream.linear.gather [hbm4b:s30+s1], $0x20, $0x38;
	[tilespmem:$0x10400] =	vst v63  }
0x1a1: {  	s25 =	sadd.s32 $0x7A0, s19;
	s29 =	sadd.s32 s4, s14  }
0x1a2: {  	[tilespmem:s25], [sflag:$0x1] =	stream.strided.gather [hbm4b:s29+s12], $0x0, s13, s12, $0x38;
	[tilespmem:$0x10400] =	vst v63  }
0x1a3: {  	_ = 	snop  }
0x1a4: {  	[tilespmem:s25], [sflag:$0x1] =	stream.linear.gather [hbm4b:s29+s1], $0x20, $0x38;
	[tilespmem:$0x10400] =	vst v63  }
0x1a5: {  	s10 =	sadd.s32 s5, s10;
	s30 =	sadd.s32 $0x7C0, s19  }
0x1a6: {  	[tilespmem:s30], [sflag:$0x1] =	stream.strided.gather [hbm4b:s10+s12], $0x0, s13, s12, $0x38;
	[tilespmem:$0x10400] =	vst v63  }
0x1a7: {  	_ = 	snop  }
0x1a8: {  	[tilespmem:s30], [sflag:$0x1] =	stream.linear.gather [hbm4b:s10+s1], $0x20, $0x38;
	[tilespmem:$0x10400] =	vst v63  }
0x1a9: {  	s15 =	sadd.s32 $0x7E0, s19;
	s14 =	sadd.s32 s6, s14  }
0x1aa: {  	[tilespmem:s15], [sflag:$0x1] =	stream.strided.gather [hbm4b:s14+s12], $0x0, s13, s12, $0x38;
	[tilespmem:$0x10400] =	vst v63  }
0x1ab: {  	_ = 	snop  }
0x1ac: {  	[tilespmem:s15], [sflag:$0x1] =	stream.linear.gather [hbm4b:s14+s1], $0x20, $0x38;
	[tilespmem:$0x10400] =	vst v63  }
0x1ad: {  	s18 =	sadd.s32 $0x800, s19;
	s25 =	sadd.s32 s3, s2  }
0x1ae: {  	[tilespmem:s18], [sflag:$0x1] =	stream.strided.gather [hbm4b:s25+s12], $0x0, s13, s12, $0x38;
	[tilespmem:$0x10400] =	vst v63  }
0x1af: {  	_ = 	snop  }
0x1b0: {  	[tilespmem:s18], [sflag:$0x1] =	stream.linear.gather [hbm4b:s25+s1], $0x20, $0x38;
	[tilespmem:$0x10400] =	vst v63  }
0x1b1: {  	s29 =	sadd.s32 $0x820, s19;
	s30 =	sadd.s32 s4, s8  }
0x1b2: {  	[tilespmem:s29], [sflag:$0x1] =	stream.strided.gather [hbm4b:s30+s12], $0x0, s13, s12, $0x38;
	[tilespmem:$0x10400] =	vst v63  }
0x1b3: {  	_ = 	snop  }
0x1b4: {  	[tilespmem:s29], [sflag:$0x1] =	stream.linear.gather [hbm4b:s30+s1], $0x20, $0x38;
	[tilespmem:$0x10400] =	vst v63  }
0x1b5: {  	s2 =	sadd.s32 s5, s2;
	s15 =	sadd.s32 $0x840, s19  }
0x1b6: {  	[tilespmem:s15], [sflag:$0x1] =	stream.strided.gather [hbm4b:s2+s12], $0x0, s13, s12, $0x38;
	[tilespmem:$0x10400] =	vst v63  }
0x1b7: {  	_ = 	snop  }
0x1b8: {  	[tilespmem:s15], [sflag:$0x1] =	stream.linear.gather [hbm4b:s2+s1], $0x20, $0x38;
	[tilespmem:$0x10400] =	vst v63  }
0x1b9: {  	s8 =	sadd.s32 s6, s8;
	s18 =	sadd.s32 $0x860, s19;
	s25 =	rddreg [dreg:$0x8]  }
0x1ba: {  	[tilespmem:s18], [sflag:$0x1] =	stream.strided.gather [hbm4b:s8+s12], $0x0, s13, s12, $0x38;
	[tilespmem:$0x10400] =	vst v63  }
0x1bb: {  	s2 =	sand.u32 $0x1FFFFFF0, s25  }
0x1bc: {  	[tilespmem:s18], [sflag:$0x1] =	stream.linear.gather [hbm4b:s8+s1], $0x20, $0x38;
	[tilespmem:$0x10400] =	vst v63  }
0x1bd: {  	s29 =	sadd.s32 $0x880, s19;
	s30 =	sadd.s32 s3, s2;
	s8 =	rddreg [dreg:$0x7]  }
0x1be: {  	[tilespmem:s29], [sflag:$0x1] =	stream.strided.gather [hbm4b:s30+s12], $0x0, s13, s12, $0x38;
	[tilespmem:$0x10400] =	vst v63  }
0x1bf: {  	s0 =	sand.u32 $0x1FFFFFF0, s8  }
0x1c0: {  	[tilespmem:s29], [sflag:$0x1] =	stream.linear.gather [hbm4b:s30+s1], $0x20, $0x38;
	[tilespmem:$0x10400] =	vst v63  }
0x1c1: {  	s14 =	sadd.s32 $0x8A0, s19;
	s15 =	sadd.s32 s4, s0  }
0x1c2: {  	[tilespmem:s14], [sflag:$0x1] =	stream.strided.gather [hbm4b:s15+s12], $0x0, s13, s12, $0x38;
	[tilespmem:$0x10400] =	vst v63  }
0x1c3: {  	_ = 	snop  }
0x1c4: {  	[tilespmem:s14], [sflag:$0x1] =	stream.linear.gather [hbm4b:s15+s1], $0x20, $0x38;
	[tilespmem:$0x10400] =	vst v63  }
0x1c5: {  	s2 =	sadd.s32 s5, s2;
	s18 =	sadd.s32 $0x8C0, s19  }
0x1c6: {  	[tilespmem:s18], [sflag:$0x1] =	stream.strided.gather [hbm4b:s2+s12], $0x0, s13, s12, $0x38;
	[tilespmem:$0x10400] =	vst v63  }
0x1c7: {  	_ = 	snop  }
0x1c8: {  	[tilespmem:s18], [sflag:$0x1] =	stream.linear.gather [hbm4b:s2+s1], $0x20, $0x38;
	[tilespmem:$0x10400] =	vst v63  }
0x1c9: {  	s25 =	sadd.s32 $0x8E0, s19;
	s0 =	sadd.s32 s6, s0  }
0x1ca: {  	[tilespmem:s25], [sflag:$0x1] =	stream.strided.gather [hbm4b:s0+s12], $0x0, s13, s12, $0x38;
	[tilespmem:$0x10400] =	vst v63  }
0x1cb: {  	_ = 	snop  }
0x1cc: {  	[tilespmem:s25], [sflag:$0x1] =	stream.linear.gather [hbm4b:s0+s1], $0x20, $0x38;
	[tilespmem:$0x10400] =	vst v63  }
0x1cd: {  	s29 =	sadd.s32 $0x900, s19;
	s30 =	sadd.s32 s3, s31  }
0x1ce: {  	[tilespmem:s29], [sflag:$0x1] =	stream.strided.gather [hbm4b:s30+s12], $0x0, s13, s12, $0x38;
	[tilespmem:$0x10400] =	vst v63  }
0x1cf: {  	_ = 	snop  }
0x1d0: {  	[tilespmem:s29], [sflag:$0x1] =	stream.linear.gather [hbm4b:s30+s1], $0x20, $0x38;
	[tilespmem:$0x10400] =	vst v63  }
0x1d1: {  	s11 =	sadd.s32 $0x920, s19;
	s14 =	sadd.s32 s4, s9  }
0x1d2: {  	[tilespmem:s11], [sflag:$0x1] =	stream.strided.gather [hbm4b:s14+s12], $0x0, s13, s12, $0x38;
	[tilespmem:$0x10400] =	vst v63  }
0x1d3: {  	_ = 	snop  }
0x1d4: {  	[tilespmem:s11], [sflag:$0x1] =	stream.linear.gather [hbm4b:s14+s1], $0x20, $0x38;
	[tilespmem:$0x10400] =	vst v63  }
0x1d5: {  	s15 =	sadd.s32 $0x940, s19;
	s18 =	sadd.s32 s5, s31  }
0x1d6: {  	[tilespmem:s15], [sflag:$0x1] =	stream.strided.gather [hbm4b:s18+s12], $0x0, s13, s12, $0x38;
	[tilespmem:$0x10400] =	vst v63  }
0x1d7: {  	_ = 	snop  }
0x1d8: {  	[tilespmem:s15], [sflag:$0x1] =	stream.linear.gather [hbm4b:s18+s1], $0x20, $0x38;
	[tilespmem:$0x10400] =	vst v63  }
0x1d9: {  	s25 =	sadd.s32 $0x960, s19;
	s29 =	sadd.s32 s6, s9  }
0x1da: {  	[tilespmem:s25], [sflag:$0x1] =	stream.strided.gather [hbm4b:s29+s12], $0x0, s13, s12, $0x38;
	[tilespmem:$0x10400] =	vst v63  }
0x1db: {  	_ = 	snop  }
0x1dc: {  	[tilespmem:s25], [sflag:$0x1] =	stream.linear.gather [hbm4b:s29+s1], $0x20, $0x38;
	[tilespmem:$0x10400] =	vst v63  }
0x1dd: {  	s31 =	sadd.s32 s3, s16;
	s30 =	sadd.s32 $0x980, s19  }
0x1de: {  	[tilespmem:s30], [sflag:$0x1] =	stream.strided.gather [hbm4b:s31+s12], $0x0, s13, s12, $0x38;
	[tilespmem:$0x10400] =	vst v63  }
0x1df: {  	_ = 	snop  }
0x1e0: {  	[tilespmem:s30], [sflag:$0x1] =	stream.linear.gather [hbm4b:s31+s1], $0x20, $0x38;
	[tilespmem:$0x10400] =	vst v63  }
0x1e1: {  	s8 =	sadd.s32 $0x9A0, s19;
	s11 =	sadd.s32 s4, s28  }
0x1e2: {  	[tilespmem:s8], [sflag:$0x1] =	stream.strided.gather [hbm4b:s11+s12], $0x0, s13, s12, $0x38;
	[tilespmem:$0x10400] =	vst v63  }
0x1e3: {  	_ = 	snop  }
0x1e4: {  	[tilespmem:s8], [sflag:$0x1] =	stream.linear.gather [hbm4b:s11+s1], $0x20, $0x38;
	[tilespmem:$0x10400] =	vst v63  }
0x1e5: {  	s14 =	sadd.s32 $0x9C0, s19;
	s15 =	sadd.s32 s5, s16  }
0x1e6: {  	[tilespmem:s14], [sflag:$0x1] =	stream.strided.gather [hbm4b:s15+s12], $0x0, s13, s12, $0x38;
	[tilespmem:$0x10400] =	vst v63  }
0x1e7: {  	_ = 	snop  }
0x1e8: {  	[tilespmem:s14], [sflag:$0x1] =	stream.linear.gather [hbm4b:s15+s1], $0x20, $0x38;
	[tilespmem:$0x10400] =	vst v63  }
0x1e9: {  	s16 =	sadd.s32 $0x9E0, s19;
	s18 =	sadd.s32 s6, s28  }
0x1ea: {  	[tilespmem:s16], [sflag:$0x1] =	stream.strided.gather [hbm4b:s18+s12], $0x0, s13, s12, $0x38;
	[tilespmem:$0x10400] =	vst v63  }
0x1eb: {  	s28 =	rddreg [dreg:$0x6]  }
0x1ec: {  	[tilespmem:s16], [sflag:$0x1] =	stream.linear.gather [hbm4b:s18+s1], $0x20, $0x38;
	[tilespmem:$0x10400] =	vst v63  }
0x1ed: {  	s25 =	sadd.s32 $0xA00, s19;
	s29 =	sadd.s32 s3, s28  }
0x1ee: {  	[tilespmem:s25], [sflag:$0x1] =	stream.strided.gather [hbm4b:s29+s12], $0x0, s13, s12, $0x38;
	[tilespmem:$0x10400] =	vst v63  }
0x1ef: {  	_ = 	snop  }
0x1f0: {  	[tilespmem:s25], [sflag:$0x1] =	stream.linear.gather [hbm4b:s29+s1], $0x20, $0x38;
	[tilespmem:$0x10400] =	vst v63  }
0x1f1: {  	s30 =	sadd.s32 $0xA20, s19;
	s31 =	sadd.s32 s4, s26  }
0x1f2: {  	[tilespmem:s30], [sflag:$0x1] =	stream.strided.gather [hbm4b:s31+s12], $0x0, s13, s12, $0x38;
	[tilespmem:$0x10400] =	vst v63  }
0x1f3: {  	_ = 	snop  }
0x1f4: {  	[tilespmem:s30], [sflag:$0x1] =	stream.linear.gather [hbm4b:s31+s1], $0x20, $0x38;
	[tilespmem:$0x10400] =	vst v63  }
0x1f5: {  	s9 =	sadd.s32 $0xA40, s19;
	s14 =	sadd.s32 s5, s28  }
0x1f6: {  	[tilespmem:s9], [sflag:$0x1] =	stream.strided.gather [hbm4b:s14+s12], $0x0, s13, s12, $0x38;
	[tilespmem:$0x10400] =	vst v63  }
0x1f7: {  	_ = 	snop  }
0x1f8: {  	[tilespmem:s9], [sflag:$0x1] =	stream.linear.gather [hbm4b:s14+s1], $0x20, $0x38;
	[tilespmem:$0x10400] =	vst v63  }
0x1f9: {  	s15 =	sadd.s32 $0xA60, s19;
	s16 =	sadd.s32 s6, s26  }
0x1fa: {  	[tilespmem:s15], [sflag:$0x1] =	stream.strided.gather [hbm4b:s16+s12], $0x0, s13, s12, $0x38;
	[tilespmem:$0x10400] =	vst v63  }
0x1fb: {  	_ = 	snop  }
0x1fc: {  	[tilespmem:s15], [sflag:$0x1] =	stream.linear.gather [hbm4b:s16+s1], $0x20, $0x38;
	[tilespmem:$0x10400] =	vst v63  }
0x1fd: {  	s18 =	sadd.s32 $0xA80, s19;
	s25 =	sadd.s32 s3, s7  }
0x1fe: {  	[tilespmem:s18], [sflag:$0x1] =	stream.strided.gather [hbm4b:s25+s12], $0x0, s13, s12, $0x38;
	[tilespmem:$0x10400] =	vst v63  }
0x1ff: {  	_ = 	snop  }
0x200: {  	[tilespmem:s18], [sflag:$0x1] =	stream.linear.gather [hbm4b:s25+s1], $0x20, $0x38;
	[tilespmem:$0x10400] =	vst v63  }
0x201: {  	s28 =	sadd.s32 s4, s24;
	s26 =	sadd.s32 $0xAA0, s19  }
0x202: {  	[tilespmem:s26], [sflag:$0x1] =	stream.strided.gather [hbm4b:s28+s12], $0x0, s13, s12, $0x38;
	[tilespmem:$0x10400] =	vst v63  }
0x203: {  	_ = 	snop  }
0x204: {  	[tilespmem:s26], [sflag:$0x1] =	stream.linear.gather [hbm4b:s28+s1], $0x20, $0x38;
	[tilespmem:$0x10400] =	vst v63  }
0x205: {  	s29 =	sadd.s32 $0xAC0, s19;
	s7 =	sadd.s32 s5, s7  }
0x206: {  	[tilespmem:s29], [sflag:$0x1] =	stream.strided.gather [hbm4b:s7+s12], $0x0, s13, s12, $0x38;
	[tilespmem:$0x10400] =	vst v63  }
0x207: {  	_ = 	snop  }
0x208: {  	[tilespmem:s29], [sflag:$0x1] =	stream.linear.gather [hbm4b:s7+s1], $0x20, $0x38;
	[tilespmem:$0x10400] =	vst v63  }
0x209: {  	s30 =	sadd.s32 $0xAE0, s19;
	s31 =	sadd.s32 s6, s24  }
0x20a: {  	[tilespmem:s30], [sflag:$0x1] =	stream.strided.gather [hbm4b:s31+s12], $0x0, s13, s12, $0x38;
	[tilespmem:$0x10400] =	vst v63  }
0x20b: {  	_ = 	snop  }
0x20c: {  	[tilespmem:s30], [sflag:$0x1] =	stream.linear.gather [hbm4b:s31+s1], $0x20, $0x38;
	[tilespmem:$0x10400] =	vst v63  }
0x20d: {  	s11 =	sadd.s32 s3, s22;
	s9 =	sadd.s32 $0xB00, s19  }
0x20e: {  	[tilespmem:s9], [sflag:$0x1] =	stream.strided.gather [hbm4b:s11+s12], $0x0, s13, s12, $0x38;
	[tilespmem:$0x10400] =	vst v63  }
0x20f: {  	_ = 	snop  }
0x210: {  	[tilespmem:s9], [sflag:$0x1] =	stream.linear.gather [hbm4b:s11+s1], $0x20, $0x38;
	[tilespmem:$0x10400] =	vst v63  }
0x211: {  	s14 =	sadd.s32 $0xB20, s19;
	s15 =	sadd.s32 s4, s23  }
0x212: {  	[tilespmem:s14], [sflag:$0x1] =	stream.strided.gather [hbm4b:s15+s12], $0x0, s13, s12, $0x38;
	[tilespmem:$0x10400] =	vst v63  }
0x213: {  	_ = 	snop  }
0x214: {  	[tilespmem:s14], [sflag:$0x1] =	stream.linear.gather [hbm4b:s15+s1], $0x20, $0x38;
	[tilespmem:$0x10400] =	vst v63  }
0x215: {  	s16 =	sadd.s32 $0xB40, s19;
	s18 =	sadd.s32 s5, s22  }
0x216: {  	[tilespmem:s16], [sflag:$0x1] =	stream.strided.gather [hbm4b:s18+s12], $0x0, s13, s12, $0x38;
	[tilespmem:$0x10400] =	vst v63  }
0x217: {  	_ = 	snop  }
0x218: {  	[tilespmem:s16], [sflag:$0x1] =	stream.linear.gather [hbm4b:s18+s1], $0x20, $0x38;
	[tilespmem:$0x10400] =	vst v63  }
0x219: {  	s24 =	sadd.s32 s6, s23;
	s22 =	sadd.s32 $0xB60, s19  }
0x21a: {  	[tilespmem:s22], [sflag:$0x1] =	stream.strided.gather [hbm4b:s24+s12], $0x0, s13, s12, $0x38;
	[tilespmem:$0x10400] =	vst v63  }
0x21b: {  	_ = 	snop  }
0x21c: {  	[tilespmem:s22], [sflag:$0x1] =	stream.linear.gather [hbm4b:s24+s1], $0x20, $0x38;
	[tilespmem:$0x10400] =	vst v63  }
0x21d: {  	s25 =	sadd.s32 $0xB80, s19;
	s26 =	sadd.s32 s3, s21  }
0x21e: {  	[tilespmem:s25], [sflag:$0x1] =	stream.strided.gather [hbm4b:s26+s12], $0x0, s13, s12, $0x38;
	[tilespmem:$0x10400] =	vst v63  }
0x21f: {  	_ = 	snop  }
0x220: {  	[tilespmem:s25], [sflag:$0x1] =	stream.linear.gather [hbm4b:s26+s1], $0x20, $0x38;
	[tilespmem:$0x10400] =	vst v63  }
0x221: {  	s28 =	sadd.s32 $0xBA0, s19;
	s29 =	sadd.s32 s4, s20  }
0x222: {  	[tilespmem:s28], [sflag:$0x1] =	stream.strided.gather [hbm4b:s29+s12], $0x0, s13, s12, $0x38;
	[tilespmem:$0x10400] =	vst v63  }
0x223: {  	_ = 	snop  }
0x224: {  	[tilespmem:s28], [sflag:$0x1] =	stream.linear.gather [hbm4b:s29+s1], $0x20, $0x38;
	[tilespmem:$0x10400] =	vst v63  }
0x225: {  	p0 =	sne.s32 s17, $0x3E000;
	s30 =	sadd.s32 $0xBC0, s19;
	s31 =	sadd.s32 s5, s21  }
0x226: {  	[tilespmem:s30], [sflag:$0x1] =	stream.strided.gather [hbm4b:s31+s12], $0x0, s13, s12, $0x38;
	[tilespmem:$0x10400] =	vst v63  }
.Ltmp0:
0x227: {  	_ = 	snop;
	(pc) =	sbr.rel @p0 .LBB2_2-.Ltmp0, $4  }
0x228: {  	s17 =	sadd.s32 $0x2000, s17;
	s10 =	rddreg [dreg:$0x4]  }
0x229: {  	[tilespmem:s30], [sflag:$0x1] =	stream.linear.gather [hbm4b:s31+s1], $0x20, $0x38;
	[tilespmem:$0x10400] =	vst v63  }
0x22a: {  	s2 =	sadd.s32 s6, s20;
	s0 =	sadd.s32 $0xBE0, s19;
	s7 =	rddreg [dreg:$0x5]  }
0x22b: {  	[tilespmem:s0], [sflag:$0x1] =	stream.strided.gather [hbm4b:s2+s12], $0x0, s13, s12, $0x38;
	[tilespmem:$0x10400] =	vst v63  }
0x22c: {  	[tilespmem:s0], [sflag:$0x1] =	stream.linear.gather [hbm4b:s2+s1], $0x20, $0x38;
	[tilespmem:$0x10400] =	vst v63  }
0x22d: {  	s29 =	simm.s32 $0x1  }
0x22e: {  	_ =	swait.ge [sflag:s29], $0x10000  }
0x22f: {  	[sflag:s29] =	ssyncset.done $0x0  }
0x230: {  	s2 =	simm.s32 $0x2;
	s30 =	rddreg [dreg:$0xc];
	[sflag:s29] =	ssyncadd.s32 $0xFFFF0000  }
0x231: {  	[hbm4b:s30+s1] =	stream.linear.scatter [tilespmem:s13], [sflag:$0x2], $0x10000, $0x38;
	[tilespmem:$0x10400] =	vst v63  }
0x232: {  	_ =	swait.ge [sflag:s2], $0x10000  }
0x233: {  	s7 =	rddreg [dreg:$0xe]  }
0x234: {  	s31 =	rddreg [dreg:$0xd];
	s7 =	sadd.s32 $0x1, s7  }
0x235: {  	p0 =	sne.s32 s7, s31  }
.Ltmp1:
0x236: {  	_ = 	snop;
	(pc) =	sbr.rel @p0 .LBB2_1-.Ltmp1, $3  }
0x237: {  	_ =	sdelay $0x1  }
0x238: {  	[sflag:s2] =	ssyncset.done $0x0  }
0x239: {  	[sflag:s2] =	ssyncadd.s32 $0xFFFF0000  }
0x23a: {  	_ =	sfence.sel $0x180000  }
0x23b: {  	[bflag:$0x0] =	sbarrier.arrive $0xFFFF  }
0x23c: {  	_ =	strace $0x90000047  }
0x23d: {  	s0 =	stileid.u32;
	[bflag:$0x2] =	sbarrier.arrive $0xFFFF  }
0x23e: {  	p0 =	sne.s32 s0, $0x0;
	s0 =	rddreg [dreg:$0x3]  }
0x23f: {  	s0 =	sadd.s32 @!p0 $0x100000, s0  }
0x240: {  	[sflag:s0] =	ssyncadd.tile.s32 @!p0 $0x1;
	_ =	shalt  }
.Lfunc_end2:
_tile_overlayer_lowered:
.L_overlay_start_2:
0x241: {  	(tag) =	ssettag $0x2  }
0x242: {  	s0 =	rddreg [dreg:$0x0];
	s2 =	stileid.u32  }
0x243: {  	s1 =	rddreg [dreg:$0x1];
	p0 =	sne.s32 s2, $0x0  }
0x244: {  	s3 =	rddreg [dreg:$0x2];
	[bflag:$0x3] =	sbarrier.arrive $0xFFFF;
	s2 =	simm.s32 @!p0 $0x1C02  }
0x245: {  	[timem:s3], [sflag:s2] =	dma.local @!p0 [hbm:s0], s1  }
0x246: {  	s0 =	simm.s32 @!p0 $0x2  }
0x247: {  	_ =	swait.ge @!p0 [sflag:s0], s1  }
0x248: {  	s1 =	ssub.s32 @!p0 $0x0, s1;
	[sflag:s0] =	ssyncset.done @!p0 $0x0  }
0x249: {  	[sflag:s0] =	ssyncadd.s32 @!p0 s1  }
0x24a: {  	[bflag:$0x3] =	sbarrier.arrive $0xFFFF  }
0x24b: {  	_ =	shalt  }

</sc_bundles>
